<compile_context>
chip_gen: v7x
topology: tpu7x:2x2x1
jax: 0.10.2.dev20260603
libtpu: 0.0.44.dev20260713+nightly
codegen_flags: <defaults>
</compile_context>

<pallas_src>
import functools

import jax
import jax.numpy as jnp
from jax import lax
from jax.experimental import pallas as pl
from jax.experimental.pallas import tpu as pltpu
from jax.experimental.pallas import tpu_sc as plsc

_NV = 1000
_NF = 26
_CD = 32
_B = 1024
_NW = 32
_RPW = _B // _NW
_ROWSTRIDE = _NF * (_NV + 1)


def _sc_body(x_t, i_t, s_t, w_hbm, b_hbm, wm_hbm, bv_hbm,
             xT_v, iT_v, sT_v, idx_v, ipos_v, rows_v, wm_v, bv_v, sem):
    wid = lax.axis_index("s") * 2 + lax.axis_index("c")
    base = wid * _RPW

    pltpu.sync_copy(x_t.at[:, pl.ds(base, _RPW)], xT_v)
    pltpu.sync_copy(i_t.at[:, pl.ds(base, _RPW)], iT_v)
    pltpu.sync_copy(s_t.at[:, pl.ds(base, _RPW)], sT_v)

    for g in range(_RPW // 16):
        sl = pl.ds(g * 16, 16)
        best_v = iT_v[0, sl]
        best_i = jnp.zeros((16,), jnp.int32)
        for k in range(1, _NF):
            v = iT_v[k, sl]
            m = v > best_v
            best_i = jnp.where(m, jnp.full((16,), k, jnp.int32), best_i)
            best_v = jnp.where(m, v, best_v)
        ipos_v[pl.ds(g * 16, 16)] = best_i
        ibase = best_i * _ROWSTRIDE
        for k in range(_NF):
            xv = xT_v[k, sl]
            sv = sT_v[k, sl]
            col = xv * sv + (1 - sv) * _NV
            idx_v[k, pl.ds(g * 16, 16)] = ibase + k * (_NV + 1) + col

    copies = [pltpu.async_copy(w_hbm.at[idx_v.at[k]], rows_v.at[k], sem)
              for k in range(_NF)]
    bcopy = pltpu.async_copy(b_hbm.at[ipos_v], bv_v, sem)
    for cp in copies:
        cp.wait()
    bcopy.wait()

    inv = jnp.float32(1.0 / _NF)

    @pl.loop(0, _RPW)
    def _(r):
        acc0 = jnp.zeros((16,), jnp.float32)
        acc1 = jnp.zeros((16,), jnp.float32)
        for k in range(_NF):
            acc0 = acc0 + rows_v[k, r, pl.ds(0, 16)]
            acc1 = acc1 + rows_v[k, r, pl.ds(16, 16)]
        wm_v[r, pl.ds(0, 16)] = acc0 * inv
        wm_v[r, pl.ds(16, 16)] = acc1 * inv

    pltpu.sync_copy(wm_v, wm_hbm.at[pl.ds(base, _RPW)])
    pltpu.sync_copy(bv_v, bv_hbm.at[pl.ds(base, _RPW)])


_sc_call_cache = []


def _sc_call(*argv):
    if not _sc_call_cache:
        _sc_call_cache.append(functools.partial(
            pl.kernel,
            out_type=(
                jax.ShapeDtypeStruct((_B, _CD), jnp.float32),
                jax.ShapeDtypeStruct((_B, _CD), jnp.float32),
            ),
            mesh=plsc.VectorSubcoreMesh(core_axis_name="c",
                                        subcore_axis_name="s"),
            compiler_params=pltpu.CompilerParams(needs_layout_passes=False,
                                                 use_tc_tiling_on_sc=False),
            scratch_types=[
                pltpu.VMEM((_NF, _RPW), jnp.int32),
                pltpu.VMEM((_NF, _RPW), jnp.float32),
                pltpu.VMEM((_NF, _RPW), jnp.int32),
                pltpu.VMEM((_NF, _RPW), jnp.int32),
                pltpu.VMEM((_RPW,), jnp.int32),
                pltpu.VMEM((_NF, _RPW, _CD), jnp.float32),
                pltpu.VMEM((_RPW, _CD), jnp.float32),
                pltpu.VMEM((_RPW, _CD), jnp.float32),
                pltpu.SemaphoreType.DMA,
            ],
        )(_sc_body))
    return _sc_call_cache[0](*argv)


def _tc_body(wm_ref, bv_ref, out_ref):
    out_ref[...] = wm_ref[...][None, :, :] + bv_ref[...][:, :, None]


_BI = 16


def _tc_call(wmT, bv):
    return pl.pallas_call(
        _tc_body,
        grid=(_B // _BI,),
        in_specs=[
            pl.BlockSpec((_CD, _B), lambda i: (0, 0)),
            pl.BlockSpec((_BI, _CD), lambda i: (i, 0)),
        ],
        out_specs=pl.BlockSpec((_BI, _CD, _B), lambda i: (i, 0, 0)),
        out_shape=jax.ShapeDtypeStruct((_B, _CD, _B), jnp.float32),
    )(wmT, bv)


@jax.jit
def kernel(X, I, S, weights, bias):
    X = X.astype(jnp.int32)
    S = S.astype(jnp.int32)
    wm, bv = _sc_call(X.T, I.T, S.T, weights, bias)
    out_t = _tc_call(wm.T, bv)
    return out_t.transpose(0, 2, 1)

# --- scband reference (transcript-rebuilt; emitter-appended) ---
"""Pipeline reference for scband-linear-context-35244501631509 (READ-ONLY COPY).

The authoritative reference and input builder live on the scoring server;
editing this copy changes nothing except your own understanding.
"""

import jax, jax.numpy as jnp
import numpy as np

N_VOCAB = 1000
N_FEATURES = 26
CONTEXT_DIM = 32
BATCH = 1024


def setup_inputs(seed: int = 0) -> dict:
    key = jax.random.key(seed)
    k1, k2, k3, k4, k5 = jax.random.split(key, 5)
    X = jax.random.randint(k1, (BATCH, N_FEATURES), 0, N_VOCAB)
    I = jax.random.normal(k2, (BATCH, N_FEATURES), dtype=jnp.float32)
    S = jax.random.randint(k3, (BATCH, N_FEATURES), 0, 2)
    n_rows = (N_VOCAB + 1) * N_FEATURES * N_FEATURES
    weights = jax.random.normal(k4, (n_rows, CONTEXT_DIM), dtype=jnp.float32) * 0.02
    bias = jax.random.normal(k5, (N_FEATURES, CONTEXT_DIM), dtype=jnp.float32) * 0.02
    return {"X": X, "I": I, "S": S, "weights": weights, "bias": bias}


def reference(X, I, S, weights, bias):
    # Ipos: argmax over last dim of I -> [B, 1]
    Ipos = jnp.argmax(I, axis=-1)[:, None]
    # Jpos: feature positions -> [1, n_features]
    Jpos = jnp.arange(N_FEATURES)[None, :]
    # Flattened index into the big embedding table, [B, n_features]
    Xt = (Ipos * N_FEATURES * (N_VOCAB + 1)
          + Jpos * (N_VOCAB + 1)
          + X * S + (1 - S) * N_VOCAB)
    # Embedding gather: [B, n_features, context_dim]
    w = jnp.take(weights, Xt, axis=0)
    # Bias gather: [B, 1, context_dim]
    b = jnp.take(bias, Ipos, axis=0)
    # NOTE: faithful to torch broadcasting:
    # [B, C] + [B, 1, C] -> [B, B, C]
    return w.mean(axis=1) + b

if __name__ == "__main__":
    import jax
    _d = setup_inputs()
    print(jax.jit(kernel)(*tuple(_d.values())))

</pallas_src>

<mosaic_0001>
#map = affine_map<(d0, d1) -> (0, 0)>
module attributes {stable_mosaic.version = 14 : i64} {
  func.func @_sc_body(%arg0: i32, %arg1: i32, %arg2: memref<26x1024xi32, #tpu.memory_space<hbm>>, %arg3: memref<26x1024xf32, #tpu.memory_space<hbm>>, %arg4: memref<26x1024xi32, #tpu.memory_space<hbm>>, %arg5: memref<676676x32xf32, #tpu.memory_space<hbm>>, %arg6: memref<26x32xf32, #tpu.memory_space<hbm>>, %arg7: memref<1024x32xf32, #tpu.memory_space<hbm>>, %arg8: memref<1024x32xf32, #tpu.memory_space<hbm>>, %arg9: memref<26x32xi32, #tpu.memory_space<vmem>>, %arg10: memref<26x32xf32, #tpu.memory_space<vmem>>, %arg11: memref<26x32xi32, #tpu.memory_space<vmem>>, %arg12: memref<26x32xi32, #tpu.memory_space<vmem>>, %arg13: memref<32xi32, #tpu.memory_space<vmem>>, %arg14: memref<26x32x32xf32, #tpu.memory_space<vmem>>, %arg15: memref<32x32xf32, #tpu.memory_space<vmem>>, %arg16: memref<32x32xf32, #tpu.memory_space<vmem>>, %arg17: memref<!tpu.dma_semaphore, #tpu.memory_space<semaphore_mem>>) attributes {dimension_semantics = [#tpu.dimension_semantics<core_parallel>, #tpu.dimension_semantics<subcore_parallel>], iteration_bounds = array<i64: 2, 16>, scalar_prefetch = 0 : i64, scratch_operands = 9 : i64, tpu.core_type = #tpu.core_type<sc_vector_subcore>, window_params = [{transform_indices = #map}, {transform_indices = #map}, {transform_indices = #map}, {transform_indices = #map}, {transform_indices = #map}, {transform_indices = #map}, {transform_indices = #map}]} {
    %mul3A = arith.constant 2 : i32
    %mul3A_0 = arith.muli %arg1, %mul3A : i32
    %add3A = arith.addi %mul3A_0, %arg0 : i32
    %mul3A_1 = arith.constant 32 : i32
    %mul3A_2 = arith.muli %add3A, %mul3A_1 : i32
    "tpu.region"() ({
      %run_scoped3A = tpu.sem_alloc : memref<!tpu.dma_semaphore, #tpu.memory_space<semaphore_mem>>
      %dma_start3A_2350 = arith.constant 0 : i32
      %dma_start3A_2351 = tpu.memref_slice %arg2[%dma_start3A_2350, %mul3A_2] : memref<26x1024xi32, #tpu.memory_space<hbm>> -> memref<26x32xi32, #tpu.memory_space<hbm>>
      %dma_start3A_2352 = arith.constant 0 : i32
      %dma_start3A_2353 = tpu.memref_slice %arg2[%dma_start3A_2352, %mul3A_2] : memref<26x1024xi32, #tpu.memory_space<hbm>> -> memref<26x32xi32, #tpu.memory_space<hbm>>
      tpu.enqueue_dma source(%dma_start3A_2353 : memref<26x32xi32, #tpu.memory_space<hbm>>) target(%arg9 : memref<26x32xi32, #tpu.memory_space<vmem>>) target_semaphore(%run_scoped3A : memref<!tpu.dma_semaphore, #tpu.memory_space<semaphore_mem>>)
      %dma_wait3A_2354 = arith.constant 0 : i32
      %dma_wait3A_2355 = tpu.memref_slice %arg2[%dma_wait3A_2354, %mul3A_2] : memref<26x1024xi32, #tpu.memory_space<hbm>> -> memref<26x32xi32, #tpu.memory_space<hbm>>
      %dma_wait3A_2356 = arith.constant 0 : i32
      %dma_wait3A_2357 = tpu.memref_slice %arg2[%dma_wait3A_2356, %mul3A_2] : memref<26x1024xi32, #tpu.memory_space<hbm>> -> memref<26x32xi32, #tpu.memory_space<hbm>>
      tpu.wait_dma2 semaphore(%run_scoped3A : memref<!tpu.dma_semaphore, #tpu.memory_space<semaphore_mem>>) src(%dma_wait3A_2357 : memref<26x32xi32, #tpu.memory_space<hbm>>) dst(%arg9 : memref<26x32xi32, #tpu.memory_space<vmem>>)
      tpu.yield
    }) : () -> ()
    "tpu.region"() ({
      %run_scoped3A = tpu.sem_alloc : memref<!tpu.dma_semaphore, #tpu.memory_space<semaphore_mem>>
      %dma_start3A_2350 = arith.constant 0 : i32
      %dma_start3A_2351 = tpu.memref_slice %arg3[%dma_start3A_2350, %mul3A_2] : memref<26x1024xf32, #tpu.memory_space<hbm>> -> memref<26x32xf32, #tpu.memory_space<hbm>>
      %dma_start3A_2352 = arith.constant 0 : i32
      %dma_start3A_2353 = tpu.memref_slice %arg3[%dma_start3A_2352, %mul3A_2] : memref<26x1024xf32, #tpu.memory_space<hbm>> -> memref<26x32xf32, #tpu.memory_space<hbm>>
      tpu.enqueue_dma source(%dma_start3A_2353 : memref<26x32xf32, #tpu.memory_space<hbm>>) target(%arg10 : memref<26x32xf32, #tpu.memory_space<vmem>>) target_semaphore(%run_scoped3A : memref<!tpu.dma_semaphore, #tpu.memory_space<semaphore_mem>>)
      %dma_wait3A_2354 = arith.constant 0 : i32
      %dma_wait3A_2355 = tpu.memref_slice %arg3[%dma_wait3A_2354, %mul3A_2] : memref<26x1024xf32, #tpu.memory_space<hbm>> -> memref<26x32xf32, #tpu.memory_space<hbm>>
      %dma_wait3A_2356 = arith.constant 0 : i32
      %dma_wait3A_2357 = tpu.memref_slice %arg3[%dma_wait3A_2356, %mul3A_2] : memref<26x1024xf32, #tpu.memory_space<hbm>> -> memref<26x32xf32, #tpu.memory_space<hbm>>
      tpu.wait_dma2 semaphore(%run_scoped3A : memref<!tpu.dma_semaphore, #tpu.memory_space<semaphore_mem>>) src(%dma_wait3A_2357 : memref<26x32xf32, #tpu.memory_space<hbm>>) dst(%arg10 : memref<26x32xf32, #tpu.memory_space<vmem>>)
      tpu.yield
    }) : () -> ()
    "tpu.region"() ({
      %run_scoped3A = tpu.sem_alloc : memref<!tpu.dma_semaphore, #tpu.memory_space<semaphore_mem>>
      %dma_start3A_2350 = arith.constant 0 : i32
      %dma_start3A_2351 = tpu.memref_slice %arg4[%dma_start3A_2350, %mul3A_2] : memref<26x1024xi32, #tpu.memory_space<hbm>> -> memref<26x32xi32, #tpu.memory_space<hbm>>
      %dma_start3A_2352 = arith.constant 0 : i32
      %dma_start3A_2353 = tpu.memref_slice %arg4[%dma_start3A_2352, %mul3A_2] : memref<26x1024xi32, #tpu.memory_space<hbm>> -> memref<26x32xi32, #tpu.memory_space<hbm>>
      tpu.enqueue_dma source(%dma_start3A_2353 : memref<26x32xi32, #tpu.memory_space<hbm>>) target(%arg11 : memref<26x32xi32, #tpu.memory_space<vmem>>) target_semaphore(%run_scoped3A : memref<!tpu.dma_semaphore, #tpu.memory_space<semaphore_mem>>)
      %dma_wait3A_2354 = arith.constant 0 : i32
      %dma_wait3A_2355 = tpu.memref_slice %arg4[%dma_wait3A_2354, %mul3A_2] : memref<26x1024xi32, #tpu.memory_space<hbm>> -> memref<26x32xi32, #tpu.memory_space<hbm>>
      %dma_wait3A_2356 = arith.constant 0 : i32
      %dma_wait3A_2357 = tpu.memref_slice %arg4[%dma_wait3A_2356, %mul3A_2] : memref<26x1024xi32, #tpu.memory_space<hbm>> -> memref<26x32xi32, #tpu.memory_space<hbm>>
      tpu.wait_dma2 semaphore(%run_scoped3A : memref<!tpu.dma_semaphore, #tpu.memory_space<semaphore_mem>>) src(%dma_wait3A_2357 : memref<26x32xi32, #tpu.memory_space<hbm>>) dst(%arg11 : memref<26x32xi32, #tpu.memory_space<vmem>>)
      tpu.yield
    }) : () -> ()
    %get3A = arith.constant 0 : i32
    %get3A_3 = arith.index_cast %get3A : i32 to index
    %get3A_4 = arith.constant 0 : index
    %get3A_5 = tpu.vector_load %arg10[%get3A_3, %get3A_4] {strides = array<i32>} : memref<26x32xf32, #tpu.memory_space<vmem>>, vector<16xf32>,
    %broadcast_in_dim3A = arith.constant 0 : i32
    %broadcast_in_dim3A_6 = vector.broadcast %broadcast_in_dim3A : i32 to vector<16xi32>
    %get3A_7 = arith.constant 1 : i32
    %get3A_8 = arith.index_cast %get3A_7 : i32 to index
    %get3A_9 = arith.constant 0 : index
    %get3A_10 = tpu.vector_load %arg10[%get3A_8, %get3A_9] {strides = array<i32>} : memref<26x32xf32, #tpu.memory_space<vmem>>, vector<16xf32>,
    %gt3A = arith.cmpf ogt, %get3A_10, %get3A_5 : vector<16xf32>
    %broadcast_in_dim3A_11 = arith.constant 1 : i32
    %broadcast_in_dim3A_12 = vector.broadcast %broadcast_in_dim3A_11 : i32 to vector<16xi32>
    %select_n3A = arith.select %gt3A, %broadcast_in_dim3A_12, %broadcast_in_dim3A_6 : vector<16xi1>, vector<16xi32>
    %select_n3A_13 = arith.select %gt3A, %get3A_10, %get3A_5 : vector<16xi1>, vector<16xf32>
    %get3A_14 = arith.constant 2 : i32
    %get3A_15 = arith.index_cast %get3A_14 : i32 to index
    %get3A_16 = arith.constant 0 : index
    %get3A_17 = tpu.vector_load %arg10[%get3A_15, %get3A_16] {strides = array<i32>} : memref<26x32xf32, #tpu.memory_space<vmem>>, vector<16xf32>,
    %gt3A_18 = arith.cmpf ogt, %get3A_17, %select_n3A_13 : vector<16xf32>
    %broadcast_in_dim3A_19 = arith.constant 2 : i32
    %broadcast_in_dim3A_20 = vector.broadcast %broadcast_in_dim3A_19 : i32 to vector<16xi32>
    %select_n3A_21 = arith.select %gt3A_18, %broadcast_in_dim3A_20, %select_n3A : vector<16xi1>, vector<16xi32>
    %select_n3A_22 = arith.select %gt3A_18, %get3A_17, %select_n3A_13 : vector<16xi1>, vector<16xf32>
    %get3A_23 = arith.constant 3 : i32
    %get3A_24 = arith.index_cast %get3A_23 : i32 to index
    %get3A_25 = arith.constant 0 : index
    %get3A_26 = tpu.vector_load %arg10[%get3A_24, %get3A_25] {strides = array<i32>} : memref<26x32xf32, #tpu.memory_space<vmem>>, vector<16xf32>,
    %gt3A_27 = arith.cmpf ogt, %get3A_26, %select_n3A_22 : vector<16xf32>
    %broadcast_in_dim3A_28 = arith.constant 3 : i32
    %broadcast_in_dim3A_29 = vector.broadcast %broadcast_in_dim3A_28 : i32 to vector<16xi32>
    %select_n3A_30 = arith.select %gt3A_27, %broadcast_in_dim3A_29, %select_n3A_21 : vector<16xi1>, vector<16xi32>
    %select_n3A_31 = arith.select %gt3A_27, %get3A_26, %select_n3A_22 : vector<16xi1>, vector<16xf32>
    %get3A_32 = arith.constant 4 : i32
    %get3A_33 = arith.index_cast %get3A_32 : i32 to index
    %get3A_34 = arith.constant 0 : index
    %get3A_35 = tpu.vector_load %arg10[%get3A_33, %get3A_34] {strides = array<i32>} : memref<26x32xf32, #tpu.memory_space<vmem>>, vector<16xf32>,
    %gt3A_36 = arith.cmpf ogt, %get3A_35, %select_n3A_31 : vector<16xf32>
    %broadcast_in_dim3A_37 = arith.constant 4 : i32
    %broadcast_in_dim3A_38 = vector.broadcast %broadcast_in_dim3A_37 : i32 to vector<16xi32>
    %select_n3A_39 = arith.select %gt3A_36, %broadcast_in_dim3A_38, %select_n3A_30 : vector<16xi1>, vector<16xi32>
    %select_n3A_40 = arith.select %gt3A_36, %get3A_35, %select_n3A_31 : vector<16xi1>, vector<16xf32>
    %get3A_41 = arith.constant 5 : i32
    %get3A_42 = arith.index_cast %get3A_41 : i32 to index
    %get3A_43 = arith.constant 0 : index
    %get3A_44 = tpu.vector_load %arg10[%get3A_42, %get3A_43] {strides = array<i32>} : memref<26x32xf32, #tpu.memory_space<vmem>>, vector<16xf32>,
    %gt3A_45 = arith.cmpf ogt, %get3A_44, %select_n3A_40 : vector<16xf32>
    %broadcast_in_dim3A_46 = arith.constant 5 : i32
    %broadcast_in_dim3A_47 = vector.broadcast %broadcast_in_dim3A_46 : i32 to vector<16xi32>
    %select_n3A_48 = arith.select %gt3A_45, %broadcast_in_dim3A_47, %select_n3A_39 : vector<16xi1>, vector<16xi32>
    %select_n3A_49 = arith.select %gt3A_45, %get3A_44, %select_n3A_40 : vector<16xi1>, vector<16xf32>
    %get3A_50 = arith.constant 6 : i32
    %get3A_51 = arith.index_cast %get3A_50 : i32 to index
    %get3A_52 = arith.constant 0 : index
    %get3A_53 = tpu.vector_load %arg10[%get3A_51, %get3A_52] {strides = array<i32>} : memref<26x32xf32, #tpu.memory_space<vmem>>, vector<16xf32>,
    %gt3A_54 = arith.cmpf ogt, %get3A_53, %select_n3A_49 : vector<16xf32>
    %broadcast_in_dim3A_55 = arith.constant 6 : i32
    %broadcast_in_dim3A_56 = vector.broadcast %broadcast_in_dim3A_55 : i32 to vector<16xi32>
    %select_n3A_57 = arith.select %gt3A_54, %broadcast_in_dim3A_56, %select_n3A_48 : vector<16xi1>, vector<16xi32>
    %select_n3A_58 = arith.select %gt3A_54, %get3A_53, %select_n3A_49 : vector<16xi1>, vector<16xf32>
    %get3A_59 = arith.constant 7 : i32
    %get3A_60 = arith.index_cast %get3A_59 : i32 to index
    %get3A_61 = arith.constant 0 : index
    %get3A_62 = tpu.vector_load %arg10[%get3A_60, %get3A_61] {strides = array<i32>} : memref<26x32xf32, #tpu.memory_space<vmem>>, vector<16xf32>,
    %gt3A_63 = arith.cmpf ogt, %get3A_62, %select_n3A_58 : vector<16xf32>
    %broadcast_in_dim3A_64 = arith.constant 7 : i32
    %broadcast_in_dim3A_65 = vector.broadcast %broadcast_in_dim3A_64 : i32 to vector<16xi32>
    %select_n3A_66 = arith.select %gt3A_63, %broadcast_in_dim3A_65, %select_n3A_57 : vector<16xi1>, vector<16xi32>
    %select_n3A_67 = arith.select %gt3A_63, %get3A_62, %select_n3A_58 : vector<16xi1>, vector<16xf32>
    %get3A_68 = arith.constant 8 : i32
    %get3A_69 = arith.index_cast %get3A_68 : i32 to index
    %get3A_70 = arith.constant 0 : index
    %get3A_71 = tpu.vector_load %arg10[%get3A_69, %get3A_70] {strides = array<i32>} : memref<26x32xf32, #tpu.memory_space<vmem>>, vector<16xf32>,
    %gt3A_72 = arith.cmpf ogt, %get3A_71, %select_n3A_67 : vector<16xf32>
    %broadcast_in_dim3A_73 = arith.constant 8 : i32
    %broadcast_in_dim3A_74 = vector.broadcast %broadcast_in_dim3A_73 : i32 to vector<16xi32>
    %select_n3A_75 = arith.select %gt3A_72, %broadcast_in_dim3A_74, %select_n3A_66 : vector<16xi1>, vector<16xi32>
    %select_n3A_76 = arith.select %gt3A_72, %get3A_71, %select_n3A_67 : vector<16xi1>, vector<16xf32>
    %get3A_77 = arith.constant 9 : i32
    %get3A_78 = arith.index_cast %get3A_77 : i32 to index
    %get3A_79 = arith.constant 0 : index
    %get3A_80 = tpu.vector_load %arg10[%get3A_78, %get3A_79] {strides = array<i32>} : memref<26x32xf32, #tpu.memory_space<vmem>>, vector<16xf32>,
    %gt3A_81 = arith.cmpf ogt, %get3A_80, %select_n3A_76 : vector<16xf32>
    %broadcast_in_dim3A_82 = arith.constant 9 : i32
    %broadcast_in_dim3A_83 = vector.broadcast %broadcast_in_dim3A_82 : i32 to vector<16xi32>
    %select_n3A_84 = arith.select %gt3A_81, %broadcast_in_dim3A_83, %select_n3A_75 : vector<16xi1>, vector<16xi32>
    %select_n3A_85 = arith.select %gt3A_81, %get3A_80, %select_n3A_76 : vector<16xi1>, vector<16xf32>
    %get3A_86 = arith.constant 10 : i32
    %get3A_87 = arith.index_cast %get3A_86 : i32 to index
    %get3A_88 = arith.constant 0 : index
    %get3A_89 = tpu.vector_load %arg10[%get3A_87, %get3A_88] {strides = array<i32>} : memref<26x32xf32, #tpu.memory_space<vmem>>, vector<16xf32>,
    %gt3A_90 = arith.cmpf ogt, %get3A_89, %select_n3A_85 : vector<16xf32>
    %broadcast_in_dim3A_91 = arith.constant 10 : i32
    %broadcast_in_dim3A_92 = vector.broadcast %broadcast_in_dim3A_91 : i32 to vector<16xi32>
    %select_n3A_93 = arith.select %gt3A_90, %broadcast_in_dim3A_92, %select_n3A_84 : vector<16xi1>, vector<16xi32>
    %select_n3A_94 = arith.select %gt3A_90, %get3A_89, %select_n3A_85 : vector<16xi1>, vector<16xf32>
    %get3A_95 = arith.constant 11 : i32
    %get3A_96 = arith.index_cast %get3A_95 : i32 to index
    %get3A_97 = arith.constant 0 : index
    %get3A_98 = tpu.vector_load %arg10[%get3A_96, %get3A_97] {strides = array<i32>} : memref<26x32xf32, #tpu.memory_space<vmem>>, vector<16xf32>,
    %gt3A_99 = arith.cmpf ogt, %get3A_98, %select_n3A_94 : vector<16xf32>
    %broadcast_in_dim3A_100 = arith.constant 11 : i32
    %broadcast_in_dim3A_101 = vector.broadcast %broadcast_in_dim3A_100 : i32 to vector<16xi32>
    %select_n3A_102 = arith.select %gt3A_99, %broadcast_in_dim3A_101, %select_n3A_93 : vector<16xi1>, vector<16xi32>
    %select_n3A_103 = arith.select %gt3A_99, %get3A_98, %select_n3A_94 : vector<16xi1>, vector<16xf32>
    %get3A_104 = arith.constant 12 : i32
    %get3A_105 = arith.index_cast %get3A_104 : i32 to index
    %get3A_106 = arith.constant 0 : index
    %get3A_107 = tpu.vector_load %arg10[%get3A_105, %get3A_106] {strides = array<i32>} : memref<26x32xf32, #tpu.memory_space<vmem>>, vector<16xf32>,
    %gt3A_108 = arith.cmpf ogt, %get3A_107, %select_n3A_103 : vector<16xf32>
    %broadcast_in_dim3A_109 = arith.constant 12 : i32
    %broadcast_in_dim3A_110 = vector.broadcast %broadcast_in_dim3A_109 : i32 to vector<16xi32>
    %select_n3A_111 = arith.select %gt3A_108, %broadcast_in_dim3A_110, %select_n3A_102 : vector<16xi1>, vector<16xi32>
    %select_n3A_112 = arith.select %gt3A_108, %get3A_107, %select_n3A_103 : vector<16xi1>, vector<16xf32>
    %get3A_113 = arith.constant 13 : i32
    %get3A_114 = arith.index_cast %get3A_113 : i32 to index
    %get3A_115 = arith.constant 0 : index
    %get3A_116 = tpu.vector_load %arg10[%get3A_114, %get3A_115] {strides = array<i32>} : memref<26x32xf32, #tpu.memory_space<vmem>>, vector<16xf32>,
    %gt3A_117 = arith.cmpf ogt, %get3A_116, %select_n3A_112 : vector<16xf32>
    %broadcast_in_dim3A_118 = arith.constant 13 : i32
    %broadcast_in_dim3A_119 = vector.broadcast %broadcast_in_dim3A_118 : i32 to vector<16xi32>
    %select_n3A_120 = arith.select %gt3A_117, %broadcast_in_dim3A_119, %select_n3A_111 : vector<16xi1>, vector<16xi32>
    %select_n3A_121 = arith.select %gt3A_117, %get3A_116, %select_n3A_112 : vector<16xi1>, vector<16xf32>
    %get3A_122 = arith.constant 14 : i32
    %get3A_123 = arith.index_cast %get3A_122 : i32 to index
    %get3A_124 = arith.constant 0 : index
    %get3A_125 = tpu.vector_load %arg10[%get3A_123, %get3A_124] {strides = array<i32>} : memref<26x32xf32, #tpu.memory_space<vmem>>, vector<16xf32>,
    %gt3A_126 = arith.cmpf ogt, %get3A_125, %select_n3A_121 : vector<16xf32>
    %broadcast_in_dim3A_127 = arith.constant 14 : i32
    %broadcast_in_dim3A_128 = vector.broadcast %broadcast_in_dim3A_127 : i32 to vector<16xi32>
    %select_n3A_129 = arith.select %gt3A_126, %broadcast_in_dim3A_128, %select_n3A_120 : vector<16xi1>, vector<16xi32>
    %select_n3A_130 = arith.select %gt3A_126, %get3A_125, %select_n3A_121 : vector<16xi1>, vector<16xf32>
    %get3A_131 = arith.constant 15 : i32
    %get3A_132 = arith.index_cast %get3A_131 : i32 to index
    %get3A_133 = arith.constant 0 : index
    %get3A_134 = tpu.vector_load %arg10[%get3A_132, %get3A_133] {strides = array<i32>} : memref<26x32xf32, #tpu.memory_space<vmem>>, vector<16xf32>,
    %gt3A_135 = arith.cmpf ogt, %get3A_134, %select_n3A_130 : vector<16xf32>
    %broadcast_in_dim3A_136 = arith.constant 15 : i32
    %broadcast_in_dim3A_137 = vector.broadcast %broadcast_in_dim3A_136 : i32 to vector<16xi32>
    %select_n3A_138 = arith.select %gt3A_135, %broadcast_in_dim3A_137, %select_n3A_129 : vector<16xi1>, vector<16xi32>
    %select_n3A_139 = arith.select %gt3A_135, %get3A_134, %select_n3A_130 : vector<16xi1>, vector<16xf32>
    %get3A_140 = arith.constant 16 : i32
    %get3A_141 = arith.index_cast %get3A_140 : i32 to index
    %get3A_142 = arith.constant 0 : index
    %get3A_143 = tpu.vector_load %arg10[%get3A_141, %get3A_142] {strides = array<i32>} : memref<26x32xf32, #tpu.memory_space<vmem>>, vector<16xf32>,
    %gt3A_144 = arith.cmpf ogt, %get3A_143, %select_n3A_139 : vector<16xf32>
    %broadcast_in_dim3A_145 = arith.constant 16 : i32
    %broadcast_in_dim3A_146 = vector.broadcast %broadcast_in_dim3A_145 : i32 to vector<16xi32>
    %select_n3A_147 = arith.select %gt3A_144, %broadcast_in_dim3A_146, %select_n3A_138 : vector<16xi1>, vector<16xi32>
    %select_n3A_148 = arith.select %gt3A_144, %get3A_143, %select_n3A_139 : vector<16xi1>, vector<16xf32>
    %get3A_149 = arith.constant 17 : i32
    %get3A_150 = arith.index_cast %get3A_149 : i32 to index
    %get3A_151 = arith.constant 0 : index
    %get3A_152 = tpu.vector_load %arg10[%get3A_150, %get3A_151] {strides = array<i32>} : memref<26x32xf32, #tpu.memory_space<vmem>>, vector<16xf32>,
    %gt3A_153 = arith.cmpf ogt, %get3A_152, %select_n3A_148 : vector<16xf32>
    %broadcast_in_dim3A_154 = arith.constant 17 : i32
    %broadcast_in_dim3A_155 = vector.broadcast %broadcast_in_dim3A_154 : i32 to vector<16xi32>
    %select_n3A_156 = arith.select %gt3A_153, %broadcast_in_dim3A_155, %select_n3A_147 : vector<16xi1>, vector<16xi32>
    %select_n3A_157 = arith.select %gt3A_153, %get3A_152, %select_n3A_148 : vector<16xi1>, vector<16xf32>
    %get3A_158 = arith.constant 18 : i32
    %get3A_159 = arith.index_cast %get3A_158 : i32 to index
    %get3A_160 = arith.constant 0 : index
    %get3A_161 = tpu.vector_load %arg10[%get3A_159, %get3A_160] {strides = array<i32>} : memref<26x32xf32, #tpu.memory_space<vmem>>, vector<16xf32>,
    %gt3A_162 = arith.cmpf ogt, %get3A_161, %select_n3A_157 : vector<16xf32>
    %broadcast_in_dim3A_163 = arith.constant 18 : i32
    %broadcast_in_dim3A_164 = vector.broadcast %broadcast_in_dim3A_163 : i32 to vector<16xi32>
    %select_n3A_165 = arith.select %gt3A_162, %broadcast_in_dim3A_164, %select_n3A_156 : vector<16xi1>, vector<16xi32>
    %select_n3A_166 = arith.select %gt3A_162, %get3A_161, %select_n3A_157 : vector<16xi1>, vector<16xf32>
    %get3A_167 = arith.constant 19 : i32
    %get3A_168 = arith.index_cast %get3A_167 : i32 to index
    %get3A_169 = arith.constant 0 : index
    %get3A_170 = tpu.vector_load %arg10[%get3A_168, %get3A_169] {strides = array<i32>} : memref<26x32xf32, #tpu.memory_space<vmem>>, vector<16xf32>,
    %gt3A_171 = arith.cmpf ogt, %get3A_170, %select_n3A_166 : vector<16xf32>
    %broadcast_in_dim3A_172 = arith.constant 19 : i32
    %broadcast_in_dim3A_173 = vector.broadcast %broadcast_in_dim3A_172 : i32 to vector<16xi32>
    %select_n3A_174 = arith.select %gt3A_171, %broadcast_in_dim3A_173, %select_n3A_165 : vector<16xi1>, vector<16xi32>
    %select_n3A_175 = arith.select %gt3A_171, %get3A_170, %select_n3A_166 : vector<16xi1>, vector<16xf32>
    %get3A_176 = arith.constant 20 : i32
    %get3A_177 = arith.index_cast %get3A_176 : i32 to index
    %get3A_178 = arith.constant 0 : index
    %get3A_179 = tpu.vector_load %arg10[%get3A_177, %get3A_178] {strides = array<i32>} : memref<26x32xf32, #tpu.memory_space<vmem>>, vector<16xf32>,
    %gt3A_180 = arith.cmpf ogt, %get3A_179, %select_n3A_175 : vector<16xf32>
    %broadcast_in_dim3A_181 = arith.constant 20 : i32
    %broadcast_in_dim3A_182 = vector.broadcast %broadcast_in_dim3A_181 : i32 to vector<16xi32>
    %select_n3A_183 = arith.select %gt3A_180, %broadcast_in_dim3A_182, %select_n3A_174 : vector<16xi1>, vector<16xi32>
    %select_n3A_184 = arith.select %gt3A_180, %get3A_179, %select_n3A_175 : vector<16xi1>, vector<16xf32>
    %get3A_185 = arith.constant 21 : i32
    %get3A_186 = arith.index_cast %get3A_185 : i32 to index
    %get3A_187 = arith.constant 0 : index
    %get3A_188 = tpu.vector_load %arg10[%get3A_186, %get3A_187] {strides = array<i32>} : memref<26x32xf32, #tpu.memory_space<vmem>>, vector<16xf32>,
    %gt3A_189 = arith.cmpf ogt, %get3A_188, %select_n3A_184 : vector<16xf32>
    %broadcast_in_dim3A_190 = arith.constant 21 : i32
    %broadcast_in_dim3A_191 = vector.broadcast %broadcast_in_dim3A_190 : i32 to vector<16xi32>
    %select_n3A_192 = arith.select %gt3A_189, %broadcast_in_dim3A_191, %select_n3A_183 : vector<16xi1>, vector<16xi32>
    %select_n3A_193 = arith.select %gt3A_189, %get3A_188, %select_n3A_184 : vector<16xi1>, vector<16xf32>
    %get3A_194 = arith.constant 22 : i32
    %get3A_195 = arith.index_cast %get3A_194 : i32 to index
    %get3A_196 = arith.constant 0 : index
    %get3A_197 = tpu.vector_load %arg10[%get3A_195, %get3A_196] {strides = array<i32>} : memref<26x32xf32, #tpu.memory_space<vmem>>, vector<16xf32>,
    %gt3A_198 = arith.cmpf ogt, %get3A_197, %select_n3A_193 : vector<16xf32>
    %broadcast_in_dim3A_199 = arith.constant 22 : i32
    %broadcast_in_dim3A_200 = vector.broadcast %broadcast_in_dim3A_199 : i32 to vector<16xi32>
    %select_n3A_201 = arith.select %gt3A_198, %broadcast_in_dim3A_200, %select_n3A_192 : vector<16xi1>, vector<16xi32>
    %select_n3A_202 = arith.select %gt3A_198, %get3A_197, %select_n3A_193 : vector<16xi1>, vector<16xf32>
    %get3A_203 = arith.constant 23 : i32
    %get3A_204 = arith.index_cast %get3A_203 : i32 to index
    %get3A_205 = arith.constant 0 : index
    %get3A_206 = tpu.vector_load %arg10[%get3A_204, %get3A_205] {strides = array<i32>} : memref<26x32xf32, #tpu.memory_space<vmem>>, vector<16xf32>,
    %gt3A_207 = arith.cmpf ogt, %get3A_206, %select_n3A_202 : vector<16xf32>
    %broadcast_in_dim3A_208 = arith.constant 23 : i32
    %broadcast_in_dim3A_209 = vector.broadcast %broadcast_in_dim3A_208 : i32 to vector<16xi32>
    %select_n3A_210 = arith.select %gt3A_207, %broadcast_in_dim3A_209, %select_n3A_201 : vector<16xi1>, vector<16xi32>
    %select_n3A_211 = arith.select %gt3A_207, %get3A_206, %select_n3A_202 : vector<16xi1>, vector<16xf32>
    %get3A_212 = arith.constant 24 : i32
    %get3A_213 = arith.index_cast %get3A_212 : i32 to index
    %get3A_214 = arith.constant 0 : index
    %get3A_215 = tpu.vector_load %arg10[%get3A_213, %get3A_214] {strides = array<i32>} : memref<26x32xf32, #tpu.memory_space<vmem>>, vector<16xf32>,
    %gt3A_216 = arith.cmpf ogt, %get3A_215, %select_n3A_211 : vector<16xf32>
    %broadcast_in_dim3A_217 = arith.constant 24 : i32
    %broadcast_in_dim3A_218 = vector.broadcast %broadcast_in_dim3A_217 : i32 to vector<16xi32>
    %select_n3A_219 = arith.select %gt3A_216, %broadcast_in_dim3A_218, %select_n3A_210 : vector<16xi1>, vector<16xi32>
    %select_n3A_220 = arith.select %gt3A_216, %get3A_215, %select_n3A_211 : vector<16xi1>, vector<16xf32>
    %get3A_221 = arith.constant 25 : i32
    %get3A_222 = arith.index_cast %get3A_221 : i32 to index
    %get3A_223 = arith.constant 0 : index
    %get3A_224 = tpu.vector_load %arg10[%get3A_222, %get3A_223] {strides = array<i32>} : memref<26x32xf32, #tpu.memory_space<vmem>>, vector<16xf32>,
    %gt3A_225 = arith.cmpf ogt, %get3A_224, %select_n3A_220 : vector<16xf32>
    %broadcast_in_dim3A_226 = arith.constant 25 : i32
    %broadcast_in_dim3A_227 = vector.broadcast %broadcast_in_dim3A_226 : i32 to vector<16xi32>
    %select_n3A_228 = arith.select %gt3A_225, %broadcast_in_dim3A_227, %select_n3A_219 : vector<16xi1>, vector<16xi32>
    %select_n3A_229 = arith.select %gt3A_225, %get3A_224, %select_n3A_220 : vector<16xi1>, vector<16xf32>
    %swap3A = arith.constant 0 : index
    %swap3A_230 = tpu.vector_load %arg13[%swap3A] {strides = array<i32>} : memref<32xi32, #tpu.memory_space<vmem>>, vector<16xi32>,
    tpu.vector_store %arg13[%swap3A], %select_n3A_228 {strides = array<i32>} : memref<32xi32, #tpu.memory_space<vmem>>, vector<16xi32>,
    %mul3A_231 = arith.constant 26026 : i32
    %mul3A_232 = vector.broadcast %mul3A_231 : i32 to vector<16xi32>
    %mul3A_233 = arith.muli %select_n3A_228, %mul3A_232 : vector<16xi32>
    %get3A_234 = arith.constant 0 : i32
    %get3A_235 = arith.index_cast %get3A_234 : i32 to index
    %get3A_236 = arith.constant 0 : index
    %get3A_237 = tpu.vector_load %arg9[%get3A_235, %get3A_236] {strides = array<i32>} : memref<26x32xi32, #tpu.memory_space<vmem>>, vector<16xi32>,
    %get3A_238 = arith.constant 0 : i32
    %get3A_239 = arith.index_cast %get3A_238 : i32 to index
    %get3A_240 = arith.constant 0 : index
    %get3A_241 = tpu.vector_load %arg11[%get3A_239, %get3A_240] {strides = array<i32>} : memref<26x32xi32, #tpu.memory_space<vmem>>, vector<16xi32>,
    %mul3A_242 = arith.muli %get3A_237, %get3A_241 : vector<16xi32>
    %sub3A = arith.constant 1 : i32
    %sub3A_243 = vector.broadcast %sub3A : i32 to vector<16xi32>
    %sub3A_244 = arith.subi %sub3A_243, %get3A_241 : vector<16xi32>
    %mul3A_245 = arith.constant 1000 : i32
    %mul3A_246 = vector.broadcast %mul3A_245 : i32 to vector<16xi32>
    %mul3A_247 = arith.muli %sub3A_244, %mul3A_246 : vector<16xi32>
    %add3A_248 = arith.addi %mul3A_242, %mul3A_247 : vector<16xi32>
    %add3A_249 = arith.constant 0 : i32
    %add3A_250 = vector.broadcast %add3A_249 : i32 to vector<16xi32>
    %add3A_251 = arith.addi %mul3A_233, %add3A_250 : vector<16xi32>
    %add3A_252 = arith.addi %add3A_251, %add3A_248 : vector<16xi32>
    %swap3A_253 = arith.constant 0 : i32
    %swap3A_254 = arith.index_cast %swap3A_253 : i32 to index
    %swap3A_255 = arith.constant 0 : index
    %swap3A_256 = tpu.vector_load %arg12[%swap3A_254, %swap3A_255] {strides = array<i32>} : memref<26x32xi32, #tpu.memory_space<vmem>>, vector<16xi32>,
    tpu.vector_store %arg12[%swap3A_254, %swap3A_255], %add3A_252 {strides = array<i32>} : memref<26x32xi32, #tpu.memory_space<vmem>>, vector<16xi32>,
    %get3A_257 = arith.constant 1 : i32
    %get3A_258 = arith.index_cast %get3A_257 : i32 to index
    %get3A_259 = arith.constant 0 : index
    %get3A_260 = tpu.vector_load %arg9[%get3A_258, %get3A_259] {strides = array<i32>} : memref<26x32xi32, #tpu.memory_space<vmem>>, vector<16xi32>,
    %get3A_261 = arith.constant 1 : i32
    %get3A_262 = arith.index_cast %get3A_261 : i32 to index
    %get3A_263 = arith.constant 0 : index
    %get3A_264 = tpu.vector_load %arg11[%get3A_262, %get3A_263] {strides = array<i32>} : memref<26x32xi32, #tpu.memory_space<vmem>>, vector<16xi32>,
    %mul3A_265 = arith.muli %get3A_260, %get3A_264 : vector<16xi32>
    %sub3A_266 = arith.constant 1 : i32
    %sub3A_267 = vector.broadcast %sub3A_266 : i32 to vector<16xi32>
    %sub3A_268 = arith.subi %sub3A_267, %get3A_264 : vector<16xi32>
    %mul3A_269 = arith.constant 1000 : i32
    %mul3A_270 = vector.broadcast %mul3A_269 : i32 to vector<16xi32>
    %mul3A_271 = arith.muli %sub3A_268, %mul3A_270 : vector<16xi32>
    %add3A_272 = arith.addi %mul3A_265, %mul3A_271 : vector<16xi32>
    %add3A_273 = arith.constant 1001 : i32
    %add3A_274 = vector.broadcast %add3A_273 : i32 to vector<16xi32>
    %add3A_275 = arith.addi %mul3A_233, %add3A_274 : vector<16xi32>
    %add3A_276 = arith.addi %add3A_275, %add3A_272 : vector<16xi32>
    %swap3A_277 = arith.constant 1 : i32
    %swap3A_278 = arith.index_cast %swap3A_277 : i32 to index
    %swap3A_279 = arith.constant 0 : index
    %swap3A_280 = tpu.vector_load %arg12[%swap3A_278, %swap3A_279] {strides = array<i32>} : memref<26x32xi32, #tpu.memory_space<vmem>>, vector<16xi32>,
    tpu.vector_store %arg12[%swap3A_278, %swap3A_279], %add3A_276 {strides = array<i32>} : memref<26x32xi32, #tpu.memory_space<vmem>>, vector<16xi32>,
    %get3A_281 = arith.constant 2 : i32
    %get3A_282 = arith.index_cast %get3A_281 : i32 to index
    %get3A_283 = arith.constant 0 : index
    %get3A_284 = tpu.vector_load %arg9[%get3A_282, %get3A_283] {strides = array<i32>} : memref<26x32xi32, #tpu.memory_space<vmem>>, vector<16xi32>,
    %get3A_285 = arith.constant 2 : i32
    %get3A_286 = arith.index_cast %get3A_285 : i32 to index
    %get3A_287 = arith.constant 0 : index
    %get3A_288 = tpu.vector_load %arg11[%get3A_286, %get3A_287] {strides = array<i32>} : memref<26x32xi32, #tpu.memory_space<vmem>>, vector<16xi32>,
    %mul3A_289 = arith.muli %get3A_284, %get3A_288 : vector<16xi32>
    %sub3A_290 = arith.constant 1 : i32
    %sub3A_291 = vector.broadcast %sub3A_290 : i32 to vector<16xi32>
    %sub3A_292 = arith.subi %sub3A_291, %get3A_288 : vector<16xi32>
    %mul3A_293 = arith.constant 1000 : i32
    %mul3A_294 = vector.broadcast %mul3A_293 : i32 to vector<16xi32>
    %mul3A_295 = arith.muli %sub3A_292, %mul3A_294 : vector<16xi32>
    %add3A_296 = arith.addi %mul3A_289, %mul3A_295 : vector<16xi32>
    %add3A_297 = arith.constant 2002 : i32
    %add3A_298 = vector.broadcast %add3A_297 : i32 to vector<16xi32>
    %add3A_299 = arith.addi %mul3A_233, %add3A_298 : vector<16xi32>
    %add3A_300 = arith.addi %add3A_299, %add3A_296 : vector<16xi32>
    %swap3A_301 = arith.constant 2 : i32
    %swap3A_302 = arith.index_cast %swap3A_301 : i32 to index
    %swap3A_303 = arith.constant 0 : index
    %swap3A_304 = tpu.vector_load %arg12[%swap3A_302, %swap3A_303] {strides = array<i32>} : memref<26x32xi32, #tpu.memory_space<vmem>>, vector<16xi32>,
    tpu.vector_store %arg12[%swap3A_302, %swap3A_303], %add3A_300 {strides = array<i32>} : memref<26x32xi32, #tpu.memory_space<vmem>>, vector<16xi32>,
    %get3A_305 = arith.constant 3 : i32
    %get3A_306 = arith.index_cast %get3A_305 : i32 to index
    %get3A_307 = arith.constant 0 : index
    %get3A_308 = tpu.vector_load %arg9[%get3A_306, %get3A_307] {strides = array<i32>} : memref<26x32xi32, #tpu.memory_space<vmem>>, vector<16xi32>,
    %get3A_309 = arith.constant 3 : i32
    %get3A_310 = arith.index_cast %get3A_309 : i32 to index
    %get3A_311 = arith.constant 0 : index
    %get3A_312 = tpu.vector_load %arg11[%get3A_310, %get3A_311] {strides = array<i32>} : memref<26x32xi32, #tpu.memory_space<vmem>>, vector<16xi32>,
    %mul3A_313 = arith.muli %get3A_308, %get3A_312 : vector<16xi32>
    %sub3A_314 = arith.constant 1 : i32
    %sub3A_315 = vector.broadcast %sub3A_314 : i32 to vector<16xi32>
    %sub3A_316 = arith.subi %sub3A_315, %get3A_312 : vector<16xi32>
    %mul3A_317 = arith.constant 1000 : i32
    %mul3A_318 = vector.broadcast %mul3A_317 : i32 to vector<16xi32>
    %mul3A_319 = arith.muli %sub3A_316, %mul3A_318 : vector<16xi32>
    %add3A_320 = arith.addi %mul3A_313, %mul3A_319 : vector<16xi32>
    %add3A_321 = arith.constant 3003 : i32
    %add3A_322 = vector.broadcast %add3A_321 : i32 to vector<16xi32>
    %add3A_323 = arith.addi %mul3A_233, %add3A_322 : vector<16xi32>
    %add3A_324 = arith.addi %add3A_323, %add3A_320 : vector<16xi32>
    %swap3A_325 = arith.constant 3 : i32
    %swap3A_326 = arith.index_cast %swap3A_325 : i32 to index
    %swap3A_327 = arith.constant 0 : index
    %swap3A_328 = tpu.vector_load %arg12[%swap3A_326, %swap3A_327] {strides = array<i32>} : memref<26x32xi32, #tpu.memory_space<vmem>>, vector<16xi32>,
    tpu.vector_store %arg12[%swap3A_326, %swap3A_327], %add3A_324 {strides = array<i32>} : memref<26x32xi32, #tpu.memory_space<vmem>>, vector<16xi32>,
    %get3A_329 = arith.constant 4 : i32
    %get3A_330 = arith.index_cast %get3A_329 : i32 to index
    %get3A_331 = arith.constant 0 : index
    %get3A_332 = tpu.vector_load %arg9[%get3A_330, %get3A_331] {strides = array<i32>} : memref<26x32xi32, #tpu.memory_space<vmem>>, vector<16xi32>,
    %get3A_333 = arith.constant 4 : i32
    %get3A_334 = arith.index_cast %get3A_333 : i32 to index
    %get3A_335 = arith.constant 0 : index
    %get3A_336 = tpu.vector_load %arg11[%get3A_334, %get3A_335] {strides = array<i32>} : memref<26x32xi32, #tpu.memory_space<vmem>>, vector<16xi32>,
    %mul3A_337 = arith.muli %get3A_332, %get3A_336 : vector<16xi32>
    %sub3A_338 = arith.constant 1 : i32
    %sub3A_339 = vector.broadcast %sub3A_338 : i32 to vector<16xi32>
    %sub3A_340 = arith.subi %sub3A_339, %get3A_336 : vector<16xi32>
    %mul3A_341 = arith.constant 1000 : i32
    %mul3A_342 = vector.broadcast %mul3A_341 : i32 to vector<16xi32>
    %mul3A_343 = arith.muli %sub3A_340, %mul3A_342 : vector<16xi32>
    %add3A_344 = arith.addi %mul3A_337, %mul3A_343 : vector<16xi32>
    %add3A_345 = arith.constant 4004 : i32
    %add3A_346 = vector.broadcast %add3A_345 : i32 to vector<16xi32>
    %add3A_347 = arith.addi %mul3A_233, %add3A_346 : vector<16xi32>
    %add3A_348 = arith.addi %add3A_347, %add3A_344 : vector<16xi32>
    %swap3A_349 = arith.constant 4 : i32
    %swap3A_350 = arith.index_cast %swap3A_349 : i32 to index
    %swap3A_351 = arith.constant 0 : index
    %swap3A_352 = tpu.vector_load %arg12[%swap3A_350, %swap3A_351] {strides = array<i32>} : memref<26x32xi32, #tpu.memory_space<vmem>>, vector<16xi32>,
    tpu.vector_store %arg12[%swap3A_350, %swap3A_351], %add3A_348 {strides = array<i32>} : memref<26x32xi32, #tpu.memory_space<vmem>>, vector<16xi32>,
    %get3A_353 = arith.constant 5 : i32
    %get3A_354 = arith.index_cast %get3A_353 : i32 to index
    %get3A_355 = arith.constant 0 : index
    %get3A_356 = tpu.vector_load %arg9[%get3A_354, %get3A_355] {strides = array<i32>} : memref<26x32xi32, #tpu.memory_space<vmem>>, vector<16xi32>,
    %get3A_357 = arith.constant 5 : i32
    %get3A_358 = arith.index_cast %get3A_357 : i32 to index
    %get3A_359 = arith.constant 0 : index
    %get3A_360 = tpu.vector_load %arg11[%get3A_358, %get3A_359] {strides = array<i32>} : memref<26x32xi32, #tpu.memory_space<vmem>>, vector<16xi32>,
    %mul3A_361 = arith.muli %get3A_356, %get3A_360 : vector<16xi32>
    %sub3A_362 = arith.constant 1 : i32
    %sub3A_363 = vector.broadcast %sub3A_362 : i32 to vector<16xi32>
    %sub3A_364 = arith.subi %sub3A_363, %get3A_360 : vector<16xi32>
    %mul3A_365 = arith.constant 1000 : i32
    %mul3A_366 = vector.broadcast %mul3A_365 : i32 to vector<16xi32>
    %mul3A_367 = arith.muli %sub3A_364, %mul3A_366 : vector<16xi32>
    %add3A_368 = arith.addi %mul3A_361, %mul3A_367 : vector<16xi32>
    %add3A_369 = arith.constant 5005 : i32
    %add3A_370 = vector.broadcast %add3A_369 : i32 to vector<16xi32>
    %add3A_371 = arith.addi %mul3A_233, %add3A_370 : vector<16xi32>
    %add3A_372 = arith.addi %add3A_371, %add3A_368 : vector<16xi32>
    %swap3A_373 = arith.constant 5 : i32
    %swap3A_374 = arith.index_cast %swap3A_373 : i32 to index
    %swap3A_375 = arith.constant 0 : index
    %swap3A_376 = tpu.vector_load %arg12[%swap3A_374, %swap3A_375] {strides = array<i32>} : memref<26x32xi32, #tpu.memory_space<vmem>>, vector<16xi32>,
    tpu.vector_store %arg12[%swap3A_374, %swap3A_375], %add3A_372 {strides = array<i32>} : memref<26x32xi32, #tpu.memory_space<vmem>>, vector<16xi32>,
    %get3A_377 = arith.constant 6 : i32
    %get3A_378 = arith.index_cast %get3A_377 : i32 to index
    %get3A_379 = arith.constant 0 : index
    %get3A_380 = tpu.vector_load %arg9[%get3A_378, %get3A_379] {strides = array<i32>} : memref<26x32xi32, #tpu.memory_space<vmem>>, vector<16xi32>,
    %get3A_381 = arith.constant 6 : i32
    %get3A_382 = arith.index_cast %get3A_381 : i32 to index
    %get3A_383 = arith.constant 0 : index
    %get3A_384 = tpu.vector_load %arg11[%get3A_382, %get3A_383] {strides = array<i32>} : memref<26x32xi32, #tpu.memory_space<vmem>>, vector<16xi32>,
    %mul3A_385 = arith.muli %get3A_380, %get3A_384 : vector<16xi32>
    %sub3A_386 = arith.constant 1 : i32
    %sub3A_387 = vector.broadcast %sub3A_386 : i32 to vector<16xi32>
    %sub3A_388 = arith.subi %sub3A_387, %get3A_384 : vector<16xi32>
    %mul3A_389 = arith.constant 1000 : i32
    %mul3A_390 = vector.broadcast %mul3A_389 : i32 to vector<16xi32>
    %mul3A_391 = arith.muli %sub3A_388, %mul3A_390 : vector<16xi32>
    %add3A_392 = arith.addi %mul3A_385, %mul3A_391 : vector<16xi32>
    %add3A_393 = arith.constant 6006 : i32
    %add3A_394 = vector.broadcast %add3A_393 : i32 to vector<16xi32>
    %add3A_395 = arith.addi %mul3A_233, %add3A_394 : vector<16xi32>
    %add3A_396 = arith.addi %add3A_395, %add3A_392 : vector<16xi32>
    %swap3A_397 = arith.constant 6 : i32
    %swap3A_398 = arith.index_cast %swap3A_397 : i32 to index
    %swap3A_399 = arith.constant 0 : index
    %swap3A_400 = tpu.vector_load %arg12[%swap3A_398, %swap3A_399] {strides = array<i32>} : memref<26x32xi32, #tpu.memory_space<vmem>>, vector<16xi32>,
    tpu.vector_store %arg12[%swap3A_398, %swap3A_399], %add3A_396 {strides = array<i32>} : memref<26x32xi32, #tpu.memory_space<vmem>>, vector<16xi32>,
    %get3A_401 = arith.constant 7 : i32
    %get3A_402 = arith.index_cast %get3A_401 : i32 to index
    %get3A_403 = arith.constant 0 : index
    %get3A_404 = tpu.vector_load %arg9[%get3A_402, %get3A_403] {strides = array<i32>} : memref<26x32xi32, #tpu.memory_space<vmem>>, vector<16xi32>,
    %get3A_405 = arith.constant 7 : i32
    %get3A_406 = arith.index_cast %get3A_405 : i32 to index
    %get3A_407 = arith.constant 0 : index
    %get3A_408 = tpu.vector_load %arg11[%get3A_406, %get3A_407] {strides = array<i32>} : memref<26x32xi32, #tpu.memory_space<vmem>>, vector<16xi32>,
    %mul3A_409 = arith.muli %get3A_404, %get3A_408 : vector<16xi32>
    %sub3A_410 = arith.constant 1 : i32
    %sub3A_411 = vector.broadcast %sub3A_410 : i32 to vector<16xi32>
    %sub3A_412 = arith.subi %sub3A_411, %get3A_408 : vector<16xi32>
    %mul3A_413 = arith.constant 1000 : i32
    %mul3A_414 = vector.broadcast %mul3A_413 : i32 to vector<16xi32>
    %mul3A_415 = arith.muli %sub3A_412, %mul3A_414 : vector<16xi32>
    %add3A_416 = arith.addi %mul3A_409, %mul3A_415 : vector<16xi32>
    %add3A_417 = arith.constant 7007 : i32
    %add3A_418 = vector.broadcast %add3A_417 : i32 to vector<16xi32>
    %add3A_419 = arith.addi %mul3A_233, %add3A_418 : vector<16xi32>
    %add3A_420 = arith.addi %add3A_419, %add3A_416 : vector<16xi32>
    %swap3A_421 = arith.constant 7 : i32
    %swap3A_422 = arith.index_cast %swap3A_421 : i32 to index
    %swap3A_423 = arith.constant 0 : index
    %swap3A_424 = tpu.vector_load %arg12[%swap3A_422, %swap3A_423] {strides = array<i32>} : memref<26x32xi32, #tpu.memory_space<vmem>>, vector<16xi32>,
    tpu.vector_store %arg12[%swap3A_422, %swap3A_423], %add3A_420 {strides = array<i32>} : memref<26x32xi32, #tpu.memory_space<vmem>>, vector<16xi32>,
    %get3A_425 = arith.constant 8 : i32
    %get3A_426 = arith.index_cast %get3A_425 : i32 to index
    %get3A_427 = arith.constant 0 : index
    %get3A_428 = tpu.vector_load %arg9[%get3A_426, %get3A_427] {strides = array<i32>} : memref<26x32xi32, #tpu.memory_space<vmem>>, vector<16xi32>,
    %get3A_429 = arith.constant 8 : i32
    %get3A_430 = arith.index_cast %get3A_429 : i32 to index
    %get3A_431 = arith.constant 0 : index
    %get3A_432 = tpu.vector_load %arg11[%get3A_430, %get3A_431] {strides = array<i32>} : memref<26x32xi32, #tpu.memory_space<vmem>>, vector<16xi32>,
    %mul3A_433 = arith.muli %get3A_428, %get3A_432 : vector<16xi32>
    %sub3A_434 = arith.constant 1 : i32
    %sub3A_435 = vector.broadcast %sub3A_434 : i32 to vector<16xi32>
    %sub3A_436 = arith.subi %sub3A_435, %get3A_432 : vector<16xi32>
    %mul3A_437 = arith.constant 1000 : i32
    %mul3A_438 = vector.broadcast %mul3A_437 : i32 to vector<16xi32>
    %mul3A_439 = arith.muli %sub3A_436, %mul3A_438 : vector<16xi32>
    %add3A_440 = arith.addi %mul3A_433, %mul3A_439 : vector<16xi32>
    %add3A_441 = arith.constant 8008 : i32
    %add3A_442 = vector.broadcast %add3A_441 : i32 to vector<16xi32>
    %add3A_443 = arith.addi %mul3A_233, %add3A_442 : vector<16xi32>
    %add3A_444 = arith.addi %add3A_443, %add3A_440 : vector<16xi32>
    %swap3A_445 = arith.constant 8 : i32
    %swap3A_446 = arith.index_cast %swap3A_445 : i32 to index
    %swap3A_447 = arith.constant 0 : index
    %swap3A_448 = tpu.vector_load %arg12[%swap3A_446, %swap3A_447] {strides = array<i32>} : memref<26x32xi32, #tpu.memory_space<vmem>>, vector<16xi32>,
    tpu.vector_store %arg12[%swap3A_446, %swap3A_447], %add3A_444 {strides = array<i32>} : memref<26x32xi32, #tpu.memory_space<vmem>>, vector<16xi32>,
    %get3A_449 = arith.constant 9 : i32
    %get3A_450 = arith.index_cast %get3A_449 : i32 to index
    %get3A_451 = arith.constant 0 : index
    %get3A_452 = tpu.vector_load %arg9[%get3A_450, %get3A_451] {strides = array<i32>} : memref<26x32xi32, #tpu.memory_space<vmem>>, vector<16xi32>,
    %get3A_453 = arith.constant 9 : i32
    %get3A_454 = arith.index_cast %get3A_453 : i32 to index
    %get3A_455 = arith.constant 0 : index
    %get3A_456 = tpu.vector_load %arg11[%get3A_454, %get3A_455] {strides = array<i32>} : memref<26x32xi32, #tpu.memory_space<vmem>>, vector<16xi32>,
    %mul3A_457 = arith.muli %get3A_452, %get3A_456 : vector<16xi32>
    %sub3A_458 = arith.constant 1 : i32
    %sub3A_459 = vector.broadcast %sub3A_458 : i32 to vector<16xi32>
    %sub3A_460 = arith.subi %sub3A_459, %get3A_456 : vector<16xi32>
    %mul3A_461 = arith.constant 1000 : i32
    %mul3A_462 = vector.broadcast %mul3A_461 : i32 to vector<16xi32>
    %mul3A_463 = arith.muli %sub3A_460, %mul3A_462 : vector<16xi32>
    %add3A_464 = arith.addi %mul3A_457, %mul3A_463 : vector<16xi32>
    %add3A_465 = arith.constant 9009 : i32
    %add3A_466 = vector.broadcast %add3A_465 : i32 to vector<16xi32>
    %add3A_467 = arith.addi %mul3A_233, %add3A_466 : vector<16xi32>
    %add3A_468 = arith.addi %add3A_467, %add3A_464 : vector<16xi32>
    %swap3A_469 = arith.constant 9 : i32
    %swap3A_470 = arith.index_cast %swap3A_469 : i32 to index
    %swap3A_471 = arith.constant 0 : index
    %swap3A_472 = tpu.vector_load %arg12[%swap3A_470, %swap3A_471] {strides = array<i32>} : memref<26x32xi32, #tpu.memory_space<vmem>>, vector<16xi32>,
    tpu.vector_store %arg12[%swap3A_470, %swap3A_471], %add3A_468 {strides = array<i32>} : memref<26x32xi32, #tpu.memory_space<vmem>>, vector<16xi32>,
    %get3A_473 = arith.constant 10 : i32
    %get3A_474 = arith.index_cast %get3A_473 : i32 to index
    %get3A_475 = arith.constant 0 : index
    %get3A_476 = tpu.vector_load %arg9[%get3A_474, %get3A_475] {strides = array<i32>} : memref<26x32xi32, #tpu.memory_space<vmem>>, vector<16xi32>,
    %get3A_477 = arith.constant 10 : i32
    %get3A_478 = arith.index_cast %get3A_477 : i32 to index
    %get3A_479 = arith.constant 0 : index
    %get3A_480 = tpu.vector_load %arg11[%get3A_478, %get3A_479] {strides = array<i32>} : memref<26x32xi32, #tpu.memory_space<vmem>>, vector<16xi32>,
    %mul3A_481 = arith.muli %get3A_476, %get3A_480 : vector<16xi32>
    %sub3A_482 = arith.constant 1 : i32
    %sub3A_483 = vector.broadcast %sub3A_482 : i32 to vector<16xi32>
    %sub3A_484 = arith.subi %sub3A_483, %get3A_480 : vector<16xi32>
    %mul3A_485 = arith.constant 1000 : i32
    %mul3A_486 = vector.broadcast %mul3A_485 : i32 to vector<16xi32>
    %mul3A_487 = arith.muli %sub3A_484, %mul3A_486 : vector<16xi32>
    %add3A_488 = arith.addi %mul3A_481, %mul3A_487 : vector<16xi32>
    %add3A_489 = arith.constant 10010 : i32
    %add3A_490 = vector.broadcast %add3A_489 : i32 to vector<16xi32>
    %add3A_491 = arith.addi %mul3A_233, %add3A_490 : vector<16xi32>
    %add3A_492 = arith.addi %add3A_491, %add3A_488 : vector<16xi32>
    %swap3A_493 = arith.constant 10 : i32
    %swap3A_494 = arith.index_cast %swap3A_493 : i32 to index
    %swap3A_495 = arith.constant 0 : index
    %swap3A_496 = tpu.vector_load %arg12[%swap3A_494, %swap3A_495] {strides = array<i32>} : memref<26x32xi32, #tpu.memory_space<vmem>>, vector<16xi32>,
    tpu.vector_store %arg12[%swap3A_494, %swap3A_495], %add3A_492 {strides = array<i32>} : memref<26x32xi32, #tpu.memory_space<vmem>>, vector<16xi32>,
    %get3A_497 = arith.constant 11 : i32
    %get3A_498 = arith.index_cast %get3A_497 : i32 to index
    %get3A_499 = arith.constant 0 : index
    %get3A_500 = tpu.vector_load %arg9[%get3A_498, %get3A_499] {strides = array<i32>} : memref<26x32xi32, #tpu.memory_space<vmem>>, vector<16xi32>,
    %get3A_501 = arith.constant 11 : i32
    %get3A_502 = arith.index_cast %get3A_501 : i32 to index
    %get3A_503 = arith.constant 0 : index
    %get3A_504 = tpu.vector_load %arg11[%get3A_502, %get3A_503] {strides = array<i32>} : memref<26x32xi32, #tpu.memory_space<vmem>>, vector<16xi32>,
    %mul3A_505 = arith.muli %get3A_500, %get3A_504 : vector<16xi32>
    %sub3A_506 = arith.constant 1 : i32
    %sub3A_507 = vector.broadcast %sub3A_506 : i32 to vector<16xi32>
    %sub3A_508 = arith.subi %sub3A_507, %get3A_504 : vector<16xi32>
    %mul3A_509 = arith.constant 1000 : i32
    %mul3A_510 = vector.broadcast %mul3A_509 : i32 to vector<16xi32>
    %mul3A_511 = arith.muli %sub3A_508, %mul3A_510 : vector<16xi32>
    %add3A_512 = arith.addi %mul3A_505, %mul3A_511 : vector<16xi32>
    %add3A_513 = arith.constant 11011 : i32
    %add3A_514 = vector.broadcast %add3A_513 : i32 to vector<16xi32>
    %add3A_515 = arith.addi %mul3A_233, %add3A_514 : vector<16xi32>
    %add3A_516 = arith.addi %add3A_515, %add3A_512 : vector<16xi32>
    %swap3A_517 = arith.constant 11 : i32
    %swap3A_518 = arith.index_cast %swap3A_517 : i32 to index
    %swap3A_519 = arith.constant 0 : index
    %swap3A_520 = tpu.vector_load %arg12[%swap3A_518, %swap3A_519] {strides = array<i32>} : memref<26x32xi32, #tpu.memory_space<vmem>>, vector<16xi32>,
    tpu.vector_store %arg12[%swap3A_518, %swap3A_519], %add3A_516 {strides = array<i32>} : memref<26x32xi32, #tpu.memory_space<vmem>>, vector<16xi32>,
    %get3A_521 = arith.constant 12 : i32
    %get3A_522 = arith.index_cast %get3A_521 : i32 to index
    %get3A_523 = arith.constant 0 : index
    %get3A_524 = tpu.vector_load %arg9[%get3A_522, %get3A_523] {strides = array<i32>} : memref<26x32xi32, #tpu.memory_space<vmem>>, vector<16xi32>,
    %get3A_525 = arith.constant 12 : i32
    %get3A_526 = arith.index_cast %get3A_525 : i32 to index
    %get3A_527 = arith.constant 0 : index
    %get3A_528 = tpu.vector_load %arg11[%get3A_526, %get3A_527] {strides = array<i32>} : memref<26x32xi32, #tpu.memory_space<vmem>>, vector<16xi32>,
    %mul3A_529 = arith.muli %get3A_524, %get3A_528 : vector<16xi32>
    %sub3A_530 = arith.constant 1 : i32
    %sub3A_531 = vector.broadcast %sub3A_530 : i32 to vector<16xi32>
    %sub3A_532 = arith.subi %sub3A_531, %get3A_528 : vector<16xi32>
    %mul3A_533 = arith.constant 1000 : i32
    %mul3A_534 = vector.broadcast %mul3A_533 : i32 to vector<16xi32>
    %mul3A_535 = arith.muli %sub3A_532, %mul3A_534 : vector<16xi32>
    %add3A_536 = arith.addi %mul3A_529, %mul3A_535 : vector<16xi32>
    %add3A_537 = arith.constant 12012 : i32
    %add3A_538 = vector.broadcast %add3A_537 : i32 to vector<16xi32>
    %add3A_539 = arith.addi %mul3A_233, %add3A_538 : vector<16xi32>
    %add3A_540 = arith.addi %add3A_539, %add3A_536 : vector<16xi32>
    %swap3A_541 = arith.constant 12 : i32
    %swap3A_542 = arith.index_cast %swap3A_541 : i32 to index
    %swap3A_543 = arith.constant 0 : index
    %swap3A_544 = tpu.vector_load %arg12[%swap3A_542, %swap3A_543] {strides = array<i32>} : memref<26x32xi32, #tpu.memory_space<vmem>>, vector<16xi32>,
    tpu.vector_store %arg12[%swap3A_542, %swap3A_543], %add3A_540 {strides = array<i32>} : memref<26x32xi32, #tpu.memory_space<vmem>>, vector<16xi32>,
    %get3A_545 = arith.constant 13 : i32
    %get3A_546 = arith.index_cast %get3A_545 : i32 to index
    %get3A_547 = arith.constant 0 : index
    %get3A_548 = tpu.vector_load %arg9[%get3A_546, %get3A_547] {strides = array<i32>} : memref<26x32xi32, #tpu.memory_space<vmem>>, vector<16xi32>,
    %get3A_549 = arith.constant 13 : i32
    %get3A_550 = arith.index_cast %get3A_549 : i32 to index
    %get3A_551 = arith.constant 0 : index
    %get3A_552 = tpu.vector_load %arg11[%get3A_550, %get3A_551] {strides = array<i32>} : memref<26x32xi32, #tpu.memory_space<vmem>>, vector<16xi32>,
    %mul3A_553 = arith.muli %get3A_548, %get3A_552 : vector<16xi32>
    %sub3A_554 = arith.constant 1 : i32
    %sub3A_555 = vector.broadcast %sub3A_554 : i32 to vector<16xi32>
    %sub3A_556 = arith.subi %sub3A_555, %get3A_552 : vector<16xi32>
    %mul3A_557 = arith.constant 1000 : i32
    %mul3A_558 = vector.broadcast %mul3A_557 : i32 to vector<16xi32>
    %mul3A_559 = arith.muli %sub3A_556, %mul3A_558 : vector<16xi32>
    %add3A_560 = arith.addi %mul3A_553, %mul3A_559 : vector<16xi32>
    %add3A_561 = arith.constant 13013 : i32
    %add3A_562 = vector.broadcast %add3A_561 : i32 to vector<16xi32>
    %add3A_563 = arith.addi %mul3A_233, %add3A_562 : vector<16xi32>
    %add3A_564 = arith.addi %add3A_563, %add3A_560 : vector<16xi32>
    %swap3A_565 = arith.constant 13 : i32
    %swap3A_566 = arith.index_cast %swap3A_565 : i32 to index
    %swap3A_567 = arith.constant 0 : index
    %swap3A_568 = tpu.vector_load %arg12[%swap3A_566, %swap3A_567] {strides = array<i32>} : memref<26x32xi32, #tpu.memory_space<vmem>>, vector<16xi32>,
    tpu.vector_store %arg12[%swap3A_566, %swap3A_567], %add3A_564 {strides = array<i32>} : memref<26x32xi32, #tpu.memory_space<vmem>>, vector<16xi32>,
    %get3A_569 = arith.constant 14 : i32
    %get3A_570 = arith.index_cast %get3A_569 : i32 to index
    %get3A_571 = arith.constant 0 : index
    %get3A_572 = tpu.vector_load %arg9[%get3A_570, %get3A_571] {strides = array<i32>} : memref<26x32xi32, #tpu.memory_space<vmem>>, vector<16xi32>,
    %get3A_573 = arith.constant 14 : i32
    %get3A_574 = arith.index_cast %get3A_573 : i32 to index
    %get3A_575 = arith.constant 0 : index
    %get3A_576 = tpu.vector_load %arg11[%get3A_574, %get3A_575] {strides = array<i32>} : memref<26x32xi32, #tpu.memory_space<vmem>>, vector<16xi32>,
    %mul3A_577 = arith.muli %get3A_572, %get3A_576 : vector<16xi32>
    %sub3A_578 = arith.constant 1 : i32
    %sub3A_579 = vector.broadcast %sub3A_578 : i32 to vector<16xi32>
    %sub3A_580 = arith.subi %sub3A_579, %get3A_576 : vector<16xi32>
    %mul3A_581 = arith.constant 1000 : i32
    %mul3A_582 = vector.broadcast %mul3A_581 : i32 to vector<16xi32>
    %mul3A_583 = arith.muli %sub3A_580, %mul3A_582 : vector<16xi32>
    %add3A_584 = arith.addi %mul3A_577, %mul3A_583 : vector<16xi32>
    %add3A_585 = arith.constant 14014 : i32
    %add3A_586 = vector.broadcast %add3A_585 : i32 to vector<16xi32>
    %add3A_587 = arith.addi %mul3A_233, %add3A_586 : vector<16xi32>
    %add3A_588 = arith.addi %add3A_587, %add3A_584 : vector<16xi32>
    %swap3A_589 = arith.constant 14 : i32
    %swap3A_590 = arith.index_cast %swap3A_589 : i32 to index
    %swap3A_591 = arith.constant 0 : index
    %swap3A_592 = tpu.vector_load %arg12[%swap3A_590, %swap3A_591] {strides = array<i32>} : memref<26x32xi32, #tpu.memory_space<vmem>>, vector<16xi32>,
    tpu.vector_store %arg12[%swap3A_590, %swap3A_591], %add3A_588 {strides = array<i32>} : memref<26x32xi32, #tpu.memory_space<vmem>>, vector<16xi32>,
    %get3A_593 = arith.constant 15 : i32
    %get3A_594 = arith.index_cast %get3A_593 : i32 to index
    %get3A_595 = arith.constant 0 : index
    %get3A_596 = tpu.vector_load %arg9[%get3A_594, %get3A_595] {strides = array<i32>} : memref<26x32xi32, #tpu.memory_space<vmem>>, vector<16xi32>,
    %get3A_597 = arith.constant 15 : i32
    %get3A_598 = arith.index_cast %get3A_597 : i32 to index
    %get3A_599 = arith.constant 0 : index
    %get3A_600 = tpu.vector_load %arg11[%get3A_598, %get3A_599] {strides = array<i32>} : memref<26x32xi32, #tpu.memory_space<vmem>>, vector<16xi32>,
    %mul3A_601 = arith.muli %get3A_596, %get3A_600 : vector<16xi32>
    %sub3A_602 = arith.constant 1 : i32
    %sub3A_603 = vector.broadcast %sub3A_602 : i32 to vector<16xi32>
    %sub3A_604 = arith.subi %sub3A_603, %get3A_600 : vector<16xi32>
    %mul3A_605 = arith.constant 1000 : i32
    %mul3A_606 = vector.broadcast %mul3A_605 : i32 to vector<16xi32>
    %mul3A_607 = arith.muli %sub3A_604, %mul3A_606 : vector<16xi32>
    %add3A_608 = arith.addi %mul3A_601, %mul3A_607 : vector<16xi32>
    %add3A_609 = arith.constant 15015 : i32
    %add3A_610 = vector.broadcast %add3A_609 : i32 to vector<16xi32>
    %add3A_611 = arith.addi %mul3A_233, %add3A_610 : vector<16xi32>
    %add3A_612 = arith.addi %add3A_611, %add3A_608 : vector<16xi32>
    %swap3A_613 = arith.constant 15 : i32
    %swap3A_614 = arith.index_cast %swap3A_613 : i32 to index
    %swap3A_615 = arith.constant 0 : index
    %swap3A_616 = tpu.vector_load %arg12[%swap3A_614, %swap3A_615] {strides = array<i32>} : memref<26x32xi32, #tpu.memory_space<vmem>>, vector<16xi32>,
    tpu.vector_store %arg12[%swap3A_614, %swap3A_615], %add3A_612 {strides = array<i32>} : memref<26x32xi32, #tpu.memory_space<vmem>>, vector<16xi32>,
    %get3A_617 = arith.constant 16 : i32
    %get3A_618 = arith.index_cast %get3A_617 : i32 to index
    %get3A_619 = arith.constant 0 : index
    %get3A_620 = tpu.vector_load %arg9[%get3A_618, %get3A_619] {strides = array<i32>} : memref<26x32xi32, #tpu.memory_space<vmem>>, vector<16xi32>,
    %get3A_621 = arith.constant 16 : i32
    %get3A_622 = arith.index_cast %get3A_621 : i32 to index
    %get3A_623 = arith.constant 0 : index
    %get3A_624 = tpu.vector_load %arg11[%get3A_622, %get3A_623] {strides = array<i32>} : memref<26x32xi32, #tpu.memory_space<vmem>>, vector<16xi32>,
    %mul3A_625 = arith.muli %get3A_620, %get3A_624 : vector<16xi32>
    %sub3A_626 = arith.constant 1 : i32
    %sub3A_627 = vector.broadcast %sub3A_626 : i32 to vector<16xi32>
    %sub3A_628 = arith.subi %sub3A_627, %get3A_624 : vector<16xi32>
    %mul3A_629 = arith.constant 1000 : i32
    %mul3A_630 = vector.broadcast %mul3A_629 : i32 to vector<16xi32>
    %mul3A_631 = arith.muli %sub3A_628, %mul3A_630 : vector<16xi32>
    %add3A_632 = arith.addi %mul3A_625, %mul3A_631 : vector<16xi32>
    %add3A_633 = arith.constant 16016 : i32
    %add3A_634 = vector.broadcast %add3A_633 : i32 to vector<16xi32>
    %add3A_635 = arith.addi %mul3A_233, %add3A_634 : vector<16xi32>
    %add3A_636 = arith.addi %add3A_635, %add3A_632 : vector<16xi32>
    %swap3A_637 = arith.constant 16 : i32
    %swap3A_638 = arith.index_cast %swap3A_637 : i32 to index
    %swap3A_639 = arith.constant 0 : index
    %swap3A_640 = tpu.vector_load %arg12[%swap3A_638, %swap3A_639] {strides = array<i32>} : memref<26x32xi32, #tpu.memory_space<vmem>>, vector<16xi32>,
    tpu.vector_store %arg12[%swap3A_638, %swap3A_639], %add3A_636 {strides = array<i32>} : memref<26x32xi32, #tpu.memory_space<vmem>>, vector<16xi32>,
    %get3A_641 = arith.constant 17 : i32
    %get3A_642 = arith.index_cast %get3A_641 : i32 to index
    %get3A_643 = arith.constant 0 : index
    %get3A_644 = tpu.vector_load %arg9[%get3A_642, %get3A_643] {strides = array<i32>} : memref<26x32xi32, #tpu.memory_space<vmem>>, vector<16xi32>,
    %get3A_645 = arith.constant 17 : i32
    %get3A_646 = arith.index_cast %get3A_645 : i32 to index
    %get3A_647 = arith.constant 0 : index
    %get3A_648 = tpu.vector_load %arg11[%get3A_646, %get3A_647] {strides = array<i32>} : memref<26x32xi32, #tpu.memory_space<vmem>>, vector<16xi32>,
    %mul3A_649 = arith.muli %get3A_644, %get3A_648 : vector<16xi32>
    %sub3A_650 = arith.constant 1 : i32
    %sub3A_651 = vector.broadcast %sub3A_650 : i32 to vector<16xi32>
    %sub3A_652 = arith.subi %sub3A_651, %get3A_648 : vector<16xi32>
    %mul3A_653 = arith.constant 1000 : i32
    %mul3A_654 = vector.broadcast %mul3A_653 : i32 to vector<16xi32>
    %mul3A_655 = arith.muli %sub3A_652, %mul3A_654 : vector<16xi32>
    %add3A_656 = arith.addi %mul3A_649, %mul3A_655 : vector<16xi32>
    %add3A_657 = arith.constant 17017 : i32
    %add3A_658 = vector.broadcast %add3A_657 : i32 to vector<16xi32>
    %add3A_659 = arith.addi %mul3A_233, %add3A_658 : vector<16xi32>
    %add3A_660 = arith.addi %add3A_659, %add3A_656 : vector<16xi32>
    %swap3A_661 = arith.constant 17 : i32
    %swap3A_662 = arith.index_cast %swap3A_661 : i32 to index
    %swap3A_663 = arith.constant 0 : index
    %swap3A_664 = tpu.vector_load %arg12[%swap3A_662, %swap3A_663] {strides = array<i32>} : memref<26x32xi32, #tpu.memory_space<vmem>>, vector<16xi32>,
    tpu.vector_store %arg12[%swap3A_662, %swap3A_663], %add3A_660 {strides = array<i32>} : memref<26x32xi32, #tpu.memory_space<vmem>>, vector<16xi32>,
    %get3A_665 = arith.constant 18 : i32
    %get3A_666 = arith.index_cast %get3A_665 : i32 to index
    %get3A_667 = arith.constant 0 : index
    %get3A_668 = tpu.vector_load %arg9[%get3A_666, %get3A_667] {strides = array<i32>} : memref<26x32xi32, #tpu.memory_space<vmem>>, vector<16xi32>,
    %get3A_669 = arith.constant 18 : i32
    %get3A_670 = arith.index_cast %get3A_669 : i32 to index
    %get3A_671 = arith.constant 0 : index
    %get3A_672 = tpu.vector_load %arg11[%get3A_670, %get3A_671] {strides = array<i32>} : memref<26x32xi32, #tpu.memory_space<vmem>>, vector<16xi32>,
    %mul3A_673 = arith.muli %get3A_668, %get3A_672 : vector<16xi32>
    %sub3A_674 = arith.constant 1 : i32
    %sub3A_675 = vector.broadcast %sub3A_674 : i32 to vector<16xi32>
    %sub3A_676 = arith.subi %sub3A_675, %get3A_672 : vector<16xi32>
    %mul3A_677 = arith.constant 1000 : i32
    %mul3A_678 = vector.broadcast %mul3A_677 : i32 to vector<16xi32>
    %mul3A_679 = arith.muli %sub3A_676, %mul3A_678 : vector<16xi32>
    %add3A_680 = arith.addi %mul3A_673, %mul3A_679 : vector<16xi32>
    %add3A_681 = arith.constant 18018 : i32
    %add3A_682 = vector.broadcast %add3A_681 : i32 to vector<16xi32>
    %add3A_683 = arith.addi %mul3A_233, %add3A_682 : vector<16xi32>
    %add3A_684 = arith.addi %add3A_683, %add3A_680 : vector<16xi32>
    %swap3A_685 = arith.constant 18 : i32
    %swap3A_686 = arith.index_cast %swap3A_685 : i32 to index
    %swap3A_687 = arith.constant 0 : index
    %swap3A_688 = tpu.vector_load %arg12[%swap3A_686, %swap3A_687] {strides = array<i32>} : memref<26x32xi32, #tpu.memory_space<vmem>>, vector<16xi32>,
    tpu.vector_store %arg12[%swap3A_686, %swap3A_687], %add3A_684 {strides = array<i32>} : memref<26x32xi32, #tpu.memory_space<vmem>>, vector<16xi32>,
    %get3A_689 = arith.constant 19 : i32
    %get3A_690 = arith.index_cast %get3A_689 : i32 to index
    %get3A_691 = arith.constant 0 : index
    %get3A_692 = tpu.vector_load %arg9[%get3A_690, %get3A_691] {strides = array<i32>} : memref<26x32xi32, #tpu.memory_space<vmem>>, vector<16xi32>,
    %get3A_693 = arith.constant 19 : i32
    %get3A_694 = arith.index_cast %get3A_693 : i32 to index
    %get3A_695 = arith.constant 0 : index
    %get3A_696 = tpu.vector_load %arg11[%get3A_694, %get3A_695] {strides = array<i32>} : memref<26x32xi32, #tpu.memory_space<vmem>>, vector<16xi32>,
    %mul3A_697 = arith.muli %get3A_692, %get3A_696 : vector<16xi32>
    %sub3A_698 = arith.constant 1 : i32
    %sub3A_699 = vector.broadcast %sub3A_698 : i32 to vector<16xi32>
    %sub3A_700 = arith.subi %sub3A_699, %get3A_696 : vector<16xi32>
    %mul3A_701 = arith.constant 1000 : i32
    %mul3A_702 = vector.broadcast %mul3A_701 : i32 to vector<16xi32>
    %mul3A_703 = arith.muli %sub3A_700, %mul3A_702 : vector<16xi32>
    %add3A_704 = arith.addi %mul3A_697, %mul3A_703 : vector<16xi32>
    %add3A_705 = arith.constant 19019 : i32
    %add3A_706 = vector.broadcast %add3A_705 : i32 to vector<16xi32>
    %add3A_707 = arith.addi %mul3A_233, %add3A_706 : vector<16xi32>
    %add3A_708 = arith.addi %add3A_707, %add3A_704 : vector<16xi32>
    %swap3A_709 = arith.constant 19 : i32
    %swap3A_710 = arith.index_cast %swap3A_709 : i32 to index
    %swap3A_711 = arith.constant 0 : index
    %swap3A_712 = tpu.vector_load %arg12[%swap3A_710, %swap3A_711] {strides = array<i32>} : memref<26x32xi32, #tpu.memory_space<vmem>>, vector<16xi32>,
    tpu.vector_store %arg12[%swap3A_710, %swap3A_711], %add3A_708 {strides = array<i32>} : memref<26x32xi32, #tpu.memory_space<vmem>>, vector<16xi32>,
    %get3A_713 = arith.constant 20 : i32
    %get3A_714 = arith.index_cast %get3A_713 : i32 to index
    %get3A_715 = arith.constant 0 : index
    %get3A_716 = tpu.vector_load %arg9[%get3A_714, %get3A_715] {strides = array<i32>} : memref<26x32xi32, #tpu.memory_space<vmem>>, vector<16xi32>,
    %get3A_717 = arith.constant 20 : i32
    %get3A_718 = arith.index_cast %get3A_717 : i32 to index
    %get3A_719 = arith.constant 0 : index
    %get3A_720 = tpu.vector_load %arg11[%get3A_718, %get3A_719] {strides = array<i32>} : memref<26x32xi32, #tpu.memory_space<vmem>>, vector<16xi32>,
    %mul3A_721 = arith.muli %get3A_716, %get3A_720 : vector<16xi32>
    %sub3A_722 = arith.constant 1 : i32
    %sub3A_723 = vector.broadcast %sub3A_722 : i32 to vector<16xi32>
    %sub3A_724 = arith.subi %sub3A_723, %get3A_720 : vector<16xi32>
    %mul3A_725 = arith.constant 1000 : i32
    %mul3A_726 = vector.broadcast %mul3A_725 : i32 to vector<16xi32>
    %mul3A_727 = arith.muli %sub3A_724, %mul3A_726 : vector<16xi32>
    %add3A_728 = arith.addi %mul3A_721, %mul3A_727 : vector<16xi32>
    %add3A_729 = arith.constant 20020 : i32
    %add3A_730 = vector.broadcast %add3A_729 : i32 to vector<16xi32>
    %add3A_731 = arith.addi %mul3A_233, %add3A_730 : vector<16xi32>
    %add3A_732 = arith.addi %add3A_731, %add3A_728 : vector<16xi32>
    %swap3A_733 = arith.constant 20 : i32
    %swap3A_734 = arith.index_cast %swap3A_733 : i32 to index
    %swap3A_735 = arith.constant 0 : index
    %swap3A_736 = tpu.vector_load %arg12[%swap3A_734, %swap3A_735] {strides = array<i32>} : memref<26x32xi32, #tpu.memory_space<vmem>>, vector<16xi32>,
    tpu.vector_store %arg12[%swap3A_734, %swap3A_735], %add3A_732 {strides = array<i32>} : memref<26x32xi32, #tpu.memory_space<vmem>>, vector<16xi32>,
    %get3A_737 = arith.constant 21 : i32
    %get3A_738 = arith.index_cast %get3A_737 : i32 to index
    %get3A_739 = arith.constant 0 : index
    %get3A_740 = tpu.vector_load %arg9[%get3A_738, %get3A_739] {strides = array<i32>} : memref<26x32xi32, #tpu.memory_space<vmem>>, vector<16xi32>,
    %get3A_741 = arith.constant 21 : i32
    %get3A_742 = arith.index_cast %get3A_741 : i32 to index
    %get3A_743 = arith.constant 0 : index
    %get3A_744 = tpu.vector_load %arg11[%get3A_742, %get3A_743] {strides = array<i32>} : memref<26x32xi32, #tpu.memory_space<vmem>>, vector<16xi32>,
    %mul3A_745 = arith.muli %get3A_740, %get3A_744 : vector<16xi32>
    %sub3A_746 = arith.constant 1 : i32
    %sub3A_747 = vector.broadcast %sub3A_746 : i32 to vector<16xi32>
    %sub3A_748 = arith.subi %sub3A_747, %get3A_744 : vector<16xi32>
    %mul3A_749 = arith.constant 1000 : i32
    %mul3A_750 = vector.broadcast %mul3A_749 : i32 to vector<16xi32>
    %mul3A_751 = arith.muli %sub3A_748, %mul3A_750 : vector<16xi32>
    %add3A_752 = arith.addi %mul3A_745, %mul3A_751 : vector<16xi32>
    %add3A_753 = arith.constant 21021 : i32
    %add3A_754 = vector.broadcast %add3A_753 : i32 to vector<16xi32>
    %add3A_755 = arith.addi %mul3A_233, %add3A_754 : vector<16xi32>
    %add3A_756 = arith.addi %add3A_755, %add3A_752 : vector<16xi32>
    %swap3A_757 = arith.constant 21 : i32
    %swap3A_758 = arith.index_cast %swap3A_757 : i32 to index
    %swap3A_759 = arith.constant 0 : index
    %swap3A_760 = tpu.vector_load %arg12[%swap3A_758, %swap3A_759] {strides = array<i32>} : memref<26x32xi32, #tpu.memory_space<vmem>>, vector<16xi32>,
    tpu.vector_store %arg12[%swap3A_758, %swap3A_759], %add3A_756 {strides = array<i32>} : memref<26x32xi32, #tpu.memory_space<vmem>>, vector<16xi32>,
    %get3A_761 = arith.constant 22 : i32
    %get3A_762 = arith.index_cast %get3A_761 : i32 to index
    %get3A_763 = arith.constant 0 : index
    %get3A_764 = tpu.vector_load %arg9[%get3A_762, %get3A_763] {strides = array<i32>} : memref<26x32xi32, #tpu.memory_space<vmem>>, vector<16xi32>,
    %get3A_765 = arith.constant 22 : i32
    %get3A_766 = arith.index_cast %get3A_765 : i32 to index
    %get3A_767 = arith.constant 0 : index
    %get3A_768 = tpu.vector_load %arg11[%get3A_766, %get3A_767] {strides = array<i32>} : memref<26x32xi32, #tpu.memory_space<vmem>>, vector<16xi32>,
    %mul3A_769 = arith.muli %get3A_764, %get3A_768 : vector<16xi32>
    %sub3A_770 = arith.constant 1 : i32
    %sub3A_771 = vector.broadcast %sub3A_770 : i32 to vector<16xi32>
    %sub3A_772 = arith.subi %sub3A_771, %get3A_768 : vector<16xi32>
    %mul3A_773 = arith.constant 1000 : i32
    %mul3A_774 = vector.broadcast %mul3A_773 : i32 to vector<16xi32>
    %mul3A_775 = arith.muli %sub3A_772, %mul3A_774 : vector<16xi32>
    %add3A_776 = arith.addi %mul3A_769, %mul3A_775 : vector<16xi32>
    %add3A_777 = arith.constant 22022 : i32
    %add3A_778 = vector.broadcast %add3A_777 : i32 to vector<16xi32>
    %add3A_779 = arith.addi %mul3A_233, %add3A_778 : vector<16xi32>
    %add3A_780 = arith.addi %add3A_779, %add3A_776 : vector<16xi32>
    %swap3A_781 = arith.constant 22 : i32
    %swap3A_782 = arith.index_cast %swap3A_781 : i32 to index
    %swap3A_783 = arith.constant 0 : index
    %swap3A_784 = tpu.vector_load %arg12[%swap3A_782, %swap3A_783] {strides = array<i32>} : memref<26x32xi32, #tpu.memory_space<vmem>>, vector<16xi32>,
    tpu.vector_store %arg12[%swap3A_782, %swap3A_783], %add3A_780 {strides = array<i32>} : memref<26x32xi32, #tpu.memory_space<vmem>>, vector<16xi32>,
    %get3A_785 = arith.constant 23 : i32
    %get3A_786 = arith.index_cast %get3A_785 : i32 to index
    %get3A_787 = arith.constant 0 : index
    %get3A_788 = tpu.vector_load %arg9[%get3A_786, %get3A_787] {strides = array<i32>} : memref<26x32xi32, #tpu.memory_space<vmem>>, vector<16xi32>,
    %get3A_789 = arith.constant 23 : i32
    %get3A_790 = arith.index_cast %get3A_789 : i32 to index
    %get3A_791 = arith.constant 0 : index
    %get3A_792 = tpu.vector_load %arg11[%get3A_790, %get3A_791] {strides = array<i32>} : memref<26x32xi32, #tpu.memory_space<vmem>>, vector<16xi32>,
    %mul3A_793 = arith.muli %get3A_788, %get3A_792 : vector<16xi32>
    %sub3A_794 = arith.constant 1 : i32
    %sub3A_795 = vector.broadcast %sub3A_794 : i32 to vector<16xi32>
    %sub3A_796 = arith.subi %sub3A_795, %get3A_792 : vector<16xi32>
    %mul3A_797 = arith.constant 1000 : i32
    %mul3A_798 = vector.broadcast %mul3A_797 : i32 to vector<16xi32>
    %mul3A_799 = arith.muli %sub3A_796, %mul3A_798 : vector<16xi32>
    %add3A_800 = arith.addi %mul3A_793, %mul3A_799 : vector<16xi32>
    %add3A_801 = arith.constant 23023 : i32
    %add3A_802 = vector.broadcast %add3A_801 : i32 to vector<16xi32>
    %add3A_803 = arith.addi %mul3A_233, %add3A_802 : vector<16xi32>
    %add3A_804 = arith.addi %add3A_803, %add3A_800 : vector<16xi32>
    %swap3A_805 = arith.constant 23 : i32
    %swap3A_806 = arith.index_cast %swap3A_805 : i32 to index
    %swap3A_807 = arith.constant 0 : index
    %swap3A_808 = tpu.vector_load %arg12[%swap3A_806, %swap3A_807] {strides = array<i32>} : memref<26x32xi32, #tpu.memory_space<vmem>>, vector<16xi32>,
    tpu.vector_store %arg12[%swap3A_806, %swap3A_807], %add3A_804 {strides = array<i32>} : memref<26x32xi32, #tpu.memory_space<vmem>>, vector<16xi32>,
    %get3A_809 = arith.constant 24 : i32
    %get3A_810 = arith.index_cast %get3A_809 : i32 to index
    %get3A_811 = arith.constant 0 : index
    %get3A_812 = tpu.vector_load %arg9[%get3A_810, %get3A_811] {strides = array<i32>} : memref<26x32xi32, #tpu.memory_space<vmem>>, vector<16xi32>,
    %get3A_813 = arith.constant 24 : i32
    %get3A_814 = arith.index_cast %get3A_813 : i32 to index
    %get3A_815 = arith.constant 0 : index
    %get3A_816 = tpu.vector_load %arg11[%get3A_814, %get3A_815] {strides = array<i32>} : memref<26x32xi32, #tpu.memory_space<vmem>>, vector<16xi32>,
    %mul3A_817 = arith.muli %get3A_812, %get3A_816 : vector<16xi32>
    %sub3A_818 = arith.constant 1 : i32
    %sub3A_819 = vector.broadcast %sub3A_818 : i32 to vector<16xi32>
    %sub3A_820 = arith.subi %sub3A_819, %get3A_816 : vector<16xi32>
    %mul3A_821 = arith.constant 1000 : i32
    %mul3A_822 = vector.broadcast %mul3A_821 : i32 to vector<16xi32>
    %mul3A_823 = arith.muli %sub3A_820, %mul3A_822 : vector<16xi32>
    %add3A_824 = arith.addi %mul3A_817, %mul3A_823 : vector<16xi32>
    %add3A_825 = arith.constant 24024 : i32
    %add3A_826 = vector.broadcast %add3A_825 : i32 to vector<16xi32>
    %add3A_827 = arith.addi %mul3A_233, %add3A_826 : vector<16xi32>
    %add3A_828 = arith.addi %add3A_827, %add3A_824 : vector<16xi32>
    %swap3A_829 = arith.constant 24 : i32
    %swap3A_830 = arith.index_cast %swap3A_829 : i32 to index
    %swap3A_831 = arith.constant 0 : index
    %swap3A_832 = tpu.vector_load %arg12[%swap3A_830, %swap3A_831] {strides = array<i32>} : memref<26x32xi32, #tpu.memory_space<vmem>>, vector<16xi32>,
    tpu.vector_store %arg12[%swap3A_830, %swap3A_831], %add3A_828 {strides = array<i32>} : memref<26x32xi32, #tpu.memory_space<vmem>>, vector<16xi32>,
    %get3A_833 = arith.constant 25 : i32
    %get3A_834 = arith.index_cast %get3A_833 : i32 to index
    %get3A_835 = arith.constant 0 : index
    %get3A_836 = tpu.vector_load %arg9[%get3A_834, %get3A_835] {strides = array<i32>} : memref<26x32xi32, #tpu.memory_space<vmem>>, vector<16xi32>,
    %get3A_837 = arith.constant 25 : i32
    %get3A_838 = arith.index_cast %get3A_837 : i32 to index
    %get3A_839 = arith.constant 0 : index
    %get3A_840 = tpu.vector_load %arg11[%get3A_838, %get3A_839] {strides = array<i32>} : memref<26x32xi32, #tpu.memory_space<vmem>>, vector<16xi32>,
    %mul3A_841 = arith.muli %get3A_836, %get3A_840 : vector<16xi32>
    %sub3A_842 = arith.constant 1 : i32
    %sub3A_843 = vector.broadcast %sub3A_842 : i32 to vector<16xi32>
    %sub3A_844 = arith.subi %sub3A_843, %get3A_840 : vector<16xi32>
    %mul3A_845 = arith.constant 1000 : i32
    %mul3A_846 = vector.broadcast %mul3A_845 : i32 to vector<16xi32>
    %mul3A_847 = arith.muli %sub3A_844, %mul3A_846 : vector<16xi32>
    %add3A_848 = arith.addi %mul3A_841, %mul3A_847 : vector<16xi32>
    %add3A_849 = arith.constant 25025 : i32
    %add3A_850 = vector.broadcast %add3A_849 : i32 to vector<16xi32>
    %add3A_851 = arith.addi %mul3A_233, %add3A_850 : vector<16xi32>
    %add3A_852 = arith.addi %add3A_851, %add3A_848 : vector<16xi32>
    %swap3A_853 = arith.constant 25 : i32
    %swap3A_854 = arith.index_cast %swap3A_853 : i32 to index
    %swap3A_855 = arith.constant 0 : index
    %swap3A_856 = tpu.vector_load %arg12[%swap3A_854, %swap3A_855] {strides = array<i32>} : memref<26x32xi32, #tpu.memory_space<vmem>>, vector<16xi32>,
    tpu.vector_store %arg12[%swap3A_854, %swap3A_855], %add3A_852 {strides = array<i32>} : memref<26x32xi32, #tpu.memory_space<vmem>>, vector<16xi32>,
    %get3A_857 = arith.constant 0 : i32
    %get3A_858 = arith.index_cast %get3A_857 : i32 to index
    %get3A_859 = arith.constant 16 : index
    %get3A_860 = tpu.vector_load %arg10[%get3A_858, %get3A_859] {strides = array<i32>} : memref<26x32xf32, #tpu.memory_space<vmem>>, vector<16xf32>,
    %broadcast_in_dim3A_861 = arith.constant 0 : i32
    %broadcast_in_dim3A_862 = vector.broadcast %broadcast_in_dim3A_861 : i32 to vector<16xi32>
    %get3A_863 = arith.constant 1 : i32
    %get3A_864 = arith.index_cast %get3A_863 : i32 to index
    %get3A_865 = arith.constant 16 : index
    %get3A_866 = tpu.vector_load %arg10[%get3A_864, %get3A_865] {strides = array<i32>} : memref<26x32xf32, #tpu.memory_space<vmem>>, vector<16xf32>,
    %gt3A_867 = arith.cmpf ogt, %get3A_866, %get3A_860 : vector<16xf32>
    %broadcast_in_dim3A_868 = arith.constant 1 : i32
    %broadcast_in_dim3A_869 = vector.broadcast %broadcast_in_dim3A_868 : i32 to vector<16xi32>
    %select_n3A_870 = arith.select %gt3A_867, %broadcast_in_dim3A_869, %broadcast_in_dim3A_862 : vector<16xi1>, vector<16xi32>
    %select_n3A_871 = arith.select %gt3A_867, %get3A_866, %get3A_860 : vector<16xi1>, vector<16xf32>
    %get3A_872 = arith.constant 2 : i32
    %get3A_873 = arith.index_cast %get3A_872 : i32 to index
    %get3A_874 = arith.constant 16 : index
    %get3A_875 = tpu.vector_load %arg10[%get3A_873, %get3A_874] {strides = array<i32>} : memref<26x32xf32, #tpu.memory_space<vmem>>, vector<16xf32>,
    %gt3A_876 = arith.cmpf ogt, %get3A_875, %select_n3A_871 : vector<16xf32>
    %broadcast_in_dim3A_877 = arith.constant 2 : i32
    %broadcast_in_dim3A_878 = vector.broadcast %broadcast_in_dim3A_877 : i32 to vector<16xi32>
    %select_n3A_879 = arith.select %gt3A_876, %broadcast_in_dim3A_878, %select_n3A_870 : vector<16xi1>, vector<16xi32>
    %select_n3A_880 = arith.select %gt3A_876, %get3A_875, %select_n3A_871 : vector<16xi1>, vector<16xf32>
    %get3A_881 = arith.constant 3 : i32
    %get3A_882 = arith.index_cast %get3A_881 : i32 to index
    %get3A_883 = arith.constant 16 : index
    %get3A_884 = tpu.vector_load %arg10[%get3A_882, %get3A_883] {strides = array<i32>} : memref<26x32xf32, #tpu.memory_space<vmem>>, vector<16xf32>,
    %gt3A_885 = arith.cmpf ogt, %get3A_884, %select_n3A_880 : vector<16xf32>
    %broadcast_in_dim3A_886 = arith.constant 3 : i32
    %broadcast_in_dim3A_887 = vector.broadcast %broadcast_in_dim3A_886 : i32 to vector<16xi32>
    %select_n3A_888 = arith.select %gt3A_885, %broadcast_in_dim3A_887, %select_n3A_879 : vector<16xi1>, vector<16xi32>
    %select_n3A_889 = arith.select %gt3A_885, %get3A_884, %select_n3A_880 : vector<16xi1>, vector<16xf32>
    %get3A_890 = arith.constant 4 : i32
    %get3A_891 = arith.index_cast %get3A_890 : i32 to index
    %get3A_892 = arith.constant 16 : index
    %get3A_893 = tpu.vector_load %arg10[%get3A_891, %get3A_892] {strides = array<i32>} : memref<26x32xf32, #tpu.memory_space<vmem>>, vector<16xf32>,
    %gt3A_894 = arith.cmpf ogt, %get3A_893, %select_n3A_889 : vector<16xf32>
    %broadcast_in_dim3A_895 = arith.constant 4 : i32
    %broadcast_in_dim3A_896 = vector.broadcast %broadcast_in_dim3A_895 : i32 to vector<16xi32>
    %select_n3A_897 = arith.select %gt3A_894, %broadcast_in_dim3A_896, %select_n3A_888 : vector<16xi1>, vector<16xi32>
    %select_n3A_898 = arith.select %gt3A_894, %get3A_893, %select_n3A_889 : vector<16xi1>, vector<16xf32>
    %get3A_899 = arith.constant 5 : i32
    %get3A_900 = arith.index_cast %get3A_899 : i32 to index
    %get3A_901 = arith.constant 16 : index
    %get3A_902 = tpu.vector_load %arg10[%get3A_900, %get3A_901] {strides = array<i32>} : memref<26x32xf32, #tpu.memory_space<vmem>>, vector<16xf32>,
    %gt3A_903 = arith.cmpf ogt, %get3A_902, %select_n3A_898 : vector<16xf32>
    %broadcast_in_dim3A_904 = arith.constant 5 : i32
    %broadcast_in_dim3A_905 = vector.broadcast %broadcast_in_dim3A_904 : i32 to vector<16xi32>
    %select_n3A_906 = arith.select %gt3A_903, %broadcast_in_dim3A_905, %select_n3A_897 : vector<16xi1>, vector<16xi32>
    %select_n3A_907 = arith.select %gt3A_903, %get3A_902, %select_n3A_898 : vector<16xi1>, vector<16xf32>
    %get3A_908 = arith.constant 6 : i32
    %get3A_909 = arith.index_cast %get3A_908 : i32 to index
    %get3A_910 = arith.constant 16 : index
    %get3A_911 = tpu.vector_load %arg10[%get3A_909, %get3A_910] {strides = array<i32>} : memref<26x32xf32, #tpu.memory_space<vmem>>, vector<16xf32>,
    %gt3A_912 = arith.cmpf ogt, %get3A_911, %select_n3A_907 : vector<16xf32>
    %broadcast_in_dim3A_913 = arith.constant 6 : i32
    %broadcast_in_dim3A_914 = vector.broadcast %broadcast_in_dim3A_913 : i32 to vector<16xi32>
    %select_n3A_915 = arith.select %gt3A_912, %broadcast_in_dim3A_914, %select_n3A_906 : vector<16xi1>, vector<16xi32>
    %select_n3A_916 = arith.select %gt3A_912, %get3A_911, %select_n3A_907 : vector<16xi1>, vector<16xf32>
    %get3A_917 = arith.constant 7 : i32
    %get3A_918 = arith.index_cast %get3A_917 : i32 to index
    %get3A_919 = arith.constant 16 : index
    %get3A_920 = tpu.vector_load %arg10[%get3A_918, %get3A_919] {strides = array<i32>} : memref<26x32xf32, #tpu.memory_space<vmem>>, vector<16xf32>,
    %gt3A_921 = arith.cmpf ogt, %get3A_920, %select_n3A_916 : vector<16xf32>
    %broadcast_in_dim3A_922 = arith.constant 7 : i32
    %broadcast_in_dim3A_923 = vector.broadcast %broadcast_in_dim3A_922 : i32 to vector<16xi32>
    %select_n3A_924 = arith.select %gt3A_921, %broadcast_in_dim3A_923, %select_n3A_915 : vector<16xi1>, vector<16xi32>
    %select_n3A_925 = arith.select %gt3A_921, %get3A_920, %select_n3A_916 : vector<16xi1>, vector<16xf32>
    %get3A_926 = arith.constant 8 : i32
    %get3A_927 = arith.index_cast %get3A_926 : i32 to index
    %get3A_928 = arith.constant 16 : index
    %get3A_929 = tpu.vector_load %arg10[%get3A_927, %get3A_928] {strides = array<i32>} : memref<26x32xf32, #tpu.memory_space<vmem>>, vector<16xf32>,
    %gt3A_930 = arith.cmpf ogt, %get3A_929, %select_n3A_925 : vector<16xf32>
    %broadcast_in_dim3A_931 = arith.constant 8 : i32
    %broadcast_in_dim3A_932 = vector.broadcast %broadcast_in_dim3A_931 : i32 to vector<16xi32>
    %select_n3A_933 = arith.select %gt3A_930, %broadcast_in_dim3A_932, %select_n3A_924 : vector<16xi1>, vector<16xi32>
    %select_n3A_934 = arith.select %gt3A_930, %get3A_929, %select_n3A_925 : vector<16xi1>, vector<16xf32>
    %get3A_935 = arith.constant 9 : i32
    %get3A_936 = arith.index_cast %get3A_935 : i32 to index
    %get3A_937 = arith.constant 16 : index
    %get3A_938 = tpu.vector_load %arg10[%get3A_936, %get3A_937] {strides = array<i32>} : memref<26x32xf32, #tpu.memory_space<vmem>>, vector<16xf32>,
    %gt3A_939 = arith.cmpf ogt, %get3A_938, %select_n3A_934 : vector<16xf32>
    %broadcast_in_dim3A_940 = arith.constant 9 : i32
    %broadcast_in_dim3A_941 = vector.broadcast %broadcast_in_dim3A_940 : i32 to vector<16xi32>
    %select_n3A_942 = arith.select %gt3A_939, %broadcast_in_dim3A_941, %select_n3A_933 : vector<16xi1>, vector<16xi32>
    %select_n3A_943 = arith.select %gt3A_939, %get3A_938, %select_n3A_934 : vector<16xi1>, vector<16xf32>
    %get3A_944 = arith.constant 10 : i32
    %get3A_945 = arith.index_cast %get3A_944 : i32 to index
    %get3A_946 = arith.constant 16 : index
    %get3A_947 = tpu.vector_load %arg10[%get3A_945, %get3A_946] {strides = array<i32>} : memref<26x32xf32, #tpu.memory_space<vmem>>, vector<16xf32>,
    %gt3A_948 = arith.cmpf ogt, %get3A_947, %select_n3A_943 : vector<16xf32>
    %broadcast_in_dim3A_949 = arith.constant 10 : i32
    %broadcast_in_dim3A_950 = vector.broadcast %broadcast_in_dim3A_949 : i32 to vector<16xi32>
    %select_n3A_951 = arith.select %gt3A_948, %broadcast_in_dim3A_950, %select_n3A_942 : vector<16xi1>, vector<16xi32>
    %select_n3A_952 = arith.select %gt3A_948, %get3A_947, %select_n3A_943 : vector<16xi1>, vector<16xf32>
    %get3A_953 = arith.constant 11 : i32
    %get3A_954 = arith.index_cast %get3A_953 : i32 to index
    %get3A_955 = arith.constant 16 : index
    %get3A_956 = tpu.vector_load %arg10[%get3A_954, %get3A_955] {strides = array<i32>} : memref<26x32xf32, #tpu.memory_space<vmem>>, vector<16xf32>,
    %gt3A_957 = arith.cmpf ogt, %get3A_956, %select_n3A_952 : vector<16xf32>
    %broadcast_in_dim3A_958 = arith.constant 11 : i32
    %broadcast_in_dim3A_959 = vector.broadcast %broadcast_in_dim3A_958 : i32 to vector<16xi32>
    %select_n3A_960 = arith.select %gt3A_957, %broadcast_in_dim3A_959, %select_n3A_951 : vector<16xi1>, vector<16xi32>
    %select_n3A_961 = arith.select %gt3A_957, %get3A_956, %select_n3A_952 : vector<16xi1>, vector<16xf32>
    %get3A_962 = arith.constant 12 : i32
    %get3A_963 = arith.index_cast %get3A_962 : i32 to index
    %get3A_964 = arith.constant 16 : index
    %get3A_965 = tpu.vector_load %arg10[%get3A_963, %get3A_964] {strides = array<i32>} : memref<26x32xf32, #tpu.memory_space<vmem>>, vector<16xf32>,
    %gt3A_966 = arith.cmpf ogt, %get3A_965, %select_n3A_961 : vector<16xf32>
    %broadcast_in_dim3A_967 = arith.constant 12 : i32
    %broadcast_in_dim3A_968 = vector.broadcast %broadcast_in_dim3A_967 : i32 to vector<16xi32>
    %select_n3A_969 = arith.select %gt3A_966, %broadcast_in_dim3A_968, %select_n3A_960 : vector<16xi1>, vector<16xi32>
    %select_n3A_970 = arith.select %gt3A_966, %get3A_965, %select_n3A_961 : vector<16xi1>, vector<16xf32>
    %get3A_971 = arith.constant 13 : i32
    %get3A_972 = arith.index_cast %get3A_971 : i32 to index
    %get3A_973 = arith.constant 16 : index
    %get3A_974 = tpu.vector_load %arg10[%get3A_972, %get3A_973] {strides = array<i32>} : memref<26x32xf32, #tpu.memory_space<vmem>>, vector<16xf32>,
    %gt3A_975 = arith.cmpf ogt, %get3A_974, %select_n3A_970 : vector<16xf32>
    %broadcast_in_dim3A_976 = arith.constant 13 : i32
    %broadcast_in_dim3A_977 = vector.broadcast %broadcast_in_dim3A_976 : i32 to vector<16xi32>
    %select_n3A_978 = arith.select %gt3A_975, %broadcast_in_dim3A_977, %select_n3A_969 : vector<16xi1>, vector<16xi32>
    %select_n3A_979 = arith.select %gt3A_975, %get3A_974, %select_n3A_970 : vector<16xi1>, vector<16xf32>
    %get3A_980 = arith.constant 14 : i32
    %get3A_981 = arith.index_cast %get3A_980 : i32 to index
    %get3A_982 = arith.constant 16 : index
    %get3A_983 = tpu.vector_load %arg10[%get3A_981, %get3A_982] {strides = array<i32>} : memref<26x32xf32, #tpu.memory_space<vmem>>, vector<16xf32>,
    %gt3A_984 = arith.cmpf ogt, %get3A_983, %select_n3A_979 : vector<16xf32>
    %broadcast_in_dim3A_985 = arith.constant 14 : i32
    %broadcast_in_dim3A_986 = vector.broadcast %broadcast_in_dim3A_985 : i32 to vector<16xi32>
    %select_n3A_987 = arith.select %gt3A_984, %broadcast_in_dim3A_986, %select_n3A_978 : vector<16xi1>, vector<16xi32>
    %select_n3A_988 = arith.select %gt3A_984, %get3A_983, %select_n3A_979 : vector<16xi1>, vector<16xf32>
    %get3A_989 = arith.constant 15 : i32
    %get3A_990 = arith.index_cast %get3A_989 : i32 to index
    %get3A_991 = arith.constant 16 : index
    %get3A_992 = tpu.vector_load %arg10[%get3A_990, %get3A_991] {strides = array<i32>} : memref<26x32xf32, #tpu.memory_space<vmem>>, vector<16xf32>,
    %gt3A_993 = arith.cmpf ogt, %get3A_992, %select_n3A_988 : vector<16xf32>
    %broadcast_in_dim3A_994 = arith.constant 15 : i32
    %broadcast_in_dim3A_995 = vector.broadcast %broadcast_in_dim3A_994 : i32 to vector<16xi32>
    %select_n3A_996 = arith.select %gt3A_993, %broadcast_in_dim3A_995, %select_n3A_987 : vector<16xi1>, vector<16xi32>
    %select_n3A_997 = arith.select %gt3A_993, %get3A_992, %select_n3A_988 : vector<16xi1>, vector<16xf32>
    %get3A_998 = arith.constant 16 : i32
    %get3A_999 = arith.index_cast %get3A_998 : i32 to index
    %get3A_1000 = arith.constant 16 : index
    %get3A_1001 = tpu.vector_load %arg10[%get3A_999, %get3A_1000] {strides = array<i32>} : memref<26x32xf32, #tpu.memory_space<vmem>>, vector<16xf32>,
    %gt3A_1002 = arith.cmpf ogt, %get3A_1001, %select_n3A_997 : vector<16xf32>
    %broadcast_in_dim3A_1003 = arith.constant 16 : i32
    %broadcast_in_dim3A_1004 = vector.broadcast %broadcast_in_dim3A_1003 : i32 to vector<16xi32>
    %select_n3A_1005 = arith.select %gt3A_1002, %broadcast_in_dim3A_1004, %select_n3A_996 : vector<16xi1>, vector<16xi32>
    %select_n3A_1006 = arith.select %gt3A_1002, %get3A_1001, %select_n3A_997 : vector<16xi1>, vector<16xf32>
    %get3A_1007 = arith.constant 17 : i32
    %get3A_1008 = arith.index_cast %get3A_1007 : i32 to index
    %get3A_1009 = arith.constant 16 : index
    %get3A_1010 = tpu.vector_load %arg10[%get3A_1008, %get3A_1009] {strides = array<i32>} : memref<26x32xf32, #tpu.memory_space<vmem>>, vector<16xf32>,
    %gt3A_1011 = arith.cmpf ogt, %get3A_1010, %select_n3A_1006 : vector<16xf32>
    %broadcast_in_dim3A_1012 = arith.constant 17 : i32
    %broadcast_in_dim3A_1013 = vector.broadcast %broadcast_in_dim3A_1012 : i32 to vector<16xi32>
    %select_n3A_1014 = arith.select %gt3A_1011, %broadcast_in_dim3A_1013, %select_n3A_1005 : vector<16xi1>, vector<16xi32>
    %select_n3A_1015 = arith.select %gt3A_1011, %get3A_1010, %select_n3A_1006 : vector<16xi1>, vector<16xf32>
    %get3A_1016 = arith.constant 18 : i32
    %get3A_1017 = arith.index_cast %get3A_1016 : i32 to index
    %get3A_1018 = arith.constant 16 : index
    %get3A_1019 = tpu.vector_load %arg10[%get3A_1017, %get3A_1018] {strides = array<i32>} : memref<26x32xf32, #tpu.memory_space<vmem>>, vector<16xf32>,
    %gt3A_1020 = arith.cmpf ogt, %get3A_1019, %select_n3A_1015 : vector<16xf32>
    %broadcast_in_dim3A_1021 = arith.constant 18 : i32
    %broadcast_in_dim3A_1022 = vector.broadcast %broadcast_in_dim3A_1021 : i32 to vector<16xi32>
    %select_n3A_1023 = arith.select %gt3A_1020, %broadcast_in_dim3A_1022, %select_n3A_1014 : vector<16xi1>, vector<16xi32>
    %select_n3A_1024 = arith.select %gt3A_1020, %get3A_1019, %select_n3A_1015 : vector<16xi1>, vector<16xf32>
    %get3A_1025 = arith.constant 19 : i32
    %get3A_1026 = arith.index_cast %get3A_1025 : i32 to index
    %get3A_1027 = arith.constant 16 : index
    %get3A_1028 = tpu.vector_load %arg10[%get3A_1026, %get3A_1027] {strides = array<i32>} : memref<26x32xf32, #tpu.memory_space<vmem>>, vector<16xf32>,
    %gt3A_1029 = arith.cmpf ogt, %get3A_1028, %select_n3A_1024 : vector<16xf32>
    %broadcast_in_dim3A_1030 = arith.constant 19 : i32
    %broadcast_in_dim3A_1031 = vector.broadcast %broadcast_in_dim3A_1030 : i32 to vector<16xi32>
    %select_n3A_1032 = arith.select %gt3A_1029, %broadcast_in_dim3A_1031, %select_n3A_1023 : vector<16xi1>, vector<16xi32>
    %select_n3A_1033 = arith.select %gt3A_1029, %get3A_1028, %select_n3A_1024 : vector<16xi1>, vector<16xf32>
    %get3A_1034 = arith.constant 20 : i32
    %get3A_1035 = arith.index_cast %get3A_1034 : i32 to index
    %get3A_1036 = arith.constant 16 : index
    %get3A_1037 = tpu.vector_load %arg10[%get3A_1035, %get3A_1036] {strides = array<i32>} : memref<26x32xf32, #tpu.memory_space<vmem>>, vector<16xf32>,
    %gt3A_1038 = arith.cmpf ogt, %get3A_1037, %select_n3A_1033 : vector<16xf32>
    %broadcast_in_dim3A_1039 = arith.constant 20 : i32
    %broadcast_in_dim3A_1040 = vector.broadcast %broadcast_in_dim3A_1039 : i32 to vector<16xi32>
    %select_n3A_1041 = arith.select %gt3A_1038, %broadcast_in_dim3A_1040, %select_n3A_1032 : vector<16xi1>, vector<16xi32>
    %select_n3A_1042 = arith.select %gt3A_1038, %get3A_1037, %select_n3A_1033 : vector<16xi1>, vector<16xf32>
    %get3A_1043 = arith.constant 21 : i32
    %get3A_1044 = arith.index_cast %get3A_1043 : i32 to index
    %get3A_1045 = arith.constant 16 : index
    %get3A_1046 = tpu.vector_load %arg10[%get3A_1044, %get3A_1045] {strides = array<i32>} : memref<26x32xf32, #tpu.memory_space<vmem>>, vector<16xf32>,
    %gt3A_1047 = arith.cmpf ogt, %get3A_1046, %select_n3A_1042 : vector<16xf32>
    %broadcast_in_dim3A_1048 = arith.constant 21 : i32
    %broadcast_in_dim3A_1049 = vector.broadcast %broadcast_in_dim3A_1048 : i32 to vector<16xi32>
    %select_n3A_1050 = arith.select %gt3A_1047, %broadcast_in_dim3A_1049, %select_n3A_1041 : vector<16xi1>, vector<16xi32>
    %select_n3A_1051 = arith.select %gt3A_1047, %get3A_1046, %select_n3A_1042 : vector<16xi1>, vector<16xf32>
    %get3A_1052 = arith.constant 22 : i32
    %get3A_1053 = arith.index_cast %get3A_1052 : i32 to index
    %get3A_1054 = arith.constant 16 : index
    %get3A_1055 = tpu.vector_load %arg10[%get3A_1053, %get3A_1054] {strides = array<i32>} : memref<26x32xf32, #tpu.memory_space<vmem>>, vector<16xf32>,
    %gt3A_1056 = arith.cmpf ogt, %get3A_1055, %select_n3A_1051 : vector<16xf32>
    %broadcast_in_dim3A_1057 = arith.constant 22 : i32
    %broadcast_in_dim3A_1058 = vector.broadcast %broadcast_in_dim3A_1057 : i32 to vector<16xi32>
    %select_n3A_1059 = arith.select %gt3A_1056, %broadcast_in_dim3A_1058, %select_n3A_1050 : vector<16xi1>, vector<16xi32>
    %select_n3A_1060 = arith.select %gt3A_1056, %get3A_1055, %select_n3A_1051 : vector<16xi1>, vector<16xf32>
    %get3A_1061 = arith.constant 23 : i32
    %get3A_1062 = arith.index_cast %get3A_1061 : i32 to index
    %get3A_1063 = arith.constant 16 : index
    %get3A_1064 = tpu.vector_load %arg10[%get3A_1062, %get3A_1063] {strides = array<i32>} : memref<26x32xf32, #tpu.memory_space<vmem>>, vector<16xf32>,
    %gt3A_1065 = arith.cmpf ogt, %get3A_1064, %select_n3A_1060 : vector<16xf32>
    %broadcast_in_dim3A_1066 = arith.constant 23 : i32
    %broadcast_in_dim3A_1067 = vector.broadcast %broadcast_in_dim3A_1066 : i32 to vector<16xi32>
    %select_n3A_1068 = arith.select %gt3A_1065, %broadcast_in_dim3A_1067, %select_n3A_1059 : vector<16xi1>, vector<16xi32>
    %select_n3A_1069 = arith.select %gt3A_1065, %get3A_1064, %select_n3A_1060 : vector<16xi1>, vector<16xf32>
    %get3A_1070 = arith.constant 24 : i32
    %get3A_1071 = arith.index_cast %get3A_1070 : i32 to index
    %get3A_1072 = arith.constant 16 : index
    %get3A_1073 = tpu.vector_load %arg10[%get3A_1071, %get3A_1072] {strides = array<i32>} : memref<26x32xf32, #tpu.memory_space<vmem>>, vector<16xf32>,
    %gt3A_1074 = arith.cmpf ogt, %get3A_1073, %select_n3A_1069 : vector<16xf32>
    %broadcast_in_dim3A_1075 = arith.constant 24 : i32
    %broadcast_in_dim3A_1076 = vector.broadcast %broadcast_in_dim3A_1075 : i32 to vector<16xi32>
    %select_n3A_1077 = arith.select %gt3A_1074, %broadcast_in_dim3A_1076, %select_n3A_1068 : vector<16xi1>, vector<16xi32>
    %select_n3A_1078 = arith.select %gt3A_1074, %get3A_1073, %select_n3A_1069 : vector<16xi1>, vector<16xf32>
    %get3A_1079 = arith.constant 25 : i32
    %get3A_1080 = arith.index_cast %get3A_1079 : i32 to index
    %get3A_1081 = arith.constant 16 : index
    %get3A_1082 = tpu.vector_load %arg10[%get3A_1080, %get3A_1081] {strides = array<i32>} : memref<26x32xf32, #tpu.memory_space<vmem>>, vector<16xf32>,
    %gt3A_1083 = arith.cmpf ogt, %get3A_1082, %select_n3A_1078 : vector<16xf32>
    %broadcast_in_dim3A_1084 = arith.constant 25 : i32
    %broadcast_in_dim3A_1085 = vector.broadcast %broadcast_in_dim3A_1084 : i32 to vector<16xi32>
    %select_n3A_1086 = arith.select %gt3A_1083, %broadcast_in_dim3A_1085, %select_n3A_1077 : vector<16xi1>, vector<16xi32>
    %select_n3A_1087 = arith.select %gt3A_1083, %get3A_1082, %select_n3A_1078 : vector<16xi1>, vector<16xf32>
    %swap3A_1088 = arith.constant 16 : index
    %swap3A_1089 = tpu.vector_load %arg13[%swap3A_1088] {strides = array<i32>} : memref<32xi32, #tpu.memory_space<vmem>>, vector<16xi32>,
    tpu.vector_store %arg13[%swap3A_1088], %select_n3A_1086 {strides = array<i32>} : memref<32xi32, #tpu.memory_space<vmem>>, vector<16xi32>,
    %mul3A_1090 = arith.constant 26026 : i32
    %mul3A_1091 = vector.broadcast %mul3A_1090 : i32 to vector<16xi32>
    %mul3A_1092 = arith.muli %select_n3A_1086, %mul3A_1091 : vector<16xi32>
    %get3A_1093 = arith.constant 0 : i32
    %get3A_1094 = arith.index_cast %get3A_1093 : i32 to index
    %get3A_1095 = arith.constant 16 : index
    %get3A_1096 = tpu.vector_load %arg9[%get3A_1094, %get3A_1095] {strides = array<i32>} : memref<26x32xi32, #tpu.memory_space<vmem>>, vector<16xi32>,
    %get3A_1097 = arith.constant 0 : i32
    %get3A_1098 = arith.index_cast %get3A_1097 : i32 to index
    %get3A_1099 = arith.constant 16 : index
    %get3A_1100 = tpu.vector_load %arg11[%get3A_1098, %get3A_1099] {strides = array<i32>} : memref<26x32xi32, #tpu.memory_space<vmem>>, vector<16xi32>,
    %mul3A_1101 = arith.muli %get3A_1096, %get3A_1100 : vector<16xi32>
    %sub3A_1102 = arith.constant 1 : i32
    %sub3A_1103 = vector.broadcast %sub3A_1102 : i32 to vector<16xi32>
    %sub3A_1104 = arith.subi %sub3A_1103, %get3A_1100 : vector<16xi32>
    %mul3A_1105 = arith.constant 1000 : i32
    %mul3A_1106 = vector.broadcast %mul3A_1105 : i32 to vector<16xi32>
    %mul3A_1107 = arith.muli %sub3A_1104, %mul3A_1106 : vector<16xi32>
    %add3A_1108 = arith.addi %mul3A_1101, %mul3A_1107 : vector<16xi32>
    %add3A_1109 = arith.constant 0 : i32
    %add3A_1110 = vector.broadcast %add3A_1109 : i32 to vector<16xi32>
    %add3A_1111 = arith.addi %mul3A_1092, %add3A_1110 : vector<16xi32>
    %add3A_1112 = arith.addi %add3A_1111, %add3A_1108 : vector<16xi32>
    %swap3A_1113 = arith.constant 0 : i32
    %swap3A_1114 = arith.index_cast %swap3A_1113 : i32 to index
    %swap3A_1115 = arith.constant 16 : index
    %swap3A_1116 = tpu.vector_load %arg12[%swap3A_1114, %swap3A_1115] {strides = array<i32>} : memref<26x32xi32, #tpu.memory_space<vmem>>, vector<16xi32>,
    tpu.vector_store %arg12[%swap3A_1114, %swap3A_1115], %add3A_1112 {strides = array<i32>} : memref<26x32xi32, #tpu.memory_space<vmem>>, vector<16xi32>,
    %get3A_1117 = arith.constant 1 : i32
    %get3A_1118 = arith.index_cast %get3A_1117 : i32 to index
    %get3A_1119 = arith.constant 16 : index
    %get3A_1120 = tpu.vector_load %arg9[%get3A_1118, %get3A_1119] {strides = array<i32>} : memref<26x32xi32, #tpu.memory_space<vmem>>, vector<16xi32>,
    %get3A_1121 = arith.constant 1 : i32
    %get3A_1122 = arith.index_cast %get3A_1121 : i32 to index
    %get3A_1123 = arith.constant 16 : index
    %get3A_1124 = tpu.vector_load %arg11[%get3A_1122, %get3A_1123] {strides = array<i32>} : memref<26x32xi32, #tpu.memory_space<vmem>>, vector<16xi32>,
    %mul3A_1125 = arith.muli %get3A_1120, %get3A_1124 : vector<16xi32>
    %sub3A_1126 = arith.constant 1 : i32
    %sub3A_1127 = vector.broadcast %sub3A_1126 : i32 to vector<16xi32>
    %sub3A_1128 = arith.subi %sub3A_1127, %get3A_1124 : vector<16xi32>
    %mul3A_1129 = arith.constant 1000 : i32
    %mul3A_1130 = vector.broadcast %mul3A_1129 : i32 to vector<16xi32>
    %mul3A_1131 = arith.muli %sub3A_1128, %mul3A_1130 : vector<16xi32>
    %add3A_1132 = arith.addi %mul3A_1125, %mul3A_1131 : vector<16xi32>
    %add3A_1133 = arith.constant 1001 : i32
    %add3A_1134 = vector.broadcast %add3A_1133 : i32 to vector<16xi32>
    %add3A_1135 = arith.addi %mul3A_1092, %add3A_1134 : vector<16xi32>
    %add3A_1136 = arith.addi %add3A_1135, %add3A_1132 : vector<16xi32>
    %swap3A_1137 = arith.constant 1 : i32
    %swap3A_1138 = arith.index_cast %swap3A_1137 : i32 to index
    %swap3A_1139 = arith.constant 16 : index
    %swap3A_1140 = tpu.vector_load %arg12[%swap3A_1138, %swap3A_1139] {strides = array<i32>} : memref<26x32xi32, #tpu.memory_space<vmem>>, vector<16xi32>,
    tpu.vector_store %arg12[%swap3A_1138, %swap3A_1139], %add3A_1136 {strides = array<i32>} : memref<26x32xi32, #tpu.memory_space<vmem>>, vector<16xi32>,
    %get3A_1141 = arith.constant 2 : i32
    %get3A_1142 = arith.index_cast %get3A_1141 : i32 to index
    %get3A_1143 = arith.constant 16 : index
    %get3A_1144 = tpu.vector_load %arg9[%get3A_1142, %get3A_1143] {strides = array<i32>} : memref<26x32xi32, #tpu.memory_space<vmem>>, vector<16xi32>,
    %get3A_1145 = arith.constant 2 : i32
    %get3A_1146 = arith.index_cast %get3A_1145 : i32 to index
    %get3A_1147 = arith.constant 16 : index
    %get3A_1148 = tpu.vector_load %arg11[%get3A_1146, %get3A_1147] {strides = array<i32>} : memref<26x32xi32, #tpu.memory_space<vmem>>, vector<16xi32>,
    %mul3A_1149 = arith.muli %get3A_1144, %get3A_1148 : vector<16xi32>
    %sub3A_1150 = arith.constant 1 : i32
    %sub3A_1151 = vector.broadcast %sub3A_1150 : i32 to vector<16xi32>
    %sub3A_1152 = arith.subi %sub3A_1151, %get3A_1148 : vector<16xi32>
    %mul3A_1153 = arith.constant 1000 : i32
    %mul3A_1154 = vector.broadcast %mul3A_1153 : i32 to vector<16xi32>
    %mul3A_1155 = arith.muli %sub3A_1152, %mul3A_1154 : vector<16xi32>
    %add3A_1156 = arith.addi %mul3A_1149, %mul3A_1155 : vector<16xi32>
    %add3A_1157 = arith.constant 2002 : i32
    %add3A_1158 = vector.broadcast %add3A_1157 : i32 to vector<16xi32>
    %add3A_1159 = arith.addi %mul3A_1092, %add3A_1158 : vector<16xi32>
    %add3A_1160 = arith.addi %add3A_1159, %add3A_1156 : vector<16xi32>
    %swap3A_1161 = arith.constant 2 : i32
    %swap3A_1162 = arith.index_cast %swap3A_1161 : i32 to index
    %swap3A_1163 = arith.constant 16 : index
    %swap3A_1164 = tpu.vector_load %arg12[%swap3A_1162, %swap3A_1163] {strides = array<i32>} : memref<26x32xi32, #tpu.memory_space<vmem>>, vector<16xi32>,
    tpu.vector_store %arg12[%swap3A_1162, %swap3A_1163], %add3A_1160 {strides = array<i32>} : memref<26x32xi32, #tpu.memory_space<vmem>>, vector<16xi32>,
    %get3A_1165 = arith.constant 3 : i32
    %get3A_1166 = arith.index_cast %get3A_1165 : i32 to index
    %get3A_1167 = arith.constant 16 : index
    %get3A_1168 = tpu.vector_load %arg9[%get3A_1166, %get3A_1167] {strides = array<i32>} : memref<26x32xi32, #tpu.memory_space<vmem>>, vector<16xi32>,
    %get3A_1169 = arith.constant 3 : i32
    %get3A_1170 = arith.index_cast %get3A_1169 : i32 to index
    %get3A_1171 = arith.constant 16 : index
    %get3A_1172 = tpu.vector_load %arg11[%get3A_1170, %get3A_1171] {strides = array<i32>} : memref<26x32xi32, #tpu.memory_space<vmem>>, vector<16xi32>,
    %mul3A_1173 = arith.muli %get3A_1168, %get3A_1172 : vector<16xi32>
    %sub3A_1174 = arith.constant 1 : i32
    %sub3A_1175 = vector.broadcast %sub3A_1174 : i32 to vector<16xi32>
    %sub3A_1176 = arith.subi %sub3A_1175, %get3A_1172 : vector<16xi32>
    %mul3A_1177 = arith.constant 1000 : i32
    %mul3A_1178 = vector.broadcast %mul3A_1177 : i32 to vector<16xi32>
    %mul3A_1179 = arith.muli %sub3A_1176, %mul3A_1178 : vector<16xi32>
    %add3A_1180 = arith.addi %mul3A_1173, %mul3A_1179 : vector<16xi32>
    %add3A_1181 = arith.constant 3003 : i32
    %add3A_1182 = vector.broadcast %add3A_1181 : i32 to vector<16xi32>
    %add3A_1183 = arith.addi %mul3A_1092, %add3A_1182 : vector<16xi32>
    %add3A_1184 = arith.addi %add3A_1183, %add3A_1180 : vector<16xi32>
    %swap3A_1185 = arith.constant 3 : i32
    %swap3A_1186 = arith.index_cast %swap3A_1185 : i32 to index
    %swap3A_1187 = arith.constant 16 : index
    %swap3A_1188 = tpu.vector_load %arg12[%swap3A_1186, %swap3A_1187] {strides = array<i32>} : memref<26x32xi32, #tpu.memory_space<vmem>>, vector<16xi32>,
    tpu.vector_store %arg12[%swap3A_1186, %swap3A_1187], %add3A_1184 {strides = array<i32>} : memref<26x32xi32, #tpu.memory_space<vmem>>, vector<16xi32>,
    %get3A_1189 = arith.constant 4 : i32
    %get3A_1190 = arith.index_cast %get3A_1189 : i32 to index
    %get3A_1191 = arith.constant 16 : index
    %get3A_1192 = tpu.vector_load %arg9[%get3A_1190, %get3A_1191] {strides = array<i32>} : memref<26x32xi32, #tpu.memory_space<vmem>>, vector<16xi32>,
    %get3A_1193 = arith.constant 4 : i32
    %get3A_1194 = arith.index_cast %get3A_1193 : i32 to index
    %get3A_1195 = arith.constant 16 : index
    %get3A_1196 = tpu.vector_load %arg11[%get3A_1194, %get3A_1195] {strides = array<i32>} : memref<26x32xi32, #tpu.memory_space<vmem>>, vector<16xi32>,
    %mul3A_1197 = arith.muli %get3A_1192, %get3A_1196 : vector<16xi32>
    %sub3A_1198 = arith.constant 1 : i32
    %sub3A_1199 = vector.broadcast %sub3A_1198 : i32 to vector<16xi32>
    %sub3A_1200 = arith.subi %sub3A_1199, %get3A_1196 : vector<16xi32>
    %mul3A_1201 = arith.constant 1000 : i32
    %mul3A_1202 = vector.broadcast %mul3A_1201 : i32 to vector<16xi32>
    %mul3A_1203 = arith.muli %sub3A_1200, %mul3A_1202 : vector<16xi32>
    %add3A_1204 = arith.addi %mul3A_1197, %mul3A_1203 : vector<16xi32>
    %add3A_1205 = arith.constant 4004 : i32
    %add3A_1206 = vector.broadcast %add3A_1205 : i32 to vector<16xi32>
    %add3A_1207 = arith.addi %mul3A_1092, %add3A_1206 : vector<16xi32>
    %add3A_1208 = arith.addi %add3A_1207, %add3A_1204 : vector<16xi32>
    %swap3A_1209 = arith.constant 4 : i32
    %swap3A_1210 = arith.index_cast %swap3A_1209 : i32 to index
    %swap3A_1211 = arith.constant 16 : index
    %swap3A_1212 = tpu.vector_load %arg12[%swap3A_1210, %swap3A_1211] {strides = array<i32>} : memref<26x32xi32, #tpu.memory_space<vmem>>, vector<16xi32>,
    tpu.vector_store %arg12[%swap3A_1210, %swap3A_1211], %add3A_1208 {strides = array<i32>} : memref<26x32xi32, #tpu.memory_space<vmem>>, vector<16xi32>,
    %get3A_1213 = arith.constant 5 : i32
    %get3A_1214 = arith.index_cast %get3A_1213 : i32 to index
    %get3A_1215 = arith.constant 16 : index
    %get3A_1216 = tpu.vector_load %arg9[%get3A_1214, %get3A_1215] {strides = array<i32>} : memref<26x32xi32, #tpu.memory_space<vmem>>, vector<16xi32>,
    %get3A_1217 = arith.constant 5 : i32
    %get3A_1218 = arith.index_cast %get3A_1217 : i32 to index
    %get3A_1219 = arith.constant 16 : index
    %get3A_1220 = tpu.vector_load %arg11[%get3A_1218, %get3A_1219] {strides = array<i32>} : memref<26x32xi32, #tpu.memory_space<vmem>>, vector<16xi32>,
    %mul3A_1221 = arith.muli %get3A_1216, %get3A_1220 : vector<16xi32>
    %sub3A_1222 = arith.constant 1 : i32
    %sub3A_1223 = vector.broadcast %sub3A_1222 : i32 to vector<16xi32>
    %sub3A_1224 = arith.subi %sub3A_1223, %get3A_1220 : vector<16xi32>
    %mul3A_1225 = arith.constant 1000 : i32
    %mul3A_1226 = vector.broadcast %mul3A_1225 : i32 to vector<16xi32>
    %mul3A_1227 = arith.muli %sub3A_1224, %mul3A_1226 : vector<16xi32>
    %add3A_1228 = arith.addi %mul3A_1221, %mul3A_1227 : vector<16xi32>
    %add3A_1229 = arith.constant 5005 : i32
    %add3A_1230 = vector.broadcast %add3A_1229 : i32 to vector<16xi32>
    %add3A_1231 = arith.addi %mul3A_1092, %add3A_1230 : vector<16xi32>
    %add3A_1232 = arith.addi %add3A_1231, %add3A_1228 : vector<16xi32>
    %swap3A_1233 = arith.constant 5 : i32
    %swap3A_1234 = arith.index_cast %swap3A_1233 : i32 to index
    %swap3A_1235 = arith.constant 16 : index
    %swap3A_1236 = tpu.vector_load %arg12[%swap3A_1234, %swap3A_1235] {strides = array<i32>} : memref<26x32xi32, #tpu.memory_space<vmem>>, vector<16xi32>,
    tpu.vector_store %arg12[%swap3A_1234, %swap3A_1235], %add3A_1232 {strides = array<i32>} : memref<26x32xi32, #tpu.memory_space<vmem>>, vector<16xi32>,
    %get3A_1237 = arith.constant 6 : i32
    %get3A_1238 = arith.index_cast %get3A_1237 : i32 to index
    %get3A_1239 = arith.constant 16 : index
    %get3A_1240 = tpu.vector_load %arg9[%get3A_1238, %get3A_1239] {strides = array<i32>} : memref<26x32xi32, #tpu.memory_space<vmem>>, vector<16xi32>,
    %get3A_1241 = arith.constant 6 : i32
    %get3A_1242 = arith.index_cast %get3A_1241 : i32 to index
    %get3A_1243 = arith.constant 16 : index
    %get3A_1244 = tpu.vector_load %arg11[%get3A_1242, %get3A_1243] {strides = array<i32>} : memref<26x32xi32, #tpu.memory_space<vmem>>, vector<16xi32>,
    %mul3A_1245 = arith.muli %get3A_1240, %get3A_1244 : vector<16xi32>
    %sub3A_1246 = arith.constant 1 : i32
    %sub3A_1247 = vector.broadcast %sub3A_1246 : i32 to vector<16xi32>
    %sub3A_1248 = arith.subi %sub3A_1247, %get3A_1244 : vector<16xi32>
    %mul3A_1249 = arith.constant 1000 : i32
    %mul3A_1250 = vector.broadcast %mul3A_1249 : i32 to vector<16xi32>
    %mul3A_1251 = arith.muli %sub3A_1248, %mul3A_1250 : vector<16xi32>
    %add3A_1252 = arith.addi %mul3A_1245, %mul3A_1251 : vector<16xi32>
    %add3A_1253 = arith.constant 6006 : i32
    %add3A_1254 = vector.broadcast %add3A_1253 : i32 to vector<16xi32>
    %add3A_1255 = arith.addi %mul3A_1092, %add3A_1254 : vector<16xi32>
    %add3A_1256 = arith.addi %add3A_1255, %add3A_1252 : vector<16xi32>
    %swap3A_1257 = arith.constant 6 : i32
    %swap3A_1258 = arith.index_cast %swap3A_1257 : i32 to index
    %swap3A_1259 = arith.constant 16 : index
    %swap3A_1260 = tpu.vector_load %arg12[%swap3A_1258, %swap3A_1259] {strides = array<i32>} : memref<26x32xi32, #tpu.memory_space<vmem>>, vector<16xi32>,
    tpu.vector_store %arg12[%swap3A_1258, %swap3A_1259], %add3A_1256 {strides = array<i32>} : memref<26x32xi32, #tpu.memory_space<vmem>>, vector<16xi32>,
    %get3A_1261 = arith.constant 7 : i32
    %get3A_1262 = arith.index_cast %get3A_1261 : i32 to index
    %get3A_1263 = arith.constant 16 : index
    %get3A_1264 = tpu.vector_load %arg9[%get3A_1262, %get3A_1263] {strides = array<i32>} : memref<26x32xi32, #tpu.memory_space<vmem>>, vector<16xi32>,
    %get3A_1265 = arith.constant 7 : i32
    %get3A_1266 = arith.index_cast %get3A_1265 : i32 to index
    %get3A_1267 = arith.constant 16 : index
    %get3A_1268 = tpu.vector_load %arg11[%get3A_1266, %get3A_1267] {strides = array<i32>} : memref<26x32xi32, #tpu.memory_space<vmem>>, vector<16xi32>,
    %mul3A_1269 = arith.muli %get3A_1264, %get3A_1268 : vector<16xi32>
    %sub3A_1270 = arith.constant 1 : i32
    %sub3A_1271 = vector.broadcast %sub3A_1270 : i32 to vector<16xi32>
    %sub3A_1272 = arith.subi %sub3A_1271, %get3A_1268 : vector<16xi32>
    %mul3A_1273 = arith.constant 1000 : i32
    %mul3A_1274 = vector.broadcast %mul3A_1273 : i32 to vector<16xi32>
    %mul3A_1275 = arith.muli %sub3A_1272, %mul3A_1274 : vector<16xi32>
    %add3A_1276 = arith.addi %mul3A_1269, %mul3A_1275 : vector<16xi32>
    %add3A_1277 = arith.constant 7007 : i32
    %add3A_1278 = vector.broadcast %add3A_1277 : i32 to vector<16xi32>
    %add3A_1279 = arith.addi %mul3A_1092, %add3A_1278 : vector<16xi32>
    %add3A_1280 = arith.addi %add3A_1279, %add3A_1276 : vector<16xi32>
    %swap3A_1281 = arith.constant 7 : i32
    %swap3A_1282 = arith.index_cast %swap3A_1281 : i32 to index
    %swap3A_1283 = arith.constant 16 : index
    %swap3A_1284 = tpu.vector_load %arg12[%swap3A_1282, %swap3A_1283] {strides = array<i32>} : memref<26x32xi32, #tpu.memory_space<vmem>>, vector<16xi32>,
    tpu.vector_store %arg12[%swap3A_1282, %swap3A_1283], %add3A_1280 {strides = array<i32>} : memref<26x32xi32, #tpu.memory_space<vmem>>, vector<16xi32>,
    %get3A_1285 = arith.constant 8 : i32
    %get3A_1286 = arith.index_cast %get3A_1285 : i32 to index
    %get3A_1287 = arith.constant 16 : index
    %get3A_1288 = tpu.vector_load %arg9[%get3A_1286, %get3A_1287] {strides = array<i32>} : memref<26x32xi32, #tpu.memory_space<vmem>>, vector<16xi32>,
    %get3A_1289 = arith.constant 8 : i32
    %get3A_1290 = arith.index_cast %get3A_1289 : i32 to index
    %get3A_1291 = arith.constant 16 : index
    %get3A_1292 = tpu.vector_load %arg11[%get3A_1290, %get3A_1291] {strides = array<i32>} : memref<26x32xi32, #tpu.memory_space<vmem>>, vector<16xi32>,
    %mul3A_1293 = arith.muli %get3A_1288, %get3A_1292 : vector<16xi32>
    %sub3A_1294 = arith.constant 1 : i32
    %sub3A_1295 = vector.broadcast %sub3A_1294 : i32 to vector<16xi32>
    %sub3A_1296 = arith.subi %sub3A_1295, %get3A_1292 : vector<16xi32>
    %mul3A_1297 = arith.constant 1000 : i32
    %mul3A_1298 = vector.broadcast %mul3A_1297 : i32 to vector<16xi32>
    %mul3A_1299 = arith.muli %sub3A_1296, %mul3A_1298 : vector<16xi32>
    %add3A_1300 = arith.addi %mul3A_1293, %mul3A_1299 : vector<16xi32>
    %add3A_1301 = arith.constant 8008 : i32
    %add3A_1302 = vector.broadcast %add3A_1301 : i32 to vector<16xi32>
    %add3A_1303 = arith.addi %mul3A_1092, %add3A_1302 : vector<16xi32>
    %add3A_1304 = arith.addi %add3A_1303, %add3A_1300 : vector<16xi32>
    %swap3A_1305 = arith.constant 8 : i32
    %swap3A_1306 = arith.index_cast %swap3A_1305 : i32 to index
    %swap3A_1307 = arith.constant 16 : index
    %swap3A_1308 = tpu.vector_load %arg12[%swap3A_1306, %swap3A_1307] {strides = array<i32>} : memref<26x32xi32, #tpu.memory_space<vmem>>, vector<16xi32>,
    tpu.vector_store %arg12[%swap3A_1306, %swap3A_1307], %add3A_1304 {strides = array<i32>} : memref<26x32xi32, #tpu.memory_space<vmem>>, vector<16xi32>,
    %get3A_1309 = arith.constant 9 : i32
    %get3A_1310 = arith.index_cast %get3A_1309 : i32 to index
    %get3A_1311 = arith.constant 16 : index
    %get3A_1312 = tpu.vector_load %arg9[%get3A_1310, %get3A_1311] {strides = array<i32>} : memref<26x32xi32, #tpu.memory_space<vmem>>, vector<16xi32>,
    %get3A_1313 = arith.constant 9 : i32
    %get3A_1314 = arith.index_cast %get3A_1313 : i32 to index
    %get3A_1315 = arith.constant 16 : index
    %get3A_1316 = tpu.vector_load %arg11[%get3A_1314, %get3A_1315] {strides = array<i32>} : memref<26x32xi32, #tpu.memory_space<vmem>>, vector<16xi32>,
    %mul3A_1317 = arith.muli %get3A_1312, %get3A_1316 : vector<16xi32>
    %sub3A_1318 = arith.constant 1 : i32
    %sub3A_1319 = vector.broadcast %sub3A_1318 : i32 to vector<16xi32>
    %sub3A_1320 = arith.subi %sub3A_1319, %get3A_1316 : vector<16xi32>
    %mul3A_1321 = arith.constant 1000 : i32
    %mul3A_1322 = vector.broadcast %mul3A_1321 : i32 to vector<16xi32>
    %mul3A_1323 = arith.muli %sub3A_1320, %mul3A_1322 : vector<16xi32>
    %add3A_1324 = arith.addi %mul3A_1317, %mul3A_1323 : vector<16xi32>
    %add3A_1325 = arith.constant 9009 : i32
    %add3A_1326 = vector.broadcast %add3A_1325 : i32 to vector<16xi32>
    %add3A_1327 = arith.addi %mul3A_1092, %add3A_1326 : vector<16xi32>
    %add3A_1328 = arith.addi %add3A_1327, %add3A_1324 : vector<16xi32>
    %swap3A_1329 = arith.constant 9 : i32
    %swap3A_1330 = arith.index_cast %swap3A_1329 : i32 to index
    %swap3A_1331 = arith.constant 16 : index
    %swap3A_1332 = tpu.vector_load %arg12[%swap3A_1330, %swap3A_1331] {strides = array<i32>} : memref<26x32xi32, #tpu.memory_space<vmem>>, vector<16xi32>,
    tpu.vector_store %arg12[%swap3A_1330, %swap3A_1331], %add3A_1328 {strides = array<i32>} : memref<26x32xi32, #tpu.memory_space<vmem>>, vector<16xi32>,
    %get3A_1333 = arith.constant 10 : i32
    %get3A_1334 = arith.index_cast %get3A_1333 : i32 to index
    %get3A_1335 = arith.constant 16 : index
    %get3A_1336 = tpu.vector_load %arg9[%get3A_1334, %get3A_1335] {strides = array<i32>} : memref<26x32xi32, #tpu.memory_space<vmem>>, vector<16xi32>,
    %get3A_1337 = arith.constant 10 : i32
    %get3A_1338 = arith.index_cast %get3A_1337 : i32 to index
    %get3A_1339 = arith.constant 16 : index
    %get3A_1340 = tpu.vector_load %arg11[%get3A_1338, %get3A_1339] {strides = array<i32>} : memref<26x32xi32, #tpu.memory_space<vmem>>, vector<16xi32>,
    %mul3A_1341 = arith.muli %get3A_1336, %get3A_1340 : vector<16xi32>
    %sub3A_1342 = arith.constant 1 : i32
    %sub3A_1343 = vector.broadcast %sub3A_1342 : i32 to vector<16xi32>
    %sub3A_1344 = arith.subi %sub3A_1343, %get3A_1340 : vector<16xi32>
    %mul3A_1345 = arith.constant 1000 : i32
    %mul3A_1346 = vector.broadcast %mul3A_1345 : i32 to vector<16xi32>
    %mul3A_1347 = arith.muli %sub3A_1344, %mul3A_1346 : vector<16xi32>
    %add3A_1348 = arith.addi %mul3A_1341, %mul3A_1347 : vector<16xi32>
    %add3A_1349 = arith.constant 10010 : i32
    %add3A_1350 = vector.broadcast %add3A_1349 : i32 to vector<16xi32>
    %add3A_1351 = arith.addi %mul3A_1092, %add3A_1350 : vector<16xi32>
    %add3A_1352 = arith.addi %add3A_1351, %add3A_1348 : vector<16xi32>
    %swap3A_1353 = arith.constant 10 : i32
    %swap3A_1354 = arith.index_cast %swap3A_1353 : i32 to index
    %swap3A_1355 = arith.constant 16 : index
    %swap3A_1356 = tpu.vector_load %arg12[%swap3A_1354, %swap3A_1355] {strides = array<i32>} : memref<26x32xi32, #tpu.memory_space<vmem>>, vector<16xi32>,
    tpu.vector_store %arg12[%swap3A_1354, %swap3A_1355], %add3A_1352 {strides = array<i32>} : memref<26x32xi32, #tpu.memory_space<vmem>>, vector<16xi32>,
    %get3A_1357 = arith.constant 11 : i32
    %get3A_1358 = arith.index_cast %get3A_1357 : i32 to index
    %get3A_1359 = arith.constant 16 : index
    %get3A_1360 = tpu.vector_load %arg9[%get3A_1358, %get3A_1359] {strides = array<i32>} : memref<26x32xi32, #tpu.memory_space<vmem>>, vector<16xi32>,
    %get3A_1361 = arith.constant 11 : i32
    %get3A_1362 = arith.index_cast %get3A_1361 : i32 to index
    %get3A_1363 = arith.constant 16 : index
    %get3A_1364 = tpu.vector_load %arg11[%get3A_1362, %get3A_1363] {strides = array<i32>} : memref<26x32xi32, #tpu.memory_space<vmem>>, vector<16xi32>,
    %mul3A_1365 = arith.muli %get3A_1360, %get3A_1364 : vector<16xi32>
    %sub3A_1366 = arith.constant 1 : i32
    %sub3A_1367 = vector.broadcast %sub3A_1366 : i32 to vector<16xi32>
    %sub3A_1368 = arith.subi %sub3A_1367, %get3A_1364 : vector<16xi32>
    %mul3A_1369 = arith.constant 1000 : i32
    %mul3A_1370 = vector.broadcast %mul3A_1369 : i32 to vector<16xi32>
    %mul3A_1371 = arith.muli %sub3A_1368, %mul3A_1370 : vector<16xi32>
    %add3A_1372 = arith.addi %mul3A_1365, %mul3A_1371 : vector<16xi32>
    %add3A_1373 = arith.constant 11011 : i32
    %add3A_1374 = vector.broadcast %add3A_1373 : i32 to vector<16xi32>
    %add3A_1375 = arith.addi %mul3A_1092, %add3A_1374 : vector<16xi32>
    %add3A_1376 = arith.addi %add3A_1375, %add3A_1372 : vector<16xi32>
    %swap3A_1377 = arith.constant 11 : i32
    %swap3A_1378 = arith.index_cast %swap3A_1377 : i32 to index
    %swap3A_1379 = arith.constant 16 : index
    %swap3A_1380 = tpu.vector_load %arg12[%swap3A_1378, %swap3A_1379] {strides = array<i32>} : memref<26x32xi32, #tpu.memory_space<vmem>>, vector<16xi32>,
    tpu.vector_store %arg12[%swap3A_1378, %swap3A_1379], %add3A_1376 {strides = array<i32>} : memref<26x32xi32, #tpu.memory_space<vmem>>, vector<16xi32>,
    %get3A_1381 = arith.constant 12 : i32
    %get3A_1382 = arith.index_cast %get3A_1381 : i32 to index
    %get3A_1383 = arith.constant 16 : index
    %get3A_1384 = tpu.vector_load %arg9[%get3A_1382, %get3A_1383] {strides = array<i32>} : memref<26x32xi32, #tpu.memory_space<vmem>>, vector<16xi32>,
    %get3A_1385 = arith.constant 12 : i32
    %get3A_1386 = arith.index_cast %get3A_1385 : i32 to index
    %get3A_1387 = arith.constant 16 : index
    %get3A_1388 = tpu.vector_load %arg11[%get3A_1386, %get3A_1387] {strides = array<i32>} : memref<26x32xi32, #tpu.memory_space<vmem>>, vector<16xi32>,
    %mul3A_1389 = arith.muli %get3A_1384, %get3A_1388 : vector<16xi32>
    %sub3A_1390 = arith.constant 1 : i32
    %sub3A_1391 = vector.broadcast %sub3A_1390 : i32 to vector<16xi32>
    %sub3A_1392 = arith.subi %sub3A_1391, %get3A_1388 : vector<16xi32>
    %mul3A_1393 = arith.constant 1000 : i32
    %mul3A_1394 = vector.broadcast %mul3A_1393 : i32 to vector<16xi32>
    %mul3A_1395 = arith.muli %sub3A_1392, %mul3A_1394 : vector<16xi32>
    %add3A_1396 = arith.addi %mul3A_1389, %mul3A_1395 : vector<16xi32>
    %add3A_1397 = arith.constant 12012 : i32
    %add3A_1398 = vector.broadcast %add3A_1397 : i32 to vector<16xi32>
    %add3A_1399 = arith.addi %mul3A_1092, %add3A_1398 : vector<16xi32>
    %add3A_1400 = arith.addi %add3A_1399, %add3A_1396 : vector<16xi32>
    %swap3A_1401 = arith.constant 12 : i32
    %swap3A_1402 = arith.index_cast %swap3A_1401 : i32 to index
    %swap3A_1403 = arith.constant 16 : index
    %swap3A_1404 = tpu.vector_load %arg12[%swap3A_1402, %swap3A_1403] {strides = array<i32>} : memref<26x32xi32, #tpu.memory_space<vmem>>, vector<16xi32>,
    tpu.vector_store %arg12[%swap3A_1402, %swap3A_1403], %add3A_1400 {strides = array<i32>} : memref<26x32xi32, #tpu.memory_space<vmem>>, vector<16xi32>,
    %get3A_1405 = arith.constant 13 : i32
    %get3A_1406 = arith.index_cast %get3A_1405 : i32 to index
    %get3A_1407 = arith.constant 16 : index
    %get3A_1408 = tpu.vector_load %arg9[%get3A_1406, %get3A_1407] {strides = array<i32>} : memref<26x32xi32, #tpu.memory_space<vmem>>, vector<16xi32>,
    %get3A_1409 = arith.constant 13 : i32
    %get3A_1410 = arith.index_cast %get3A_1409 : i32 to index
    %get3A_1411 = arith.constant 16 : index
    %get3A_1412 = tpu.vector_load %arg11[%get3A_1410, %get3A_1411] {strides = array<i32>} : memref<26x32xi32, #tpu.memory_space<vmem>>, vector<16xi32>,
    %mul3A_1413 = arith.muli %get3A_1408, %get3A_1412 : vector<16xi32>
    %sub3A_1414 = arith.constant 1 : i32
    %sub3A_1415 = vector.broadcast %sub3A_1414 : i32 to vector<16xi32>
    %sub3A_1416 = arith.subi %sub3A_1415, %get3A_1412 : vector<16xi32>
    %mul3A_1417 = arith.constant 1000 : i32
    %mul3A_1418 = vector.broadcast %mul3A_1417 : i32 to vector<16xi32>
    %mul3A_1419 = arith.muli %sub3A_1416, %mul3A_1418 : vector<16xi32>
    %add3A_1420 = arith.addi %mul3A_1413, %mul3A_1419 : vector<16xi32>
    %add3A_1421 = arith.constant 13013 : i32
    %add3A_1422 = vector.broadcast %add3A_1421 : i32 to vector<16xi32>
    %add3A_1423 = arith.addi %mul3A_1092, %add3A_1422 : vector<16xi32>
    %add3A_1424 = arith.addi %add3A_1423, %add3A_1420 : vector<16xi32>
    %swap3A_1425 = arith.constant 13 : i32
    %swap3A_1426 = arith.index_cast %swap3A_1425 : i32 to index
    %swap3A_1427 = arith.constant 16 : index
    %swap3A_1428 = tpu.vector_load %arg12[%swap3A_1426, %swap3A_1427] {strides = array<i32>} : memref<26x32xi32, #tpu.memory_space<vmem>>, vector<16xi32>,
    tpu.vector_store %arg12[%swap3A_1426, %swap3A_1427], %add3A_1424 {strides = array<i32>} : memref<26x32xi32, #tpu.memory_space<vmem>>, vector<16xi32>,
    %get3A_1429 = arith.constant 14 : i32
    %get3A_1430 = arith.index_cast %get3A_1429 : i32 to index
    %get3A_1431 = arith.constant 16 : index
    %get3A_1432 = tpu.vector_load %arg9[%get3A_1430, %get3A_1431] {strides = array<i32>} : memref<26x32xi32, #tpu.memory_space<vmem>>, vector<16xi32>,
    %get3A_1433 = arith.constant 14 : i32
    %get3A_1434 = arith.index_cast %get3A_1433 : i32 to index
    %get3A_1435 = arith.constant 16 : index
    %get3A_1436 = tpu.vector_load %arg11[%get3A_1434, %get3A_1435] {strides = array<i32>} : memref<26x32xi32, #tpu.memory_space<vmem>>, vector<16xi32>,
    %mul3A_1437 = arith.muli %get3A_1432, %get3A_1436 : vector<16xi32>
    %sub3A_1438 = arith.constant 1 : i32
    %sub3A_1439 = vector.broadcast %sub3A_1438 : i32 to vector<16xi32>
    %sub3A_1440 = arith.subi %sub3A_1439, %get3A_1436 : vector<16xi32>
    %mul3A_1441 = arith.constant 1000 : i32
    %mul3A_1442 = vector.broadcast %mul3A_1441 : i32 to vector<16xi32>
    %mul3A_1443 = arith.muli %sub3A_1440, %mul3A_1442 : vector<16xi32>
    %add3A_1444 = arith.addi %mul3A_1437, %mul3A_1443 : vector<16xi32>
    %add3A_1445 = arith.constant 14014 : i32
    %add3A_1446 = vector.broadcast %add3A_1445 : i32 to vector<16xi32>
    %add3A_1447 = arith.addi %mul3A_1092, %add3A_1446 : vector<16xi32>
    %add3A_1448 = arith.addi %add3A_1447, %add3A_1444 : vector<16xi32>
    %swap3A_1449 = arith.constant 14 : i32
    %swap3A_1450 = arith.index_cast %swap3A_1449 : i32 to index
    %swap3A_1451 = arith.constant 16 : index
    %swap3A_1452 = tpu.vector_load %arg12[%swap3A_1450, %swap3A_1451] {strides = array<i32>} : memref<26x32xi32, #tpu.memory_space<vmem>>, vector<16xi32>,
    tpu.vector_store %arg12[%swap3A_1450, %swap3A_1451], %add3A_1448 {strides = array<i32>} : memref<26x32xi32, #tpu.memory_space<vmem>>, vector<16xi32>,
    %get3A_1453 = arith.constant 15 : i32
    %get3A_1454 = arith.index_cast %get3A_1453 : i32 to index
    %get3A_1455 = arith.constant 16 : index
    %get3A_1456 = tpu.vector_load %arg9[%get3A_1454, %get3A_1455] {strides = array<i32>} : memref<26x32xi32, #tpu.memory_space<vmem>>, vector<16xi32>,
    %get3A_1457 = arith.constant 15 : i32
    %get3A_1458 = arith.index_cast %get3A_1457 : i32 to index
    %get3A_1459 = arith.constant 16 : index
    %get3A_1460 = tpu.vector_load %arg11[%get3A_1458, %get3A_1459] {strides = array<i32>} : memref<26x32xi32, #tpu.memory_space<vmem>>, vector<16xi32>,
    %mul3A_1461 = arith.muli %get3A_1456, %get3A_1460 : vector<16xi32>
    %sub3A_1462 = arith.constant 1 : i32
    %sub3A_1463 = vector.broadcast %sub3A_1462 : i32 to vector<16xi32>
    %sub3A_1464 = arith.subi %sub3A_1463, %get3A_1460 : vector<16xi32>
    %mul3A_1465 = arith.constant 1000 : i32
    %mul3A_1466 = vector.broadcast %mul3A_1465 : i32 to vector<16xi32>
    %mul3A_1467 = arith.muli %sub3A_1464, %mul3A_1466 : vector<16xi32>
    %add3A_1468 = arith.addi %mul3A_1461, %mul3A_1467 : vector<16xi32>
    %add3A_1469 = arith.constant 15015 : i32
    %add3A_1470 = vector.broadcast %add3A_1469 : i32 to vector<16xi32>
    %add3A_1471 = arith.addi %mul3A_1092, %add3A_1470 : vector<16xi32>
    %add3A_1472 = arith.addi %add3A_1471, %add3A_1468 : vector<16xi32>
    %swap3A_1473 = arith.constant 15 : i32
    %swap3A_1474 = arith.index_cast %swap3A_1473 : i32 to index
    %swap3A_1475 = arith.constant 16 : index
    %swap3A_1476 = tpu.vector_load %arg12[%swap3A_1474, %swap3A_1475] {strides = array<i32>} : memref<26x32xi32, #tpu.memory_space<vmem>>, vector<16xi32>,
    tpu.vector_store %arg12[%swap3A_1474, %swap3A_1475], %add3A_1472 {strides = array<i32>} : memref<26x32xi32, #tpu.memory_space<vmem>>, vector<16xi32>,
    %get3A_1477 = arith.constant 16 : i32
    %get3A_1478 = arith.index_cast %get3A_1477 : i32 to index
    %get3A_1479 = arith.constant 16 : index
    %get3A_1480 = tpu.vector_load %arg9[%get3A_1478, %get3A_1479] {strides = array<i32>} : memref<26x32xi32, #tpu.memory_space<vmem>>, vector<16xi32>,
    %get3A_1481 = arith.constant 16 : i32
    %get3A_1482 = arith.index_cast %get3A_1481 : i32 to index
    %get3A_1483 = arith.constant 16 : index
    %get3A_1484 = tpu.vector_load %arg11[%get3A_1482, %get3A_1483] {strides = array<i32>} : memref<26x32xi32, #tpu.memory_space<vmem>>, vector<16xi32>,
    %mul3A_1485 = arith.muli %get3A_1480, %get3A_1484 : vector<16xi32>
    %sub3A_1486 = arith.constant 1 : i32
    %sub3A_1487 = vector.broadcast %sub3A_1486 : i32 to vector<16xi32>
    %sub3A_1488 = arith.subi %sub3A_1487, %get3A_1484 : vector<16xi32>
    %mul3A_1489 = arith.constant 1000 : i32
    %mul3A_1490 = vector.broadcast %mul3A_1489 : i32 to vector<16xi32>
    %mul3A_1491 = arith.muli %sub3A_1488, %mul3A_1490 : vector<16xi32>
    %add3A_1492 = arith.addi %mul3A_1485, %mul3A_1491 : vector<16xi32>
    %add3A_1493 = arith.constant 16016 : i32
    %add3A_1494 = vector.broadcast %add3A_1493 : i32 to vector<16xi32>
    %add3A_1495 = arith.addi %mul3A_1092, %add3A_1494 : vector<16xi32>
    %add3A_1496 = arith.addi %add3A_1495, %add3A_1492 : vector<16xi32>
    %swap3A_1497 = arith.constant 16 : i32
    %swap3A_1498 = arith.index_cast %swap3A_1497 : i32 to index
    %swap3A_1499 = arith.constant 16 : index
    %swap3A_1500 = tpu.vector_load %arg12[%swap3A_1498, %swap3A_1499] {strides = array<i32>} : memref<26x32xi32, #tpu.memory_space<vmem>>, vector<16xi32>,
    tpu.vector_store %arg12[%swap3A_1498, %swap3A_1499], %add3A_1496 {strides = array<i32>} : memref<26x32xi32, #tpu.memory_space<vmem>>, vector<16xi32>,
    %get3A_1501 = arith.constant 17 : i32
    %get3A_1502 = arith.index_cast %get3A_1501 : i32 to index
    %get3A_1503 = arith.constant 16 : index
    %get3A_1504 = tpu.vector_load %arg9[%get3A_1502, %get3A_1503] {strides = array<i32>} : memref<26x32xi32, #tpu.memory_space<vmem>>, vector<16xi32>,
    %get3A_1505 = arith.constant 17 : i32
    %get3A_1506 = arith.index_cast %get3A_1505 : i32 to index
    %get3A_1507 = arith.constant 16 : index
    %get3A_1508 = tpu.vector_load %arg11[%get3A_1506, %get3A_1507] {strides = array<i32>} : memref<26x32xi32, #tpu.memory_space<vmem>>, vector<16xi32>,
    %mul3A_1509 = arith.muli %get3A_1504, %get3A_1508 : vector<16xi32>
    %sub3A_1510 = arith.constant 1 : i32
    %sub3A_1511 = vector.broadcast %sub3A_1510 : i32 to vector<16xi32>
    %sub3A_1512 = arith.subi %sub3A_1511, %get3A_1508 : vector<16xi32>
    %mul3A_1513 = arith.constant 1000 : i32
    %mul3A_1514 = vector.broadcast %mul3A_1513 : i32 to vector<16xi32>
    %mul3A_1515 = arith.muli %sub3A_1512, %mul3A_1514 : vector<16xi32>
    %add3A_1516 = arith.addi %mul3A_1509, %mul3A_1515 : vector<16xi32>
    %add3A_1517 = arith.constant 17017 : i32
    %add3A_1518 = vector.broadcast %add3A_1517 : i32 to vector<16xi32>
    %add3A_1519 = arith.addi %mul3A_1092, %add3A_1518 : vector<16xi32>
    %add3A_1520 = arith.addi %add3A_1519, %add3A_1516 : vector<16xi32>
    %swap3A_1521 = arith.constant 17 : i32
    %swap3A_1522 = arith.index_cast %swap3A_1521 : i32 to index
    %swap3A_1523 = arith.constant 16 : index
    %swap3A_1524 = tpu.vector_load %arg12[%swap3A_1522, %swap3A_1523] {strides = array<i32>} : memref<26x32xi32, #tpu.memory_space<vmem>>, vector<16xi32>,
    tpu.vector_store %arg12[%swap3A_1522, %swap3A_1523], %add3A_1520 {strides = array<i32>} : memref<26x32xi32, #tpu.memory_space<vmem>>, vector<16xi32>,
    %get3A_1525 = arith.constant 18 : i32
    %get3A_1526 = arith.index_cast %get3A_1525 : i32 to index
    %get3A_1527 = arith.constant 16 : index
    %get3A_1528 = tpu.vector_load %arg9[%get3A_1526, %get3A_1527] {strides = array<i32>} : memref<26x32xi32, #tpu.memory_space<vmem>>, vector<16xi32>,
    %get3A_1529 = arith.constant 18 : i32
    %get3A_1530 = arith.index_cast %get3A_1529 : i32 to index
    %get3A_1531 = arith.constant 16 : index
    %get3A_1532 = tpu.vector_load %arg11[%get3A_1530, %get3A_1531] {strides = array<i32>} : memref<26x32xi32, #tpu.memory_space<vmem>>, vector<16xi32>,
    %mul3A_1533 = arith.muli %get3A_1528, %get3A_1532 : vector<16xi32>
    %sub3A_1534 = arith.constant 1 : i32
    %sub3A_1535 = vector.broadcast %sub3A_1534 : i32 to vector<16xi32>
    %sub3A_1536 = arith.subi %sub3A_1535, %get3A_1532 : vector<16xi32>
    %mul3A_1537 = arith.constant 1000 : i32
    %mul3A_1538 = vector.broadcast %mul3A_1537 : i32 to vector<16xi32>
    %mul3A_1539 = arith.muli %sub3A_1536, %mul3A_1538 : vector<16xi32>
    %add3A_1540 = arith.addi %mul3A_1533, %mul3A_1539 : vector<16xi32>
    %add3A_1541 = arith.constant 18018 : i32
    %add3A_1542 = vector.broadcast %add3A_1541 : i32 to vector<16xi32>
    %add3A_1543 = arith.addi %mul3A_1092, %add3A_1542 : vector<16xi32>
    %add3A_1544 = arith.addi %add3A_1543, %add3A_1540 : vector<16xi32>
    %swap3A_1545 = arith.constant 18 : i32
    %swap3A_1546 = arith.index_cast %swap3A_1545 : i32 to index
    %swap3A_1547 = arith.constant 16 : index
    %swap3A_1548 = tpu.vector_load %arg12[%swap3A_1546, %swap3A_1547] {strides = array<i32>} : memref<26x32xi32, #tpu.memory_space<vmem>>, vector<16xi32>,
    tpu.vector_store %arg12[%swap3A_1546, %swap3A_1547], %add3A_1544 {strides = array<i32>} : memref<26x32xi32, #tpu.memory_space<vmem>>, vector<16xi32>,
    %get3A_1549 = arith.constant 19 : i32
    %get3A_1550 = arith.index_cast %get3A_1549 : i32 to index
    %get3A_1551 = arith.constant 16 : index
    %get3A_1552 = tpu.vector_load %arg9[%get3A_1550, %get3A_1551] {strides = array<i32>} : memref<26x32xi32, #tpu.memory_space<vmem>>, vector<16xi32>,
    %get3A_1553 = arith.constant 19 : i32
    %get3A_1554 = arith.index_cast %get3A_1553 : i32 to index
    %get3A_1555 = arith.constant 16 : index
    %get3A_1556 = tpu.vector_load %arg11[%get3A_1554, %get3A_1555] {strides = array<i32>} : memref<26x32xi32, #tpu.memory_space<vmem>>, vector<16xi32>,
    %mul3A_1557 = arith.muli %get3A_1552, %get3A_1556 : vector<16xi32>
    %sub3A_1558 = arith.constant 1 : i32
    %sub3A_1559 = vector.broadcast %sub3A_1558 : i32 to vector<16xi32>
    %sub3A_1560 = arith.subi %sub3A_1559, %get3A_1556 : vector<16xi32>
    %mul3A_1561 = arith.constant 1000 : i32
    %mul3A_1562 = vector.broadcast %mul3A_1561 : i32 to vector<16xi32>
    %mul3A_1563 = arith.muli %sub3A_1560, %mul3A_1562 : vector<16xi32>
    %add3A_1564 = arith.addi %mul3A_1557, %mul3A_1563 : vector<16xi32>
    %add3A_1565 = arith.constant 19019 : i32
    %add3A_1566 = vector.broadcast %add3A_1565 : i32 to vector<16xi32>
    %add3A_1567 = arith.addi %mul3A_1092, %add3A_1566 : vector<16xi32>
    %add3A_1568 = arith.addi %add3A_1567, %add3A_1564 : vector<16xi32>
    %swap3A_1569 = arith.constant 19 : i32
    %swap3A_1570 = arith.index_cast %swap3A_1569 : i32 to index
    %swap3A_1571 = arith.constant 16 : index
    %swap3A_1572 = tpu.vector_load %arg12[%swap3A_1570, %swap3A_1571] {strides = array<i32>} : memref<26x32xi32, #tpu.memory_space<vmem>>, vector<16xi32>,
    tpu.vector_store %arg12[%swap3A_1570, %swap3A_1571], %add3A_1568 {strides = array<i32>} : memref<26x32xi32, #tpu.memory_space<vmem>>, vector<16xi32>,
    %get3A_1573 = arith.constant 20 : i32
    %get3A_1574 = arith.index_cast %get3A_1573 : i32 to index
    %get3A_1575 = arith.constant 16 : index
    %get3A_1576 = tpu.vector_load %arg9[%get3A_1574, %get3A_1575] {strides = array<i32>} : memref<26x32xi32, #tpu.memory_space<vmem>>, vector<16xi32>,
    %get3A_1577 = arith.constant 20 : i32
    %get3A_1578 = arith.index_cast %get3A_1577 : i32 to index
    %get3A_1579 = arith.constant 16 : index
    %get3A_1580 = tpu.vector_load %arg11[%get3A_1578, %get3A_1579] {strides = array<i32>} : memref<26x32xi32, #tpu.memory_space<vmem>>, vector<16xi32>,
    %mul3A_1581 = arith.muli %get3A_1576, %get3A_1580 : vector<16xi32>
    %sub3A_1582 = arith.constant 1 : i32
    %sub3A_1583 = vector.broadcast %sub3A_1582 : i32 to vector<16xi32>
    %sub3A_1584 = arith.subi %sub3A_1583, %get3A_1580 : vector<16xi32>
    %mul3A_1585 = arith.constant 1000 : i32
    %mul3A_1586 = vector.broadcast %mul3A_1585 : i32 to vector<16xi32>
    %mul3A_1587 = arith.muli %sub3A_1584, %mul3A_1586 : vector<16xi32>
    %add3A_1588 = arith.addi %mul3A_1581, %mul3A_1587 : vector<16xi32>
    %add3A_1589 = arith.constant 20020 : i32
    %add3A_1590 = vector.broadcast %add3A_1589 : i32 to vector<16xi32>
    %add3A_1591 = arith.addi %mul3A_1092, %add3A_1590 : vector<16xi32>
    %add3A_1592 = arith.addi %add3A_1591, %add3A_1588 : vector<16xi32>
    %swap3A_1593 = arith.constant 20 : i32
    %swap3A_1594 = arith.index_cast %swap3A_1593 : i32 to index
    %swap3A_1595 = arith.constant 16 : index
    %swap3A_1596 = tpu.vector_load %arg12[%swap3A_1594, %swap3A_1595] {strides = array<i32>} : memref<26x32xi32, #tpu.memory_space<vmem>>, vector<16xi32>,
    tpu.vector_store %arg12[%swap3A_1594, %swap3A_1595], %add3A_1592 {strides = array<i32>} : memref<26x32xi32, #tpu.memory_space<vmem>>, vector<16xi32>,
    %get3A_1597 = arith.constant 21 : i32
    %get3A_1598 = arith.index_cast %get3A_1597 : i32 to index
    %get3A_1599 = arith.constant 16 : index
    %get3A_1600 = tpu.vector_load %arg9[%get3A_1598, %get3A_1599] {strides = array<i32>} : memref<26x32xi32, #tpu.memory_space<vmem>>, vector<16xi32>,
    %get3A_1601 = arith.constant 21 : i32
    %get3A_1602 = arith.index_cast %get3A_1601 : i32 to index
    %get3A_1603 = arith.constant 16 : index
    %get3A_1604 = tpu.vector_load %arg11[%get3A_1602, %get3A_1603] {strides = array<i32>} : memref<26x32xi32, #tpu.memory_space<vmem>>, vector<16xi32>,
    %mul3A_1605 = arith.muli %get3A_1600, %get3A_1604 : vector<16xi32>
    %sub3A_1606 = arith.constant 1 : i32
    %sub3A_1607 = vector.broadcast %sub3A_1606 : i32 to vector<16xi32>
    %sub3A_1608 = arith.subi %sub3A_1607, %get3A_1604 : vector<16xi32>
    %mul3A_1609 = arith.constant 1000 : i32
    %mul3A_1610 = vector.broadcast %mul3A_1609 : i32 to vector<16xi32>
    %mul3A_1611 = arith.muli %sub3A_1608, %mul3A_1610 : vector<16xi32>
    %add3A_1612 = arith.addi %mul3A_1605, %mul3A_1611 : vector<16xi32>
    %add3A_1613 = arith.constant 21021 : i32
    %add3A_1614 = vector.broadcast %add3A_1613 : i32 to vector<16xi32>
    %add3A_1615 = arith.addi %mul3A_1092, %add3A_1614 : vector<16xi32>
    %add3A_1616 = arith.addi %add3A_1615, %add3A_1612 : vector<16xi32>
    %swap3A_1617 = arith.constant 21 : i32
    %swap3A_1618 = arith.index_cast %swap3A_1617 : i32 to index
    %swap3A_1619 = arith.constant 16 : index
    %swap3A_1620 = tpu.vector_load %arg12[%swap3A_1618, %swap3A_1619] {strides = array<i32>} : memref<26x32xi32, #tpu.memory_space<vmem>>, vector<16xi32>,
    tpu.vector_store %arg12[%swap3A_1618, %swap3A_1619], %add3A_1616 {strides = array<i32>} : memref<26x32xi32, #tpu.memory_space<vmem>>, vector<16xi32>,
    %get3A_1621 = arith.constant 22 : i32
    %get3A_1622 = arith.index_cast %get3A_1621 : i32 to index
    %get3A_1623 = arith.constant 16 : index
    %get3A_1624 = tpu.vector_load %arg9[%get3A_1622, %get3A_1623] {strides = array<i32>} : memref<26x32xi32, #tpu.memory_space<vmem>>, vector<16xi32>,
    %get3A_1625 = arith.constant 22 : i32
    %get3A_1626 = arith.index_cast %get3A_1625 : i32 to index
    %get3A_1627 = arith.constant 16 : index
    %get3A_1628 = tpu.vector_load %arg11[%get3A_1626, %get3A_1627] {strides = array<i32>} : memref<26x32xi32, #tpu.memory_space<vmem>>, vector<16xi32>,
    %mul3A_1629 = arith.muli %get3A_1624, %get3A_1628 : vector<16xi32>
    %sub3A_1630 = arith.constant 1 : i32
    %sub3A_1631 = vector.broadcast %sub3A_1630 : i32 to vector<16xi32>
    %sub3A_1632 = arith.subi %sub3A_1631, %get3A_1628 : vector<16xi32>
    %mul3A_1633 = arith.constant 1000 : i32
    %mul3A_1634 = vector.broadcast %mul3A_1633 : i32 to vector<16xi32>
    %mul3A_1635 = arith.muli %sub3A_1632, %mul3A_1634 : vector<16xi32>
    %add3A_1636 = arith.addi %mul3A_1629, %mul3A_1635 : vector<16xi32>
    %add3A_1637 = arith.constant 22022 : i32
    %add3A_1638 = vector.broadcast %add3A_1637 : i32 to vector<16xi32>
    %add3A_1639 = arith.addi %mul3A_1092, %add3A_1638 : vector<16xi32>
    %add3A_1640 = arith.addi %add3A_1639, %add3A_1636 : vector<16xi32>
    %swap3A_1641 = arith.constant 22 : i32
    %swap3A_1642 = arith.index_cast %swap3A_1641 : i32 to index
    %swap3A_1643 = arith.constant 16 : index
    %swap3A_1644 = tpu.vector_load %arg12[%swap3A_1642, %swap3A_1643] {strides = array<i32>} : memref<26x32xi32, #tpu.memory_space<vmem>>, vector<16xi32>,
    tpu.vector_store %arg12[%swap3A_1642, %swap3A_1643], %add3A_1640 {strides = array<i32>} : memref<26x32xi32, #tpu.memory_space<vmem>>, vector<16xi32>,
    %get3A_1645 = arith.constant 23 : i32
    %get3A_1646 = arith.index_cast %get3A_1645 : i32 to index
    %get3A_1647 = arith.constant 16 : index
    %get3A_1648 = tpu.vector_load %arg9[%get3A_1646, %get3A_1647] {strides = array<i32>} : memref<26x32xi32, #tpu.memory_space<vmem>>, vector<16xi32>,
    %get3A_1649 = arith.constant 23 : i32
    %get3A_1650 = arith.index_cast %get3A_1649 : i32 to index
    %get3A_1651 = arith.constant 16 : index
    %get3A_1652 = tpu.vector_load %arg11[%get3A_1650, %get3A_1651] {strides = array<i32>} : memref<26x32xi32, #tpu.memory_space<vmem>>, vector<16xi32>,
    %mul3A_1653 = arith.muli %get3A_1648, %get3A_1652 : vector<16xi32>
    %sub3A_1654 = arith.constant 1 : i32
    %sub3A_1655 = vector.broadcast %sub3A_1654 : i32 to vector<16xi32>
    %sub3A_1656 = arith.subi %sub3A_1655, %get3A_1652 : vector<16xi32>
    %mul3A_1657 = arith.constant 1000 : i32
    %mul3A_1658 = vector.broadcast %mul3A_1657 : i32 to vector<16xi32>
    %mul3A_1659 = arith.muli %sub3A_1656, %mul3A_1658 : vector<16xi32>
    %add3A_1660 = arith.addi %mul3A_1653, %mul3A_1659 : vector<16xi32>
    %add3A_1661 = arith.constant 23023 : i32
    %add3A_1662 = vector.broadcast %add3A_1661 : i32 to vector<16xi32>
    %add3A_1663 = arith.addi %mul3A_1092, %add3A_1662 : vector<16xi32>
    %add3A_1664 = arith.addi %add3A_1663, %add3A_1660 : vector<16xi32>
    %swap3A_1665 = arith.constant 23 : i32
    %swap3A_1666 = arith.index_cast %swap3A_1665 : i32 to index
    %swap3A_1667 = arith.constant 16 : index
    %swap3A_1668 = tpu.vector_load %arg12[%swap3A_1666, %swap3A_1667] {strides = array<i32>} : memref<26x32xi32, #tpu.memory_space<vmem>>, vector<16xi32>,
    tpu.vector_store %arg12[%swap3A_1666, %swap3A_1667], %add3A_1664 {strides = array<i32>} : memref<26x32xi32, #tpu.memory_space<vmem>>, vector<16xi32>,
    %get3A_1669 = arith.constant 24 : i32
    %get3A_1670 = arith.index_cast %get3A_1669 : i32 to index
    %get3A_1671 = arith.constant 16 : index
    %get3A_1672 = tpu.vector_load %arg9[%get3A_1670, %get3A_1671] {strides = array<i32>} : memref<26x32xi32, #tpu.memory_space<vmem>>, vector<16xi32>,
    %get3A_1673 = arith.constant 24 : i32
    %get3A_1674 = arith.index_cast %get3A_1673 : i32 to index
    %get3A_1675 = arith.constant 16 : index
    %get3A_1676 = tpu.vector_load %arg11[%get3A_1674, %get3A_1675] {strides = array<i32>} : memref<26x32xi32, #tpu.memory_space<vmem>>, vector<16xi32>,
    %mul3A_1677 = arith.muli %get3A_1672, %get3A_1676 : vector<16xi32>
    %sub3A_1678 = arith.constant 1 : i32
    %sub3A_1679 = vector.broadcast %sub3A_1678 : i32 to vector<16xi32>
    %sub3A_1680 = arith.subi %sub3A_1679, %get3A_1676 : vector<16xi32>
    %mul3A_1681 = arith.constant 1000 : i32
    %mul3A_1682 = vector.broadcast %mul3A_1681 : i32 to vector<16xi32>
    %mul3A_1683 = arith.muli %sub3A_1680, %mul3A_1682 : vector<16xi32>
    %add3A_1684 = arith.addi %mul3A_1677, %mul3A_1683 : vector<16xi32>
    %add3A_1685 = arith.constant 24024 : i32
    %add3A_1686 = vector.broadcast %add3A_1685 : i32 to vector<16xi32>
    %add3A_1687 = arith.addi %mul3A_1092, %add3A_1686 : vector<16xi32>
    %add3A_1688 = arith.addi %add3A_1687, %add3A_1684 : vector<16xi32>
    %swap3A_1689 = arith.constant 24 : i32
    %swap3A_1690 = arith.index_cast %swap3A_1689 : i32 to index
    %swap3A_1691 = arith.constant 16 : index
    %swap3A_1692 = tpu.vector_load %arg12[%swap3A_1690, %swap3A_1691] {strides = array<i32>} : memref<26x32xi32, #tpu.memory_space<vmem>>, vector<16xi32>,
    tpu.vector_store %arg12[%swap3A_1690, %swap3A_1691], %add3A_1688 {strides = array<i32>} : memref<26x32xi32, #tpu.memory_space<vmem>>, vector<16xi32>,
    %get3A_1693 = arith.constant 25 : i32
    %get3A_1694 = arith.index_cast %get3A_1693 : i32 to index
    %get3A_1695 = arith.constant 16 : index
    %get3A_1696 = tpu.vector_load %arg9[%get3A_1694, %get3A_1695] {strides = array<i32>} : memref<26x32xi32, #tpu.memory_space<vmem>>, vector<16xi32>,
    %get3A_1697 = arith.constant 25 : i32
    %get3A_1698 = arith.index_cast %get3A_1697 : i32 to index
    %get3A_1699 = arith.constant 16 : index
    %get3A_1700 = tpu.vector_load %arg11[%get3A_1698, %get3A_1699] {strides = array<i32>} : memref<26x32xi32, #tpu.memory_space<vmem>>, vector<16xi32>,
    %mul3A_1701 = arith.muli %get3A_1696, %get3A_1700 : vector<16xi32>
    %sub3A_1702 = arith.constant 1 : i32
    %sub3A_1703 = vector.broadcast %sub3A_1702 : i32 to vector<16xi32>
    %sub3A_1704 = arith.subi %sub3A_1703, %get3A_1700 : vector<16xi32>
    %mul3A_1705 = arith.constant 1000 : i32
    %mul3A_1706 = vector.broadcast %mul3A_1705 : i32 to vector<16xi32>
    %mul3A_1707 = arith.muli %sub3A_1704, %mul3A_1706 : vector<16xi32>
    %add3A_1708 = arith.addi %mul3A_1701, %mul3A_1707 : vector<16xi32>
    %add3A_1709 = arith.constant 25025 : i32
    %add3A_1710 = vector.broadcast %add3A_1709 : i32 to vector<16xi32>
    %add3A_1711 = arith.addi %mul3A_1092, %add3A_1710 : vector<16xi32>
    %add3A_1712 = arith.addi %add3A_1711, %add3A_1708 : vector<16xi32>
    %swap3A_1713 = arith.constant 25 : i32
    %swap3A_1714 = arith.index_cast %swap3A_1713 : i32 to index
    %swap3A_1715 = arith.constant 16 : index
    %swap3A_1716 = tpu.vector_load %arg12[%swap3A_1714, %swap3A_1715] {strides = array<i32>} : memref<26x32xi32, #tpu.memory_space<vmem>>, vector<16xi32>,
    tpu.vector_store %arg12[%swap3A_1714, %swap3A_1715], %add3A_1712 {strides = array<i32>} : memref<26x32xi32, #tpu.memory_space<vmem>>, vector<16xi32>,
    %dma_start3A = arith.constant 0 : i32
    %dma_start3A_1717 = arith.constant 0 : i32
    %dma_start3A_1718 = arith.constant 0 : i32
    %dma_start3A_1719 = arith.constant 0 : i32
    %dma_start3A_1720 = tpu.memref_slice %arg14[%dma_start3A_1717, %dma_start3A_1718, %dma_start3A_1719] : memref<26x32x32xf32, #tpu.memory_space<vmem>> -> memref<1x32x32xf32, #tpu.memory_space<vmem>>
    %dma_start3A_1721 = tpu.memref_squeeze %dma_start3A_1720 : memref<1x32x32xf32, #tpu.memory_space<vmem>> -> memref<32x32xf32, #tpu.memory_space<vmem>>
    %dma_start3A_1722 = arith.constant 0 : i32
    %dma_start3A_1723 = tpu.memref_slice %arg12[%dma_start3A, %dma_start3A_1722] : memref<26x32xi32, #tpu.memory_space<vmem>> -> memref<1x32xi32, #tpu.memory_space<vmem>>
    %dma_start3A_1724 = tpu.memref_squeeze %dma_start3A_1723 : memref<1x32xi32, #tpu.memory_space<vmem>> -> memref<32xi32, #tpu.memory_space<vmem>>
    %dma_start3A_1725 = arith.constant 0 : i32
    %dma_start3A_1726 = arith.constant 0 : i32
    %dma_start3A_1727 = tpu.memref_slice %arg5[%dma_start3A_1725, %dma_start3A_1726] : memref<676676x32xf32, #tpu.memory_space<hbm>> -> memref<676676x32xf32, #tpu.memory_space<hbm>>
    tpu.enqueue_indirect_dma source(%dma_start3A_1727 : memref<676676x32xf32, #tpu.memory_space<hbm>>) target(%dma_start3A_1721 : memref<32x32xf32, #tpu.memory_space<vmem>>) offsets(%dma_start3A_1724 : memref<32xi32, #tpu.memory_space<vmem>>) semaphore(%arg17 : memref<!tpu.dma_semaphore, #tpu.memory_space<semaphore_mem>>)
    %dma_start3A_1728 = arith.constant 1 : i32
    %dma_start3A_1729 = arith.constant 1 : i32
    %dma_start3A_1730 = arith.constant 0 : i32
    %dma_start3A_1731 = arith.constant 0 : i32
    %dma_start3A_1732 = tpu.memref_slice %arg14[%dma_start3A_1729, %dma_start3A_1730, %dma_start3A_1731] : memref<26x32x32xf32, #tpu.memory_space<vmem>> -> memref<1x32x32xf32, #tpu.memory_space<vmem>>
    %dma_start3A_1733 = tpu.memref_squeeze %dma_start3A_1732 : memref<1x32x32xf32, #tpu.memory_space<vmem>> -> memref<32x32xf32, #tpu.memory_space<vmem>>
    %dma_start3A_1734 = arith.constant 0 : i32
    %dma_start3A_1735 = tpu.memref_slice %arg12[%dma_start3A_1728, %dma_start3A_1734] : memref<26x32xi32, #tpu.memory_space<vmem>> -> memref<1x32xi32, #tpu.memory_space<vmem>>
    %dma_start3A_1736 = tpu.memref_squeeze %dma_start3A_1735 : memref<1x32xi32, #tpu.memory_space<vmem>> -> memref<32xi32, #tpu.memory_space<vmem>>
    %dma_start3A_1737 = arith.constant 0 : i32
    %dma_start3A_1738 = arith.constant 0 : i32
    %dma_start3A_1739 = tpu.memref_slice %arg5[%dma_start3A_1737, %dma_start3A_1738] : memref<676676x32xf32, #tpu.memory_space<hbm>> -> memref<676676x32xf32, #tpu.memory_space<hbm>>
    tpu.enqueue_indirect_dma source(%dma_start3A_1739 : memref<676676x32xf32, #tpu.memory_space<hbm>>) target(%dma_start3A_1733 : memref<32x32xf32, #tpu.memory_space<vmem>>) offsets(%dma_start3A_1736 : memref<32xi32, #tpu.memory_space<vmem>>) semaphore(%arg17 : memref<!tpu.dma_semaphore, #tpu.memory_space<semaphore_mem>>)
    %dma_start3A_1740 = arith.constant 2 : i32
    %dma_start3A_1741 = arith.constant 2 : i32
    %dma_start3A_1742 = arith.constant 0 : i32
    %dma_start3A_1743 = arith.constant 0 : i32
    %dma_start3A_1744 = tpu.memref_slice %arg14[%dma_start3A_1741, %dma_start3A_1742, %dma_start3A_1743] : memref<26x32x32xf32, #tpu.memory_space<vmem>> -> memref<1x32x32xf32, #tpu.memory_space<vmem>>
    %dma_start3A_1745 = tpu.memref_squeeze %dma_start3A_1744 : memref<1x32x32xf32, #tpu.memory_space<vmem>> -> memref<32x32xf32, #tpu.memory_space<vmem>>
    %dma_start3A_1746 = arith.constant 0 : i32
    %dma_start3A_1747 = tpu.memref_slice %arg12[%dma_start3A_1740, %dma_start3A_1746] : memref<26x32xi32, #tpu.memory_space<vmem>> -> memref<1x32xi32, #tpu.memory_space<vmem>>
    %dma_start3A_1748 = tpu.memref_squeeze %dma_start3A_1747 : memref<1x32xi32, #tpu.memory_space<vmem>> -> memref<32xi32, #tpu.memory_space<vmem>>
    %dma_start3A_1749 = arith.constant 0 : i32
    %dma_start3A_1750 = arith.constant 0 : i32
    %dma_start3A_1751 = tpu.memref_slice %arg5[%dma_start3A_1749, %dma_start3A_1750] : memref<676676x32xf32, #tpu.memory_space<hbm>> -> memref<676676x32xf32, #tpu.memory_space<hbm>>
    tpu.enqueue_indirect_dma source(%dma_start3A_1751 : memref<676676x32xf32, #tpu.memory_space<hbm>>) target(%dma_start3A_1745 : memref<32x32xf32, #tpu.memory_space<vmem>>) offsets(%dma_start3A_1748 : memref<32xi32, #tpu.memory_space<vmem>>) semaphore(%arg17 : memref<!tpu.dma_semaphore, #tpu.memory_space<semaphore_mem>>)
    %dma_start3A_1752 = arith.constant 3 : i32
    %dma_start3A_1753 = arith.constant 3 : i32
    %dma_start3A_1754 = arith.constant 0 : i32
    %dma_start3A_1755 = arith.constant 0 : i32
    %dma_start3A_1756 = tpu.memref_slice %arg14[%dma_start3A_1753, %dma_start3A_1754, %dma_start3A_1755] : memref<26x32x32xf32, #tpu.memory_space<vmem>> -> memref<1x32x32xf32, #tpu.memory_space<vmem>>
    %dma_start3A_1757 = tpu.memref_squeeze %dma_start3A_1756 : memref<1x32x32xf32, #tpu.memory_space<vmem>> -> memref<32x32xf32, #tpu.memory_space<vmem>>
    %dma_start3A_1758 = arith.constant 0 : i32
    %dma_start3A_1759 = tpu.memref_slice %arg12[%dma_start3A_1752, %dma_start3A_1758] : memref<26x32xi32, #tpu.memory_space<vmem>> -> memref<1x32xi32, #tpu.memory_space<vmem>>
    %dma_start3A_1760 = tpu.memref_squeeze %dma_start3A_1759 : memref<1x32xi32, #tpu.memory_space<vmem>> -> memref<32xi32, #tpu.memory_space<vmem>>
    %dma_start3A_1761 = arith.constant 0 : i32
    %dma_start3A_1762 = arith.constant 0 : i32
    %dma_start3A_1763 = tpu.memref_slice %arg5[%dma_start3A_1761, %dma_start3A_1762] : memref<676676x32xf32, #tpu.memory_space<hbm>> -> memref<676676x32xf32, #tpu.memory_space<hbm>>
    tpu.enqueue_indirect_dma source(%dma_start3A_1763 : memref<676676x32xf32, #tpu.memory_space<hbm>>) target(%dma_start3A_1757 : memref<32x32xf32, #tpu.memory_space<vmem>>) offsets(%dma_start3A_1760 : memref<32xi32, #tpu.memory_space<vmem>>) semaphore(%arg17 : memref<!tpu.dma_semaphore, #tpu.memory_space<semaphore_mem>>)
    %dma_start3A_1764 = arith.constant 4 : i32
    %dma_start3A_1765 = arith.constant 4 : i32
    %dma_start3A_1766 = arith.constant 0 : i32
    %dma_start3A_1767 = arith.constant 0 : i32
    %dma_start3A_1768 = tpu.memref_slice %arg14[%dma_start3A_1765, %dma_start3A_1766, %dma_start3A_1767] : memref<26x32x32xf32, #tpu.memory_space<vmem>> -> memref<1x32x32xf32, #tpu.memory_space<vmem>>
    %dma_start3A_1769 = tpu.memref_squeeze %dma_start3A_1768 : memref<1x32x32xf32, #tpu.memory_space<vmem>> -> memref<32x32xf32, #tpu.memory_space<vmem>>
    %dma_start3A_1770 = arith.constant 0 : i32
    %dma_start3A_1771 = tpu.memref_slice %arg12[%dma_start3A_1764, %dma_start3A_1770] : memref<26x32xi32, #tpu.memory_space<vmem>> -> memref<1x32xi32, #tpu.memory_space<vmem>>
    %dma_start3A_1772 = tpu.memref_squeeze %dma_start3A_1771 : memref<1x32xi32, #tpu.memory_space<vmem>> -> memref<32xi32, #tpu.memory_space<vmem>>
    %dma_start3A_1773 = arith.constant 0 : i32
    %dma_start3A_1774 = arith.constant 0 : i32
    %dma_start3A_1775 = tpu.memref_slice %arg5[%dma_start3A_1773, %dma_start3A_1774] : memref<676676x32xf32, #tpu.memory_space<hbm>> -> memref<676676x32xf32, #tpu.memory_space<hbm>>
    tpu.enqueue_indirect_dma source(%dma_start3A_1775 : memref<676676x32xf32, #tpu.memory_space<hbm>>) target(%dma_start3A_1769 : memref<32x32xf32, #tpu.memory_space<vmem>>) offsets(%dma_start3A_1772 : memref<32xi32, #tpu.memory_space<vmem>>) semaphore(%arg17 : memref<!tpu.dma_semaphore, #tpu.memory_space<semaphore_mem>>)
    %dma_start3A_1776 = arith.constant 5 : i32
    %dma_start3A_1777 = arith.constant 5 : i32
    %dma_start3A_1778 = arith.constant 0 : i32
    %dma_start3A_1779 = arith.constant 0 : i32
    %dma_start3A_1780 = tpu.memref_slice %arg14[%dma_start3A_1777, %dma_start3A_1778, %dma_start3A_1779] : memref<26x32x32xf32, #tpu.memory_space<vmem>> -> memref<1x32x32xf32, #tpu.memory_space<vmem>>
    %dma_start3A_1781 = tpu.memref_squeeze %dma_start3A_1780 : memref<1x32x32xf32, #tpu.memory_space<vmem>> -> memref<32x32xf32, #tpu.memory_space<vmem>>
    %dma_start3A_1782 = arith.constant 0 : i32
    %dma_start3A_1783 = tpu.memref_slice %arg12[%dma_start3A_1776, %dma_start3A_1782] : memref<26x32xi32, #tpu.memory_space<vmem>> -> memref<1x32xi32, #tpu.memory_space<vmem>>
    %dma_start3A_1784 = tpu.memref_squeeze %dma_start3A_1783 : memref<1x32xi32, #tpu.memory_space<vmem>> -> memref<32xi32, #tpu.memory_space<vmem>>
    %dma_start3A_1785 = arith.constant 0 : i32
    %dma_start3A_1786 = arith.constant 0 : i32
    %dma_start3A_1787 = tpu.memref_slice %arg5[%dma_start3A_1785, %dma_start3A_1786] : memref<676676x32xf32, #tpu.memory_space<hbm>> -> memref<676676x32xf32, #tpu.memory_space<hbm>>
    tpu.enqueue_indirect_dma source(%dma_start3A_1787 : memref<676676x32xf32, #tpu.memory_space<hbm>>) target(%dma_start3A_1781 : memref<32x32xf32, #tpu.memory_space<vmem>>) offsets(%dma_start3A_1784 : memref<32xi32, #tpu.memory_space<vmem>>) semaphore(%arg17 : memref<!tpu.dma_semaphore, #tpu.memory_space<semaphore_mem>>)
    %dma_start3A_1788 = arith.constant 6 : i32
    %dma_start3A_1789 = arith.constant 6 : i32
    %dma_start3A_1790 = arith.constant 0 : i32
    %dma_start3A_1791 = arith.constant 0 : i32
    %dma_start3A_1792 = tpu.memref_slice %arg14[%dma_start3A_1789, %dma_start3A_1790, %dma_start3A_1791] : memref<26x32x32xf32, #tpu.memory_space<vmem>> -> memref<1x32x32xf32, #tpu.memory_space<vmem>>
    %dma_start3A_1793 = tpu.memref_squeeze %dma_start3A_1792 : memref<1x32x32xf32, #tpu.memory_space<vmem>> -> memref<32x32xf32, #tpu.memory_space<vmem>>
    %dma_start3A_1794 = arith.constant 0 : i32
    %dma_start3A_1795 = tpu.memref_slice %arg12[%dma_start3A_1788, %dma_start3A_1794] : memref<26x32xi32, #tpu.memory_space<vmem>> -> memref<1x32xi32, #tpu.memory_space<vmem>>
    %dma_start3A_1796 = tpu.memref_squeeze %dma_start3A_1795 : memref<1x32xi32, #tpu.memory_space<vmem>> -> memref<32xi32, #tpu.memory_space<vmem>>
    %dma_start3A_1797 = arith.constant 0 : i32
    %dma_start3A_1798 = arith.constant 0 : i32
    %dma_start3A_1799 = tpu.memref_slice %arg5[%dma_start3A_1797, %dma_start3A_1798] : memref<676676x32xf32, #tpu.memory_space<hbm>> -> memref<676676x32xf32, #tpu.memory_space<hbm>>
    tpu.enqueue_indirect_dma source(%dma_start3A_1799 : memref<676676x32xf32, #tpu.memory_space<hbm>>) target(%dma_start3A_1793 : memref<32x32xf32, #tpu.memory_space<vmem>>) offsets(%dma_start3A_1796 : memref<32xi32, #tpu.memory_space<vmem>>) semaphore(%arg17 : memref<!tpu.dma_semaphore, #tpu.memory_space<semaphore_mem>>)
    %dma_start3A_1800 = arith.constant 7 : i32
    %dma_start3A_1801 = arith.constant 7 : i32
    %dma_start3A_1802 = arith.constant 0 : i32
    %dma_start3A_1803 = arith.constant 0 : i32
    %dma_start3A_1804 = tpu.memref_slice %arg14[%dma_start3A_1801, %dma_start3A_1802, %dma_start3A_1803] : memref<26x32x32xf32, #tpu.memory_space<vmem>> -> memref<1x32x32xf32, #tpu.memory_space<vmem>>
    %dma_start3A_1805 = tpu.memref_squeeze %dma_start3A_1804 : memref<1x32x32xf32, #tpu.memory_space<vmem>> -> memref<32x32xf32, #tpu.memory_space<vmem>>
    %dma_start3A_1806 = arith.constant 0 : i32
    %dma_start3A_1807 = tpu.memref_slice %arg12[%dma_start3A_1800, %dma_start3A_1806] : memref<26x32xi32, #tpu.memory_space<vmem>> -> memref<1x32xi32, #tpu.memory_space<vmem>>
    %dma_start3A_1808 = tpu.memref_squeeze %dma_start3A_1807 : memref<1x32xi32, #tpu.memory_space<vmem>> -> memref<32xi32, #tpu.memory_space<vmem>>
    %dma_start3A_1809 = arith.constant 0 : i32
    %dma_start3A_1810 = arith.constant 0 : i32
    %dma_start3A_1811 = tpu.memref_slice %arg5[%dma_start3A_1809, %dma_start3A_1810] : memref<676676x32xf32, #tpu.memory_space<hbm>> -> memref<676676x32xf32, #tpu.memory_space<hbm>>
    tpu.enqueue_indirect_dma source(%dma_start3A_1811 : memref<676676x32xf32, #tpu.memory_space<hbm>>) target(%dma_start3A_1805 : memref<32x32xf32, #tpu.memory_space<vmem>>) offsets(%dma_start3A_1808 : memref<32xi32, #tpu.memory_space<vmem>>) semaphore(%arg17 : memref<!tpu.dma_semaphore, #tpu.memory_space<semaphore_mem>>)
    %dma_start3A_1812 = arith.constant 8 : i32
    %dma_start3A_1813 = arith.constant 8 : i32
    %dma_start3A_1814 = arith.constant 0 : i32
    %dma_start3A_1815 = arith.constant 0 : i32
    %dma_start3A_1816 = tpu.memref_slice %arg14[%dma_start3A_1813, %dma_start3A_1814, %dma_start3A_1815] : memref<26x32x32xf32, #tpu.memory_space<vmem>> -> memref<1x32x32xf32, #tpu.memory_space<vmem>>
    %dma_start3A_1817 = tpu.memref_squeeze %dma_start3A_1816 : memref<1x32x32xf32, #tpu.memory_space<vmem>> -> memref<32x32xf32, #tpu.memory_space<vmem>>
    %dma_start3A_1818 = arith.constant 0 : i32
    %dma_start3A_1819 = tpu.memref_slice %arg12[%dma_start3A_1812, %dma_start3A_1818] : memref<26x32xi32, #tpu.memory_space<vmem>> -> memref<1x32xi32, #tpu.memory_space<vmem>>
    %dma_start3A_1820 = tpu.memref_squeeze %dma_start3A_1819 : memref<1x32xi32, #tpu.memory_space<vmem>> -> memref<32xi32, #tpu.memory_space<vmem>>
    %dma_start3A_1821 = arith.constant 0 : i32
    %dma_start3A_1822 = arith.constant 0 : i32
    %dma_start3A_1823 = tpu.memref_slice %arg5[%dma_start3A_1821, %dma_start3A_1822] : memref<676676x32xf32, #tpu.memory_space<hbm>> -> memref<676676x32xf32, #tpu.memory_space<hbm>>
    tpu.enqueue_indirect_dma source(%dma_start3A_1823 : memref<676676x32xf32, #tpu.memory_space<hbm>>) target(%dma_start3A_1817 : memref<32x32xf32, #tpu.memory_space<vmem>>) offsets(%dma_start3A_1820 : memref<32xi32, #tpu.memory_space<vmem>>) semaphore(%arg17 : memref<!tpu.dma_semaphore, #tpu.memory_space<semaphore_mem>>)
    %dma_start3A_1824 = arith.constant 9 : i32
    %dma_start3A_1825 = arith.constant 9 : i32
    %dma_start3A_1826 = arith.constant 0 : i32
    %dma_start3A_1827 = arith.constant 0 : i32
    %dma_start3A_1828 = tpu.memref_slice %arg14[%dma_start3A_1825, %dma_start3A_1826, %dma_start3A_1827] : memref<26x32x32xf32, #tpu.memory_space<vmem>> -> memref<1x32x32xf32, #tpu.memory_space<vmem>>
    %dma_start3A_1829 = tpu.memref_squeeze %dma_start3A_1828 : memref<1x32x32xf32, #tpu.memory_space<vmem>> -> memref<32x32xf32, #tpu.memory_space<vmem>>
    %dma_start3A_1830 = arith.constant 0 : i32
    %dma_start3A_1831 = tpu.memref_slice %arg12[%dma_start3A_1824, %dma_start3A_1830] : memref<26x32xi32, #tpu.memory_space<vmem>> -> memref<1x32xi32, #tpu.memory_space<vmem>>
    %dma_start3A_1832 = tpu.memref_squeeze %dma_start3A_1831 : memref<1x32xi32, #tpu.memory_space<vmem>> -> memref<32xi32, #tpu.memory_space<vmem>>
    %dma_start3A_1833 = arith.constant 0 : i32
    %dma_start3A_1834 = arith.constant 0 : i32
    %dma_start3A_1835 = tpu.memref_slice %arg5[%dma_start3A_1833, %dma_start3A_1834] : memref<676676x32xf32, #tpu.memory_space<hbm>> -> memref<676676x32xf32, #tpu.memory_space<hbm>>
    tpu.enqueue_indirect_dma source(%dma_start3A_1835 : memref<676676x32xf32, #tpu.memory_space<hbm>>) target(%dma_start3A_1829 : memref<32x32xf32, #tpu.memory_space<vmem>>) offsets(%dma_start3A_1832 : memref<32xi32, #tpu.memory_space<vmem>>) semaphore(%arg17 : memref<!tpu.dma_semaphore, #tpu.memory_space<semaphore_mem>>)
    %dma_start3A_1836 = arith.constant 10 : i32
    %dma_start3A_1837 = arith.constant 10 : i32
    %dma_start3A_1838 = arith.constant 0 : i32
    %dma_start3A_1839 = arith.constant 0 : i32
    %dma_start3A_1840 = tpu.memref_slice %arg14[%dma_start3A_1837, %dma_start3A_1838, %dma_start3A_1839] : memref<26x32x32xf32, #tpu.memory_space<vmem>> -> memref<1x32x32xf32, #tpu.memory_space<vmem>>
    %dma_start3A_1841 = tpu.memref_squeeze %dma_start3A_1840 : memref<1x32x32xf32, #tpu.memory_space<vmem>> -> memref<32x32xf32, #tpu.memory_space<vmem>>
    %dma_start3A_1842 = arith.constant 0 : i32
    %dma_start3A_1843 = tpu.memref_slice %arg12[%dma_start3A_1836, %dma_start3A_1842] : memref<26x32xi32, #tpu.memory_space<vmem>> -> memref<1x32xi32, #tpu.memory_space<vmem>>
    %dma_start3A_1844 = tpu.memref_squeeze %dma_start3A_1843 : memref<1x32xi32, #tpu.memory_space<vmem>> -> memref<32xi32, #tpu.memory_space<vmem>>
    %dma_start3A_1845 = arith.constant 0 : i32
    %dma_start3A_1846 = arith.constant 0 : i32
    %dma_start3A_1847 = tpu.memref_slice %arg5[%dma_start3A_1845, %dma_start3A_1846] : memref<676676x32xf32, #tpu.memory_space<hbm>> -> memref<676676x32xf32, #tpu.memory_space<hbm>>
    tpu.enqueue_indirect_dma source(%dma_start3A_1847 : memref<676676x32xf32, #tpu.memory_space<hbm>>) target(%dma_start3A_1841 : memref<32x32xf32, #tpu.memory_space<vmem>>) offsets(%dma_start3A_1844 : memref<32xi32, #tpu.memory_space<vmem>>) semaphore(%arg17 : memref<!tpu.dma_semaphore, #tpu.memory_space<semaphore_mem>>)
    %dma_start3A_1848 = arith.constant 11 : i32
    %dma_start3A_1849 = arith.constant 11 : i32
    %dma_start3A_1850 = arith.constant 0 : i32
    %dma_start3A_1851 = arith.constant 0 : i32
    %dma_start3A_1852 = tpu.memref_slice %arg14[%dma_start3A_1849, %dma_start3A_1850, %dma_start3A_1851] : memref<26x32x32xf32, #tpu.memory_space<vmem>> -> memref<1x32x32xf32, #tpu.memory_space<vmem>>
    %dma_start3A_1853 = tpu.memref_squeeze %dma_start3A_1852 : memref<1x32x32xf32, #tpu.memory_space<vmem>> -> memref<32x32xf32, #tpu.memory_space<vmem>>
    %dma_start3A_1854 = arith.constant 0 : i32
    %dma_start3A_1855 = tpu.memref_slice %arg12[%dma_start3A_1848, %dma_start3A_1854] : memref<26x32xi32, #tpu.memory_space<vmem>> -> memref<1x32xi32, #tpu.memory_space<vmem>>
    %dma_start3A_1856 = tpu.memref_squeeze %dma_start3A_1855 : memref<1x32xi32, #tpu.memory_space<vmem>> -> memref<32xi32, #tpu.memory_space<vmem>>
    %dma_start3A_1857 = arith.constant 0 : i32
    %dma_start3A_1858 = arith.constant 0 : i32
    %dma_start3A_1859 = tpu.memref_slice %arg5[%dma_start3A_1857, %dma_start3A_1858] : memref<676676x32xf32, #tpu.memory_space<hbm>> -> memref<676676x32xf32, #tpu.memory_space<hbm>>
    tpu.enqueue_indirect_dma source(%dma_start3A_1859 : memref<676676x32xf32, #tpu.memory_space<hbm>>) target(%dma_start3A_1853 : memref<32x32xf32, #tpu.memory_space<vmem>>) offsets(%dma_start3A_1856 : memref<32xi32, #tpu.memory_space<vmem>>) semaphore(%arg17 : memref<!tpu.dma_semaphore, #tpu.memory_space<semaphore_mem>>)
    %dma_start3A_1860 = arith.constant 12 : i32
    %dma_start3A_1861 = arith.constant 12 : i32
    %dma_start3A_1862 = arith.constant 0 : i32
    %dma_start3A_1863 = arith.constant 0 : i32
    %dma_start3A_1864 = tpu.memref_slice %arg14[%dma_start3A_1861, %dma_start3A_1862, %dma_start3A_1863] : memref<26x32x32xf32, #tpu.memory_space<vmem>> -> memref<1x32x32xf32, #tpu.memory_space<vmem>>
    %dma_start3A_1865 = tpu.memref_squeeze %dma_start3A_1864 : memref<1x32x32xf32, #tpu.memory_space<vmem>> -> memref<32x32xf32, #tpu.memory_space<vmem>>
    %dma_start3A_1866 = arith.constant 0 : i32
    %dma_start3A_1867 = tpu.memref_slice %arg12[%dma_start3A_1860, %dma_start3A_1866] : memref<26x32xi32, #tpu.memory_space<vmem>> -> memref<1x32xi32, #tpu.memory_space<vmem>>
    %dma_start3A_1868 = tpu.memref_squeeze %dma_start3A_1867 : memref<1x32xi32, #tpu.memory_space<vmem>> -> memref<32xi32, #tpu.memory_space<vmem>>
    %dma_start3A_1869 = arith.constant 0 : i32
    %dma_start3A_1870 = arith.constant 0 : i32
    %dma_start3A_1871 = tpu.memref_slice %arg5[%dma_start3A_1869, %dma_start3A_1870] : memref<676676x32xf32, #tpu.memory_space<hbm>> -> memref<676676x32xf32, #tpu.memory_space<hbm>>
    tpu.enqueue_indirect_dma source(%dma_start3A_1871 : memref<676676x32xf32, #tpu.memory_space<hbm>>) target(%dma_start3A_1865 : memref<32x32xf32, #tpu.memory_space<vmem>>) offsets(%dma_start3A_1868 : memref<32xi32, #tpu.memory_space<vmem>>) semaphore(%arg17 : memref<!tpu.dma_semaphore, #tpu.memory_space<semaphore_mem>>)
    %dma_start3A_1872 = arith.constant 13 : i32
    %dma_start3A_1873 = arith.constant 13 : i32
    %dma_start3A_1874 = arith.constant 0 : i32
    %dma_start3A_1875 = arith.constant 0 : i32
    %dma_start3A_1876 = tpu.memref_slice %arg14[%dma_start3A_1873, %dma_start3A_1874, %dma_start3A_1875] : memref<26x32x32xf32, #tpu.memory_space<vmem>> -> memref<1x32x32xf32, #tpu.memory_space<vmem>>
    %dma_start3A_1877 = tpu.memref_squeeze %dma_start3A_1876 : memref<1x32x32xf32, #tpu.memory_space<vmem>> -> memref<32x32xf32, #tpu.memory_space<vmem>>
    %dma_start3A_1878 = arith.constant 0 : i32
    %dma_start3A_1879 = tpu.memref_slice %arg12[%dma_start3A_1872, %dma_start3A_1878] : memref<26x32xi32, #tpu.memory_space<vmem>> -> memref<1x32xi32, #tpu.memory_space<vmem>>
    %dma_start3A_1880 = tpu.memref_squeeze %dma_start3A_1879 : memref<1x32xi32, #tpu.memory_space<vmem>> -> memref<32xi32, #tpu.memory_space<vmem>>
    %dma_start3A_1881 = arith.constant 0 : i32
    %dma_start3A_1882 = arith.constant 0 : i32
    %dma_start3A_1883 = tpu.memref_slice %arg5[%dma_start3A_1881, %dma_start3A_1882] : memref<676676x32xf32, #tpu.memory_space<hbm>> -> memref<676676x32xf32, #tpu.memory_space<hbm>>
    tpu.enqueue_indirect_dma source(%dma_start3A_1883 : memref<676676x32xf32, #tpu.memory_space<hbm>>) target(%dma_start3A_1877 : memref<32x32xf32, #tpu.memory_space<vmem>>) offsets(%dma_start3A_1880 : memref<32xi32, #tpu.memory_space<vmem>>) semaphore(%arg17 : memref<!tpu.dma_semaphore, #tpu.memory_space<semaphore_mem>>)
    %dma_start3A_1884 = arith.constant 14 : i32
    %dma_start3A_1885 = arith.constant 14 : i32
    %dma_start3A_1886 = arith.constant 0 : i32
    %dma_start3A_1887 = arith.constant 0 : i32
    %dma_start3A_1888 = tpu.memref_slice %arg14[%dma_start3A_1885, %dma_start3A_1886, %dma_start3A_1887] : memref<26x32x32xf32, #tpu.memory_space<vmem>> -> memref<1x32x32xf32, #tpu.memory_space<vmem>>
    %dma_start3A_1889 = tpu.memref_squeeze %dma_start3A_1888 : memref<1x32x32xf32, #tpu.memory_space<vmem>> -> memref<32x32xf32, #tpu.memory_space<vmem>>
    %dma_start3A_1890 = arith.constant 0 : i32
    %dma_start3A_1891 = tpu.memref_slice %arg12[%dma_start3A_1884, %dma_start3A_1890] : memref<26x32xi32, #tpu.memory_space<vmem>> -> memref<1x32xi32, #tpu.memory_space<vmem>>
    %dma_start3A_1892 = tpu.memref_squeeze %dma_start3A_1891 : memref<1x32xi32, #tpu.memory_space<vmem>> -> memref<32xi32, #tpu.memory_space<vmem>>
    %dma_start3A_1893 = arith.constant 0 : i32
    %dma_start3A_1894 = arith.constant 0 : i32
    %dma_start3A_1895 = tpu.memref_slice %arg5[%dma_start3A_1893, %dma_start3A_1894] : memref<676676x32xf32, #tpu.memory_space<hbm>> -> memref<676676x32xf32, #tpu.memory_space<hbm>>
    tpu.enqueue_indirect_dma source(%dma_start3A_1895 : memref<676676x32xf32, #tpu.memory_space<hbm>>) target(%dma_start3A_1889 : memref<32x32xf32, #tpu.memory_space<vmem>>) offsets(%dma_start3A_1892 : memref<32xi32, #tpu.memory_space<vmem>>) semaphore(%arg17 : memref<!tpu.dma_semaphore, #tpu.memory_space<semaphore_mem>>)
    %dma_start3A_1896 = arith.constant 15 : i32
    %dma_start3A_1897 = arith.constant 15 : i32
    %dma_start3A_1898 = arith.constant 0 : i32
    %dma_start3A_1899 = arith.constant 0 : i32
    %dma_start3A_1900 = tpu.memref_slice %arg14[%dma_start3A_1897, %dma_start3A_1898, %dma_start3A_1899] : memref<26x32x32xf32, #tpu.memory_space<vmem>> -> memref<1x32x32xf32, #tpu.memory_space<vmem>>
    %dma_start3A_1901 = tpu.memref_squeeze %dma_start3A_1900 : memref<1x32x32xf32, #tpu.memory_space<vmem>> -> memref<32x32xf32, #tpu.memory_space<vmem>>
    %dma_start3A_1902 = arith.constant 0 : i32
    %dma_start3A_1903 = tpu.memref_slice %arg12[%dma_start3A_1896, %dma_start3A_1902] : memref<26x32xi32, #tpu.memory_space<vmem>> -> memref<1x32xi32, #tpu.memory_space<vmem>>
    %dma_start3A_1904 = tpu.memref_squeeze %dma_start3A_1903 : memref<1x32xi32, #tpu.memory_space<vmem>> -> memref<32xi32, #tpu.memory_space<vmem>>
    %dma_start3A_1905 = arith.constant 0 : i32
    %dma_start3A_1906 = arith.constant 0 : i32
    %dma_start3A_1907 = tpu.memref_slice %arg5[%dma_start3A_1905, %dma_start3A_1906] : memref<676676x32xf32, #tpu.memory_space<hbm>> -> memref<676676x32xf32, #tpu.memory_space<hbm>>
    tpu.enqueue_indirect_dma source(%dma_start3A_1907 : memref<676676x32xf32, #tpu.memory_space<hbm>>) target(%dma_start3A_1901 : memref<32x32xf32, #tpu.memory_space<vmem>>) offsets(%dma_start3A_1904 : memref<32xi32, #tpu.memory_space<vmem>>) semaphore(%arg17 : memref<!tpu.dma_semaphore, #tpu.memory_space<semaphore_mem>>)
    %dma_start3A_1908 = arith.constant 16 : i32
    %dma_start3A_1909 = arith.constant 16 : i32
    %dma_start3A_1910 = arith.constant 0 : i32
    %dma_start3A_1911 = arith.constant 0 : i32
    %dma_start3A_1912 = tpu.memref_slice %arg14[%dma_start3A_1909, %dma_start3A_1910, %dma_start3A_1911] : memref<26x32x32xf32, #tpu.memory_space<vmem>> -> memref<1x32x32xf32, #tpu.memory_space<vmem>>
    %dma_start3A_1913 = tpu.memref_squeeze %dma_start3A_1912 : memref<1x32x32xf32, #tpu.memory_space<vmem>> -> memref<32x32xf32, #tpu.memory_space<vmem>>
    %dma_start3A_1914 = arith.constant 0 : i32
    %dma_start3A_1915 = tpu.memref_slice %arg12[%dma_start3A_1908, %dma_start3A_1914] : memref<26x32xi32, #tpu.memory_space<vmem>> -> memref<1x32xi32, #tpu.memory_space<vmem>>
    %dma_start3A_1916 = tpu.memref_squeeze %dma_start3A_1915 : memref<1x32xi32, #tpu.memory_space<vmem>> -> memref<32xi32, #tpu.memory_space<vmem>>
    %dma_start3A_1917 = arith.constant 0 : i32
    %dma_start3A_1918 = arith.constant 0 : i32
    %dma_start3A_1919 = tpu.memref_slice %arg5[%dma_start3A_1917, %dma_start3A_1918] : memref<676676x32xf32, #tpu.memory_space<hbm>> -> memref<676676x32xf32, #tpu.memory_space<hbm>>
    tpu.enqueue_indirect_dma source(%dma_start3A_1919 : memref<676676x32xf32, #tpu.memory_space<hbm>>) target(%dma_start3A_1913 : memref<32x32xf32, #tpu.memory_space<vmem>>) offsets(%dma_start3A_1916 : memref<32xi32, #tpu.memory_space<vmem>>) semaphore(%arg17 : memref<!tpu.dma_semaphore, #tpu.memory_space<semaphore_mem>>)
    %dma_start3A_1920 = arith.constant 17 : i32
    %dma_start3A_1921 = arith.constant 17 : i32
    %dma_start3A_1922 = arith.constant 0 : i32
    %dma_start3A_1923 = arith.constant 0 : i32
    %dma_start3A_1924 = tpu.memref_slice %arg14[%dma_start3A_1921, %dma_start3A_1922, %dma_start3A_1923] : memref<26x32x32xf32, #tpu.memory_space<vmem>> -> memref<1x32x32xf32, #tpu.memory_space<vmem>>
    %dma_start3A_1925 = tpu.memref_squeeze %dma_start3A_1924 : memref<1x32x32xf32, #tpu.memory_space<vmem>> -> memref<32x32xf32, #tpu.memory_space<vmem>>
    %dma_start3A_1926 = arith.constant 0 : i32
    %dma_start3A_1927 = tpu.memref_slice %arg12[%dma_start3A_1920, %dma_start3A_1926] : memref<26x32xi32, #tpu.memory_space<vmem>> -> memref<1x32xi32, #tpu.memory_space<vmem>>
    %dma_start3A_1928 = tpu.memref_squeeze %dma_start3A_1927 : memref<1x32xi32, #tpu.memory_space<vmem>> -> memref<32xi32, #tpu.memory_space<vmem>>
    %dma_start3A_1929 = arith.constant 0 : i32
    %dma_start3A_1930 = arith.constant 0 : i32
    %dma_start3A_1931 = tpu.memref_slice %arg5[%dma_start3A_1929, %dma_start3A_1930] : memref<676676x32xf32, #tpu.memory_space<hbm>> -> memref<676676x32xf32, #tpu.memory_space<hbm>>
    tpu.enqueue_indirect_dma source(%dma_start3A_1931 : memref<676676x32xf32, #tpu.memory_space<hbm>>) target(%dma_start3A_1925 : memref<32x32xf32, #tpu.memory_space<vmem>>) offsets(%dma_start3A_1928 : memref<32xi32, #tpu.memory_space<vmem>>) semaphore(%arg17 : memref<!tpu.dma_semaphore, #tpu.memory_space<semaphore_mem>>)
    %dma_start3A_1932 = arith.constant 18 : i32
    %dma_start3A_1933 = arith.constant 18 : i32
    %dma_start3A_1934 = arith.constant 0 : i32
    %dma_start3A_1935 = arith.constant 0 : i32
    %dma_start3A_1936 = tpu.memref_slice %arg14[%dma_start3A_1933, %dma_start3A_1934, %dma_start3A_1935] : memref<26x32x32xf32, #tpu.memory_space<vmem>> -> memref<1x32x32xf32, #tpu.memory_space<vmem>>
    %dma_start3A_1937 = tpu.memref_squeeze %dma_start3A_1936 : memref<1x32x32xf32, #tpu.memory_space<vmem>> -> memref<32x32xf32, #tpu.memory_space<vmem>>
    %dma_start3A_1938 = arith.constant 0 : i32
    %dma_start3A_1939 = tpu.memref_slice %arg12[%dma_start3A_1932, %dma_start3A_1938] : memref<26x32xi32, #tpu.memory_space<vmem>> -> memref<1x32xi32, #tpu.memory_space<vmem>>
    %dma_start3A_1940 = tpu.memref_squeeze %dma_start3A_1939 : memref<1x32xi32, #tpu.memory_space<vmem>> -> memref<32xi32, #tpu.memory_space<vmem>>
    %dma_start3A_1941 = arith.constant 0 : i32
    %dma_start3A_1942 = arith.constant 0 : i32
    %dma_start3A_1943 = tpu.memref_slice %arg5[%dma_start3A_1941, %dma_start3A_1942] : memref<676676x32xf32, #tpu.memory_space<hbm>> -> memref<676676x32xf32, #tpu.memory_space<hbm>>
    tpu.enqueue_indirect_dma source(%dma_start3A_1943 : memref<676676x32xf32, #tpu.memory_space<hbm>>) target(%dma_start3A_1937 : memref<32x32xf32, #tpu.memory_space<vmem>>) offsets(%dma_start3A_1940 : memref<32xi32, #tpu.memory_space<vmem>>) semaphore(%arg17 : memref<!tpu.dma_semaphore, #tpu.memory_space<semaphore_mem>>)
    %dma_start3A_1944 = arith.constant 19 : i32
    %dma_start3A_1945 = arith.constant 19 : i32
    %dma_start3A_1946 = arith.constant 0 : i32
    %dma_start3A_1947 = arith.constant 0 : i32
    %dma_start3A_1948 = tpu.memref_slice %arg14[%dma_start3A_1945, %dma_start3A_1946, %dma_start3A_1947] : memref<26x32x32xf32, #tpu.memory_space<vmem>> -> memref<1x32x32xf32, #tpu.memory_space<vmem>>
    %dma_start3A_1949 = tpu.memref_squeeze %dma_start3A_1948 : memref<1x32x32xf32, #tpu.memory_space<vmem>> -> memref<32x32xf32, #tpu.memory_space<vmem>>
    %dma_start3A_1950 = arith.constant 0 : i32
    %dma_start3A_1951 = tpu.memref_slice %arg12[%dma_start3A_1944, %dma_start3A_1950] : memref<26x32xi32, #tpu.memory_space<vmem>> -> memref<1x32xi32, #tpu.memory_space<vmem>>
    %dma_start3A_1952 = tpu.memref_squeeze %dma_start3A_1951 : memref<1x32xi32, #tpu.memory_space<vmem>> -> memref<32xi32, #tpu.memory_space<vmem>>
    %dma_start3A_1953 = arith.constant 0 : i32
    %dma_start3A_1954 = arith.constant 0 : i32
    %dma_start3A_1955 = tpu.memref_slice %arg5[%dma_start3A_1953, %dma_start3A_1954] : memref<676676x32xf32, #tpu.memory_space<hbm>> -> memref<676676x32xf32, #tpu.memory_space<hbm>>
    tpu.enqueue_indirect_dma source(%dma_start3A_1955 : memref<676676x32xf32, #tpu.memory_space<hbm>>) target(%dma_start3A_1949 : memref<32x32xf32, #tpu.memory_space<vmem>>) offsets(%dma_start3A_1952 : memref<32xi32, #tpu.memory_space<vmem>>) semaphore(%arg17 : memref<!tpu.dma_semaphore, #tpu.memory_space<semaphore_mem>>)
    %dma_start3A_1956 = arith.constant 20 : i32
    %dma_start3A_1957 = arith.constant 20 : i32
    %dma_start3A_1958 = arith.constant 0 : i32
    %dma_start3A_1959 = arith.constant 0 : i32
    %dma_start3A_1960 = tpu.memref_slice %arg14[%dma_start3A_1957, %dma_start3A_1958, %dma_start3A_1959] : memref<26x32x32xf32, #tpu.memory_space<vmem>> -> memref<1x32x32xf32, #tpu.memory_space<vmem>>
    %dma_start3A_1961 = tpu.memref_squeeze %dma_start3A_1960 : memref<1x32x32xf32, #tpu.memory_space<vmem>> -> memref<32x32xf32, #tpu.memory_space<vmem>>
    %dma_start3A_1962 = arith.constant 0 : i32
    %dma_start3A_1963 = tpu.memref_slice %arg12[%dma_start3A_1956, %dma_start3A_1962] : memref<26x32xi32, #tpu.memory_space<vmem>> -> memref<1x32xi32, #tpu.memory_space<vmem>>
    %dma_start3A_1964 = tpu.memref_squeeze %dma_start3A_1963 : memref<1x32xi32, #tpu.memory_space<vmem>> -> memref<32xi32, #tpu.memory_space<vmem>>
    %dma_start3A_1965 = arith.constant 0 : i32
    %dma_start3A_1966 = arith.constant 0 : i32
    %dma_start3A_1967 = tpu.memref_slice %arg5[%dma_start3A_1965, %dma_start3A_1966] : memref<676676x32xf32, #tpu.memory_space<hbm>> -> memref<676676x32xf32, #tpu.memory_space<hbm>>
    tpu.enqueue_indirect_dma source(%dma_start3A_1967 : memref<676676x32xf32, #tpu.memory_space<hbm>>) target(%dma_start3A_1961 : memref<32x32xf32, #tpu.memory_space<vmem>>) offsets(%dma_start3A_1964 : memref<32xi32, #tpu.memory_space<vmem>>) semaphore(%arg17 : memref<!tpu.dma_semaphore, #tpu.memory_space<semaphore_mem>>)
    %dma_start3A_1968 = arith.constant 21 : i32
    %dma_start3A_1969 = arith.constant 21 : i32
    %dma_start3A_1970 = arith.constant 0 : i32
    %dma_start3A_1971 = arith.constant 0 : i32
    %dma_start3A_1972 = tpu.memref_slice %arg14[%dma_start3A_1969, %dma_start3A_1970, %dma_start3A_1971] : memref<26x32x32xf32, #tpu.memory_space<vmem>> -> memref<1x32x32xf32, #tpu.memory_space<vmem>>
    %dma_start3A_1973 = tpu.memref_squeeze %dma_start3A_1972 : memref<1x32x32xf32, #tpu.memory_space<vmem>> -> memref<32x32xf32, #tpu.memory_space<vmem>>
    %dma_start3A_1974 = arith.constant 0 : i32
    %dma_start3A_1975 = tpu.memref_slice %arg12[%dma_start3A_1968, %dma_start3A_1974] : memref<26x32xi32, #tpu.memory_space<vmem>> -> memref<1x32xi32, #tpu.memory_space<vmem>>
    %dma_start3A_1976 = tpu.memref_squeeze %dma_start3A_1975 : memref<1x32xi32, #tpu.memory_space<vmem>> -> memref<32xi32, #tpu.memory_space<vmem>>
    %dma_start3A_1977 = arith.constant 0 : i32
    %dma_start3A_1978 = arith.constant 0 : i32
    %dma_start3A_1979 = tpu.memref_slice %arg5[%dma_start3A_1977, %dma_start3A_1978] : memref<676676x32xf32, #tpu.memory_space<hbm>> -> memref<676676x32xf32, #tpu.memory_space<hbm>>
    tpu.enqueue_indirect_dma source(%dma_start3A_1979 : memref<676676x32xf32, #tpu.memory_space<hbm>>) target(%dma_start3A_1973 : memref<32x32xf32, #tpu.memory_space<vmem>>) offsets(%dma_start3A_1976 : memref<32xi32, #tpu.memory_space<vmem>>) semaphore(%arg17 : memref<!tpu.dma_semaphore, #tpu.memory_space<semaphore_mem>>)
    %dma_start3A_1980 = arith.constant 22 : i32
    %dma_start3A_1981 = arith.constant 22 : i32
    %dma_start3A_1982 = arith.constant 0 : i32
    %dma_start3A_1983 = arith.constant 0 : i32
    %dma_start3A_1984 = tpu.memref_slice %arg14[%dma_start3A_1981, %dma_start3A_1982, %dma_start3A_1983] : memref<26x32x32xf32, #tpu.memory_space<vmem>> -> memref<1x32x32xf32, #tpu.memory_space<vmem>>
    %dma_start3A_1985 = tpu.memref_squeeze %dma_start3A_1984 : memref<1x32x32xf32, #tpu.memory_space<vmem>> -> memref<32x32xf32, #tpu.memory_space<vmem>>
    %dma_start3A_1986 = arith.constant 0 : i32
    %dma_start3A_1987 = tpu.memref_slice %arg12[%dma_start3A_1980, %dma_start3A_1986] : memref<26x32xi32, #tpu.memory_space<vmem>> -> memref<1x32xi32, #tpu.memory_space<vmem>>
    %dma_start3A_1988 = tpu.memref_squeeze %dma_start3A_1987 : memref<1x32xi32, #tpu.memory_space<vmem>> -> memref<32xi32, #tpu.memory_space<vmem>>
    %dma_start3A_1989 = arith.constant 0 : i32
    %dma_start3A_1990 = arith.constant 0 : i32
    %dma_start3A_1991 = tpu.memref_slice %arg5[%dma_start3A_1989, %dma_start3A_1990] : memref<676676x32xf32, #tpu.memory_space<hbm>> -> memref<676676x32xf32, #tpu.memory_space<hbm>>
    tpu.enqueue_indirect_dma source(%dma_start3A_1991 : memref<676676x32xf32, #tpu.memory_space<hbm>>) target(%dma_start3A_1985 : memref<32x32xf32, #tpu.memory_space<vmem>>) offsets(%dma_start3A_1988 : memref<32xi32, #tpu.memory_space<vmem>>) semaphore(%arg17 : memref<!tpu.dma_semaphore, #tpu.memory_space<semaphore_mem>>)
    %dma_start3A_1992 = arith.constant 23 : i32
    %dma_start3A_1993 = arith.constant 23 : i32
    %dma_start3A_1994 = arith.constant 0 : i32
    %dma_start3A_1995 = arith.constant 0 : i32
    %dma_start3A_1996 = tpu.memref_slice %arg14[%dma_start3A_1993, %dma_start3A_1994, %dma_start3A_1995] : memref<26x32x32xf32, #tpu.memory_space<vmem>> -> memref<1x32x32xf32, #tpu.memory_space<vmem>>
    %dma_start3A_1997 = tpu.memref_squeeze %dma_start3A_1996 : memref<1x32x32xf32, #tpu.memory_space<vmem>> -> memref<32x32xf32, #tpu.memory_space<vmem>>
    %dma_start3A_1998 = arith.constant 0 : i32
    %dma_start3A_1999 = tpu.memref_slice %arg12[%dma_start3A_1992, %dma_start3A_1998] : memref<26x32xi32, #tpu.memory_space<vmem>> -> memref<1x32xi32, #tpu.memory_space<vmem>>
    %dma_start3A_2000 = tpu.memref_squeeze %dma_start3A_1999 : memref<1x32xi32, #tpu.memory_space<vmem>> -> memref<32xi32, #tpu.memory_space<vmem>>
    %dma_start3A_2001 = arith.constant 0 : i32
    %dma_start3A_2002 = arith.constant 0 : i32
    %dma_start3A_2003 = tpu.memref_slice %arg5[%dma_start3A_2001, %dma_start3A_2002] : memref<676676x32xf32, #tpu.memory_space<hbm>> -> memref<676676x32xf32, #tpu.memory_space<hbm>>
    tpu.enqueue_indirect_dma source(%dma_start3A_2003 : memref<676676x32xf32, #tpu.memory_space<hbm>>) target(%dma_start3A_1997 : memref<32x32xf32, #tpu.memory_space<vmem>>) offsets(%dma_start3A_2000 : memref<32xi32, #tpu.memory_space<vmem>>) semaphore(%arg17 : memref<!tpu.dma_semaphore, #tpu.memory_space<semaphore_mem>>)
    %dma_start3A_2004 = arith.constant 24 : i32
    %dma_start3A_2005 = arith.constant 24 : i32
    %dma_start3A_2006 = arith.constant 0 : i32
    %dma_start3A_2007 = arith.constant 0 : i32
    %dma_start3A_2008 = tpu.memref_slice %arg14[%dma_start3A_2005, %dma_start3A_2006, %dma_start3A_2007] : memref<26x32x32xf32, #tpu.memory_space<vmem>> -> memref<1x32x32xf32, #tpu.memory_space<vmem>>
    %dma_start3A_2009 = tpu.memref_squeeze %dma_start3A_2008 : memref<1x32x32xf32, #tpu.memory_space<vmem>> -> memref<32x32xf32, #tpu.memory_space<vmem>>
    %dma_start3A_2010 = arith.constant 0 : i32
    %dma_start3A_2011 = tpu.memref_slice %arg12[%dma_start3A_2004, %dma_start3A_2010] : memref<26x32xi32, #tpu.memory_space<vmem>> -> memref<1x32xi32, #tpu.memory_space<vmem>>
    %dma_start3A_2012 = tpu.memref_squeeze %dma_start3A_2011 : memref<1x32xi32, #tpu.memory_space<vmem>> -> memref<32xi32, #tpu.memory_space<vmem>>
    %dma_start3A_2013 = arith.constant 0 : i32
    %dma_start3A_2014 = arith.constant 0 : i32
    %dma_start3A_2015 = tpu.memref_slice %arg5[%dma_start3A_2013, %dma_start3A_2014] : memref<676676x32xf32, #tpu.memory_space<hbm>> -> memref<676676x32xf32, #tpu.memory_space<hbm>>
    tpu.enqueue_indirect_dma source(%dma_start3A_2015 : memref<676676x32xf32, #tpu.memory_space<hbm>>) target(%dma_start3A_2009 : memref<32x32xf32, #tpu.memory_space<vmem>>) offsets(%dma_start3A_2012 : memref<32xi32, #tpu.memory_space<vmem>>) semaphore(%arg17 : memref<!tpu.dma_semaphore, #tpu.memory_space<semaphore_mem>>)
    %dma_start3A_2016 = arith.constant 25 : i32
    %dma_start3A_2017 = arith.constant 25 : i32
    %dma_start3A_2018 = arith.constant 0 : i32
    %dma_start3A_2019 = arith.constant 0 : i32
    %dma_start3A_2020 = tpu.memref_slice %arg14[%dma_start3A_2017, %dma_start3A_2018, %dma_start3A_2019] : memref<26x32x32xf32, #tpu.memory_space<vmem>> -> memref<1x32x32xf32, #tpu.memory_space<vmem>>
    %dma_start3A_2021 = tpu.memref_squeeze %dma_start3A_2020 : memref<1x32x32xf32, #tpu.memory_space<vmem>> -> memref<32x32xf32, #tpu.memory_space<vmem>>
    %dma_start3A_2022 = arith.constant 0 : i32
    %dma_start3A_2023 = tpu.memref_slice %arg12[%dma_start3A_2016, %dma_start3A_2022] : memref<26x32xi32, #tpu.memory_space<vmem>> -> memref<1x32xi32, #tpu.memory_space<vmem>>
    %dma_start3A_2024 = tpu.memref_squeeze %dma_start3A_2023 : memref<1x32xi32, #tpu.memory_space<vmem>> -> memref<32xi32, #tpu.memory_space<vmem>>
    %dma_start3A_2025 = arith.constant 0 : i32
    %dma_start3A_2026 = arith.constant 0 : i32
    %dma_start3A_2027 = tpu.memref_slice %arg5[%dma_start3A_2025, %dma_start3A_2026] : memref<676676x32xf32, #tpu.memory_space<hbm>> -> memref<676676x32xf32, #tpu.memory_space<hbm>>
    tpu.enqueue_indirect_dma source(%dma_start3A_2027 : memref<676676x32xf32, #tpu.memory_space<hbm>>) target(%dma_start3A_2021 : memref<32x32xf32, #tpu.memory_space<vmem>>) offsets(%dma_start3A_2024 : memref<32xi32, #tpu.memory_space<vmem>>) semaphore(%arg17 : memref<!tpu.dma_semaphore, #tpu.memory_space<semaphore_mem>>)
    %dma_start3A_2028 = arith.constant 0 : i32
    %dma_start3A_2029 = arith.constant 0 : i32
    %dma_start3A_2030 = tpu.memref_slice %arg6[%dma_start3A_2028, %dma_start3A_2029] : memref<26x32xf32, #tpu.memory_space<hbm>> -> memref<26x32xf32, #tpu.memory_space<hbm>>
    tpu.enqueue_indirect_dma source(%dma_start3A_2030 : memref<26x32xf32, #tpu.memory_space<hbm>>) target(%arg16 : memref<32x32xf32, #tpu.memory_space<vmem>>) offsets(%arg13 : memref<32xi32, #tpu.memory_space<vmem>>) semaphore(%arg17 : memref<!tpu.dma_semaphore, #tpu.memory_space<semaphore_mem>>)
    %dma_wait3A = arith.constant 0 : i32
    %dma_wait3A_2031 = arith.constant 0 : i32
    %dma_wait3A_2032 = arith.constant 0 : i32
    %dma_wait3A_2033 = arith.constant 0 : i32
    %dma_wait3A_2034 = tpu.memref_slice %arg14[%dma_wait3A_2031, %dma_wait3A_2032, %dma_wait3A_2033] : memref<26x32x32xf32, #tpu.memory_space<vmem>> -> memref<1x32x32xf32, #tpu.memory_space<vmem>>
    %dma_wait3A_2035 = tpu.memref_squeeze %dma_wait3A_2034 : memref<1x32x32xf32, #tpu.memory_space<vmem>> -> memref<32x32xf32, #tpu.memory_space<vmem>>
    %dma_wait3A_2036 = arith.constant 0 : i32
    %dma_wait3A_2037 = tpu.memref_slice %arg12[%dma_wait3A, %dma_wait3A_2036] : memref<26x32xi32, #tpu.memory_space<vmem>> -> memref<1x32xi32, #tpu.memory_space<vmem>>
    %dma_wait3A_2038 = tpu.memref_squeeze %dma_wait3A_2037 : memref<1x32xi32, #tpu.memory_space<vmem>> -> memref<32xi32, #tpu.memory_space<vmem>>
    %dma_wait3A_2039 = arith.constant 0 : i32
    %dma_wait3A_2040 = arith.constant 0 : i32
    %dma_wait3A_2041 = tpu.memref_slice %arg5[%dma_wait3A_2039, %dma_wait3A_2040] : memref<676676x32xf32, #tpu.memory_space<hbm>> -> memref<676676x32xf32, #tpu.memory_space<hbm>>
    tpu.wait_indirect_dma semaphore(%arg17 : memref<!tpu.dma_semaphore, #tpu.memory_space<semaphore_mem>>) src(%dma_wait3A_2041 : memref<676676x32xf32, #tpu.memory_space<hbm>>) dst(%dma_wait3A_2035 : memref<32x32xf32, #tpu.memory_space<vmem>>)
    %dma_wait3A_2042 = arith.constant 1 : i32
    %dma_wait3A_2043 = arith.constant 1 : i32
    %dma_wait3A_2044 = arith.constant 0 : i32
    %dma_wait3A_2045 = arith.constant 0 : i32
    %dma_wait3A_2046 = tpu.memref_slice %arg14[%dma_wait3A_2043, %dma_wait3A_2044, %dma_wait3A_2045] : memref<26x32x32xf32, #tpu.memory_space<vmem>> -> memref<1x32x32xf32, #tpu.memory_space<vmem>>
    %dma_wait3A_2047 = tpu.memref_squeeze %dma_wait3A_2046 : memref<1x32x32xf32, #tpu.memory_space<vmem>> -> memref<32x32xf32, #tpu.memory_space<vmem>>
    %dma_wait3A_2048 = arith.constant 0 : i32
    %dma_wait3A_2049 = tpu.memref_slice %arg12[%dma_wait3A_2042, %dma_wait3A_2048] : memref<26x32xi32, #tpu.memory_space<vmem>> -> memref<1x32xi32, #tpu.memory_space<vmem>>
    %dma_wait3A_2050 = tpu.memref_squeeze %dma_wait3A_2049 : memref<1x32xi32, #tpu.memory_space<vmem>> -> memref<32xi32, #tpu.memory_space<vmem>>
    %dma_wait3A_2051 = arith.constant 0 : i32
    %dma_wait3A_2052 = arith.constant 0 : i32
    %dma_wait3A_2053 = tpu.memref_slice %arg5[%dma_wait3A_2051, %dma_wait3A_2052] : memref<676676x32xf32, #tpu.memory_space<hbm>> -> memref<676676x32xf32, #tpu.memory_space<hbm>>
    tpu.wait_indirect_dma semaphore(%arg17 : memref<!tpu.dma_semaphore, #tpu.memory_space<semaphore_mem>>) src(%dma_wait3A_2053 : memref<676676x32xf32, #tpu.memory_space<hbm>>) dst(%dma_wait3A_2047 : memref<32x32xf32, #tpu.memory_space<vmem>>)
    %dma_wait3A_2054 = arith.constant 2 : i32
    %dma_wait3A_2055 = arith.constant 2 : i32
    %dma_wait3A_2056 = arith.constant 0 : i32
    %dma_wait3A_2057 = arith.constant 0 : i32
    %dma_wait3A_2058 = tpu.memref_slice %arg14[%dma_wait3A_2055, %dma_wait3A_2056, %dma_wait3A_2057] : memref<26x32x32xf32, #tpu.memory_space<vmem>> -> memref<1x32x32xf32, #tpu.memory_space<vmem>>
    %dma_wait3A_2059 = tpu.memref_squeeze %dma_wait3A_2058 : memref<1x32x32xf32, #tpu.memory_space<vmem>> -> memref<32x32xf32, #tpu.memory_space<vmem>>
    %dma_wait3A_2060 = arith.constant 0 : i32
    %dma_wait3A_2061 = tpu.memref_slice %arg12[%dma_wait3A_2054, %dma_wait3A_2060] : memref<26x32xi32, #tpu.memory_space<vmem>> -> memref<1x32xi32, #tpu.memory_space<vmem>>
    %dma_wait3A_2062 = tpu.memref_squeeze %dma_wait3A_2061 : memref<1x32xi32, #tpu.memory_space<vmem>> -> memref<32xi32, #tpu.memory_space<vmem>>
    %dma_wait3A_2063 = arith.constant 0 : i32
    %dma_wait3A_2064 = arith.constant 0 : i32
    %dma_wait3A_2065 = tpu.memref_slice %arg5[%dma_wait3A_2063, %dma_wait3A_2064] : memref<676676x32xf32, #tpu.memory_space<hbm>> -> memref<676676x32xf32, #tpu.memory_space<hbm>>
    tpu.wait_indirect_dma semaphore(%arg17 : memref<!tpu.dma_semaphore, #tpu.memory_space<semaphore_mem>>) src(%dma_wait3A_2065 : memref<676676x32xf32, #tpu.memory_space<hbm>>) dst(%dma_wait3A_2059 : memref<32x32xf32, #tpu.memory_space<vmem>>)
    %dma_wait3A_2066 = arith.constant 3 : i32
    %dma_wait3A_2067 = arith.constant 3 : i32
    %dma_wait3A_2068 = arith.constant 0 : i32
    %dma_wait3A_2069 = arith.constant 0 : i32
    %dma_wait3A_2070 = tpu.memref_slice %arg14[%dma_wait3A_2067, %dma_wait3A_2068, %dma_wait3A_2069] : memref<26x32x32xf32, #tpu.memory_space<vmem>> -> memref<1x32x32xf32, #tpu.memory_space<vmem>>
    %dma_wait3A_2071 = tpu.memref_squeeze %dma_wait3A_2070 : memref<1x32x32xf32, #tpu.memory_space<vmem>> -> memref<32x32xf32, #tpu.memory_space<vmem>>
    %dma_wait3A_2072 = arith.constant 0 : i32
    %dma_wait3A_2073 = tpu.memref_slice %arg12[%dma_wait3A_2066, %dma_wait3A_2072] : memref<26x32xi32, #tpu.memory_space<vmem>> -> memref<1x32xi32, #tpu.memory_space<vmem>>
    %dma_wait3A_2074 = tpu.memref_squeeze %dma_wait3A_2073 : memref<1x32xi32, #tpu.memory_space<vmem>> -> memref<32xi32, #tpu.memory_space<vmem>>
    %dma_wait3A_2075 = arith.constant 0 : i32
    %dma_wait3A_2076 = arith.constant 0 : i32
    %dma_wait3A_2077 = tpu.memref_slice %arg5[%dma_wait3A_2075, %dma_wait3A_2076] : memref<676676x32xf32, #tpu.memory_space<hbm>> -> memref<676676x32xf32, #tpu.memory_space<hbm>>
    tpu.wait_indirect_dma semaphore(%arg17 : memref<!tpu.dma_semaphore, #tpu.memory_space<semaphore_mem>>) src(%dma_wait3A_2077 : memref<676676x32xf32, #tpu.memory_space<hbm>>) dst(%dma_wait3A_2071 : memref<32x32xf32, #tpu.memory_space<vmem>>)
    %dma_wait3A_2078 = arith.constant 4 : i32
    %dma_wait3A_2079 = arith.constant 4 : i32
    %dma_wait3A_2080 = arith.constant 0 : i32
    %dma_wait3A_2081 = arith.constant 0 : i32
    %dma_wait3A_2082 = tpu.memref_slice %arg14[%dma_wait3A_2079, %dma_wait3A_2080, %dma_wait3A_2081] : memref<26x32x32xf32, #tpu.memory_space<vmem>> -> memref<1x32x32xf32, #tpu.memory_space<vmem>>
    %dma_wait3A_2083 = tpu.memref_squeeze %dma_wait3A_2082 : memref<1x32x32xf32, #tpu.memory_space<vmem>> -> memref<32x32xf32, #tpu.memory_space<vmem>>
    %dma_wait3A_2084 = arith.constant 0 : i32
    %dma_wait3A_2085 = tpu.memref_slice %arg12[%dma_wait3A_2078, %dma_wait3A_2084] : memref<26x32xi32, #tpu.memory_space<vmem>> -> memref<1x32xi32, #tpu.memory_space<vmem>>
    %dma_wait3A_2086 = tpu.memref_squeeze %dma_wait3A_2085 : memref<1x32xi32, #tpu.memory_space<vmem>> -> memref<32xi32, #tpu.memory_space<vmem>>
    %dma_wait3A_2087 = arith.constant 0 : i32
    %dma_wait3A_2088 = arith.constant 0 : i32
    %dma_wait3A_2089 = tpu.memref_slice %arg5[%dma_wait3A_2087, %dma_wait3A_2088] : memref<676676x32xf32, #tpu.memory_space<hbm>> -> memref<676676x32xf32, #tpu.memory_space<hbm>>
    tpu.wait_indirect_dma semaphore(%arg17 : memref<!tpu.dma_semaphore, #tpu.memory_space<semaphore_mem>>) src(%dma_wait3A_2089 : memref<676676x32xf32, #tpu.memory_space<hbm>>) dst(%dma_wait3A_2083 : memref<32x32xf32, #tpu.memory_space<vmem>>)
    %dma_wait3A_2090 = arith.constant 5 : i32
    %dma_wait3A_2091 = arith.constant 5 : i32
    %dma_wait3A_2092 = arith.constant 0 : i32
    %dma_wait3A_2093 = arith.constant 0 : i32
    %dma_wait3A_2094 = tpu.memref_slice %arg14[%dma_wait3A_2091, %dma_wait3A_2092, %dma_wait3A_2093] : memref<26x32x32xf32, #tpu.memory_space<vmem>> -> memref<1x32x32xf32, #tpu.memory_space<vmem>>
    %dma_wait3A_2095 = tpu.memref_squeeze %dma_wait3A_2094 : memref<1x32x32xf32, #tpu.memory_space<vmem>> -> memref<32x32xf32, #tpu.memory_space<vmem>>
    %dma_wait3A_2096 = arith.constant 0 : i32
    %dma_wait3A_2097 = tpu.memref_slice %arg12[%dma_wait3A_2090, %dma_wait3A_2096] : memref<26x32xi32, #tpu.memory_space<vmem>> -> memref<1x32xi32, #tpu.memory_space<vmem>>
    %dma_wait3A_2098 = tpu.memref_squeeze %dma_wait3A_2097 : memref<1x32xi32, #tpu.memory_space<vmem>> -> memref<32xi32, #tpu.memory_space<vmem>>
    %dma_wait3A_2099 = arith.constant 0 : i32
    %dma_wait3A_2100 = arith.constant 0 : i32
    %dma_wait3A_2101 = tpu.memref_slice %arg5[%dma_wait3A_2099, %dma_wait3A_2100] : memref<676676x32xf32, #tpu.memory_space<hbm>> -> memref<676676x32xf32, #tpu.memory_space<hbm>>
    tpu.wait_indirect_dma semaphore(%arg17 : memref<!tpu.dma_semaphore, #tpu.memory_space<semaphore_mem>>) src(%dma_wait3A_2101 : memref<676676x32xf32, #tpu.memory_space<hbm>>) dst(%dma_wait3A_2095 : memref<32x32xf32, #tpu.memory_space<vmem>>)
    %dma_wait3A_2102 = arith.constant 6 : i32
    %dma_wait3A_2103 = arith.constant 6 : i32
    %dma_wait3A_2104 = arith.constant 0 : i32
    %dma_wait3A_2105 = arith.constant 0 : i32
    %dma_wait3A_2106 = tpu.memref_slice %arg14[%dma_wait3A_2103, %dma_wait3A_2104, %dma_wait3A_2105] : memref<26x32x32xf32, #tpu.memory_space<vmem>> -> memref<1x32x32xf32, #tpu.memory_space<vmem>>
    %dma_wait3A_2107 = tpu.memref_squeeze %dma_wait3A_2106 : memref<1x32x32xf32, #tpu.memory_space<vmem>> -> memref<32x32xf32, #tpu.memory_space<vmem>>
    %dma_wait3A_2108 = arith.constant 0 : i32
    %dma_wait3A_2109 = tpu.memref_slice %arg12[%dma_wait3A_2102, %dma_wait3A_2108] : memref<26x32xi32, #tpu.memory_space<vmem>> -> memref<1x32xi32, #tpu.memory_space<vmem>>
    %dma_wait3A_2110 = tpu.memref_squeeze %dma_wait3A_2109 : memref<1x32xi32, #tpu.memory_space<vmem>> -> memref<32xi32, #tpu.memory_space<vmem>>
    %dma_wait3A_2111 = arith.constant 0 : i32
    %dma_wait3A_2112 = arith.constant 0 : i32
    %dma_wait3A_2113 = tpu.memref_slice %arg5[%dma_wait3A_2111, %dma_wait3A_2112] : memref<676676x32xf32, #tpu.memory_space<hbm>> -> memref<676676x32xf32, #tpu.memory_space<hbm>>
    tpu.wait_indirect_dma semaphore(%arg17 : memref<!tpu.dma_semaphore, #tpu.memory_space<semaphore_mem>>) src(%dma_wait3A_2113 : memref<676676x32xf32, #tpu.memory_space<hbm>>) dst(%dma_wait3A_2107 : memref<32x32xf32, #tpu.memory_space<vmem>>)
    %dma_wait3A_2114 = arith.constant 7 : i32
    %dma_wait3A_2115 = arith.constant 7 : i32
    %dma_wait3A_2116 = arith.constant 0 : i32
    %dma_wait3A_2117 = arith.constant 0 : i32
    %dma_wait3A_2118 = tpu.memref_slice %arg14[%dma_wait3A_2115, %dma_wait3A_2116, %dma_wait3A_2117] : memref<26x32x32xf32, #tpu.memory_space<vmem>> -> memref<1x32x32xf32, #tpu.memory_space<vmem>>
    %dma_wait3A_2119 = tpu.memref_squeeze %dma_wait3A_2118 : memref<1x32x32xf32, #tpu.memory_space<vmem>> -> memref<32x32xf32, #tpu.memory_space<vmem>>
    %dma_wait3A_2120 = arith.constant 0 : i32
    %dma_wait3A_2121 = tpu.memref_slice %arg12[%dma_wait3A_2114, %dma_wait3A_2120] : memref<26x32xi32, #tpu.memory_space<vmem>> -> memref<1x32xi32, #tpu.memory_space<vmem>>
    %dma_wait3A_2122 = tpu.memref_squeeze %dma_wait3A_2121 : memref<1x32xi32, #tpu.memory_space<vmem>> -> memref<32xi32, #tpu.memory_space<vmem>>
    %dma_wait3A_2123 = arith.constant 0 : i32
    %dma_wait3A_2124 = arith.constant 0 : i32
    %dma_wait3A_2125 = tpu.memref_slice %arg5[%dma_wait3A_2123, %dma_wait3A_2124] : memref<676676x32xf32, #tpu.memory_space<hbm>> -> memref<676676x32xf32, #tpu.memory_space<hbm>>
    tpu.wait_indirect_dma semaphore(%arg17 : memref<!tpu.dma_semaphore, #tpu.memory_space<semaphore_mem>>) src(%dma_wait3A_2125 : memref<676676x32xf32, #tpu.memory_space<hbm>>) dst(%dma_wait3A_2119 : memref<32x32xf32, #tpu.memory_space<vmem>>)
    %dma_wait3A_2126 = arith.constant 8 : i32
    %dma_wait3A_2127 = arith.constant 8 : i32
    %dma_wait3A_2128 = arith.constant 0 : i32
    %dma_wait3A_2129 = arith.constant 0 : i32
    %dma_wait3A_2130 = tpu.memref_slice %arg14[%dma_wait3A_2127, %dma_wait3A_2128, %dma_wait3A_2129] : memref<26x32x32xf32, #tpu.memory_space<vmem>> -> memref<1x32x32xf32, #tpu.memory_space<vmem>>
    %dma_wait3A_2131 = tpu.memref_squeeze %dma_wait3A_2130 : memref<1x32x32xf32, #tpu.memory_space<vmem>> -> memref<32x32xf32, #tpu.memory_space<vmem>>
    %dma_wait3A_2132 = arith.constant 0 : i32
    %dma_wait3A_2133 = tpu.memref_slice %arg12[%dma_wait3A_2126, %dma_wait3A_2132] : memref<26x32xi32, #tpu.memory_space<vmem>> -> memref<1x32xi32, #tpu.memory_space<vmem>>
    %dma_wait3A_2134 = tpu.memref_squeeze %dma_wait3A_2133 : memref<1x32xi32, #tpu.memory_space<vmem>> -> memref<32xi32, #tpu.memory_space<vmem>>
    %dma_wait3A_2135 = arith.constant 0 : i32
    %dma_wait3A_2136 = arith.constant 0 : i32
    %dma_wait3A_2137 = tpu.memref_slice %arg5[%dma_wait3A_2135, %dma_wait3A_2136] : memref<676676x32xf32, #tpu.memory_space<hbm>> -> memref<676676x32xf32, #tpu.memory_space<hbm>>
    tpu.wait_indirect_dma semaphore(%arg17 : memref<!tpu.dma_semaphore, #tpu.memory_space<semaphore_mem>>) src(%dma_wait3A_2137 : memref<676676x32xf32, #tpu.memory_space<hbm>>) dst(%dma_wait3A_2131 : memref<32x32xf32, #tpu.memory_space<vmem>>)
    %dma_wait3A_2138 = arith.constant 9 : i32
    %dma_wait3A_2139 = arith.constant 9 : i32
    %dma_wait3A_2140 = arith.constant 0 : i32
    %dma_wait3A_2141 = arith.constant 0 : i32
    %dma_wait3A_2142 = tpu.memref_slice %arg14[%dma_wait3A_2139, %dma_wait3A_2140, %dma_wait3A_2141] : memref<26x32x32xf32, #tpu.memory_space<vmem>> -> memref<1x32x32xf32, #tpu.memory_space<vmem>>
    %dma_wait3A_2143 = tpu.memref_squeeze %dma_wait3A_2142 : memref<1x32x32xf32, #tpu.memory_space<vmem>> -> memref<32x32xf32, #tpu.memory_space<vmem>>
    %dma_wait3A_2144 = arith.constant 0 : i32
    %dma_wait3A_2145 = tpu.memref_slice %arg12[%dma_wait3A_2138, %dma_wait3A_2144] : memref<26x32xi32, #tpu.memory_space<vmem>> -> memref<1x32xi32, #tpu.memory_space<vmem>>
    %dma_wait3A_2146 = tpu.memref_squeeze %dma_wait3A_2145 : memref<1x32xi32, #tpu.memory_space<vmem>> -> memref<32xi32, #tpu.memory_space<vmem>>
    %dma_wait3A_2147 = arith.constant 0 : i32
    %dma_wait3A_2148 = arith.constant 0 : i32
    %dma_wait3A_2149 = tpu.memref_slice %arg5[%dma_wait3A_2147, %dma_wait3A_2148] : memref<676676x32xf32, #tpu.memory_space<hbm>> -> memref<676676x32xf32, #tpu.memory_space<hbm>>
    tpu.wait_indirect_dma semaphore(%arg17 : memref<!tpu.dma_semaphore, #tpu.memory_space<semaphore_mem>>) src(%dma_wait3A_2149 : memref<676676x32xf32, #tpu.memory_space<hbm>>) dst(%dma_wait3A_2143 : memref<32x32xf32, #tpu.memory_space<vmem>>)
    %dma_wait3A_2150 = arith.constant 10 : i32
    %dma_wait3A_2151 = arith.constant 10 : i32
    %dma_wait3A_2152 = arith.constant 0 : i32
    %dma_wait3A_2153 = arith.constant 0 : i32
    %dma_wait3A_2154 = tpu.memref_slice %arg14[%dma_wait3A_2151, %dma_wait3A_2152, %dma_wait3A_2153] : memref<26x32x32xf32, #tpu.memory_space<vmem>> -> memref<1x32x32xf32, #tpu.memory_space<vmem>>
    %dma_wait3A_2155 = tpu.memref_squeeze %dma_wait3A_2154 : memref<1x32x32xf32, #tpu.memory_space<vmem>> -> memref<32x32xf32, #tpu.memory_space<vmem>>
    %dma_wait3A_2156 = arith.constant 0 : i32
    %dma_wait3A_2157 = tpu.memref_slice %arg12[%dma_wait3A_2150, %dma_wait3A_2156] : memref<26x32xi32, #tpu.memory_space<vmem>> -> memref<1x32xi32, #tpu.memory_space<vmem>>
    %dma_wait3A_2158 = tpu.memref_squeeze %dma_wait3A_2157 : memref<1x32xi32, #tpu.memory_space<vmem>> -> memref<32xi32, #tpu.memory_space<vmem>>
    %dma_wait3A_2159 = arith.constant 0 : i32
    %dma_wait3A_2160 = arith.constant 0 : i32
    %dma_wait3A_2161 = tpu.memref_slice %arg5[%dma_wait3A_2159, %dma_wait3A_2160] : memref<676676x32xf32, #tpu.memory_space<hbm>> -> memref<676676x32xf32, #tpu.memory_space<hbm>>
    tpu.wait_indirect_dma semaphore(%arg17 : memref<!tpu.dma_semaphore, #tpu.memory_space<semaphore_mem>>) src(%dma_wait3A_2161 : memref<676676x32xf32, #tpu.memory_space<hbm>>) dst(%dma_wait3A_2155 : memref<32x32xf32, #tpu.memory_space<vmem>>)
    %dma_wait3A_2162 = arith.constant 11 : i32
    %dma_wait3A_2163 = arith.constant 11 : i32
    %dma_wait3A_2164 = arith.constant 0 : i32
    %dma_wait3A_2165 = arith.constant 0 : i32
    %dma_wait3A_2166 = tpu.memref_slice %arg14[%dma_wait3A_2163, %dma_wait3A_2164, %dma_wait3A_2165] : memref<26x32x32xf32, #tpu.memory_space<vmem>> -> memref<1x32x32xf32, #tpu.memory_space<vmem>>
    %dma_wait3A_2167 = tpu.memref_squeeze %dma_wait3A_2166 : memref<1x32x32xf32, #tpu.memory_space<vmem>> -> memref<32x32xf32, #tpu.memory_space<vmem>>
    %dma_wait3A_2168 = arith.constant 0 : i32
    %dma_wait3A_2169 = tpu.memref_slice %arg12[%dma_wait3A_2162, %dma_wait3A_2168] : memref<26x32xi32, #tpu.memory_space<vmem>> -> memref<1x32xi32, #tpu.memory_space<vmem>>
    %dma_wait3A_2170 = tpu.memref_squeeze %dma_wait3A_2169 : memref<1x32xi32, #tpu.memory_space<vmem>> -> memref<32xi32, #tpu.memory_space<vmem>>
    %dma_wait3A_2171 = arith.constant 0 : i32
    %dma_wait3A_2172 = arith.constant 0 : i32
    %dma_wait3A_2173 = tpu.memref_slice %arg5[%dma_wait3A_2171, %dma_wait3A_2172] : memref<676676x32xf32, #tpu.memory_space<hbm>> -> memref<676676x32xf32, #tpu.memory_space<hbm>>
    tpu.wait_indirect_dma semaphore(%arg17 : memref<!tpu.dma_semaphore, #tpu.memory_space<semaphore_mem>>) src(%dma_wait3A_2173 : memref<676676x32xf32, #tpu.memory_space<hbm>>) dst(%dma_wait3A_2167 : memref<32x32xf32, #tpu.memory_space<vmem>>)
    %dma_wait3A_2174 = arith.constant 12 : i32
    %dma_wait3A_2175 = arith.constant 12 : i32
    %dma_wait3A_2176 = arith.constant 0 : i32
    %dma_wait3A_2177 = arith.constant 0 : i32
    %dma_wait3A_2178 = tpu.memref_slice %arg14[%dma_wait3A_2175, %dma_wait3A_2176, %dma_wait3A_2177] : memref<26x32x32xf32, #tpu.memory_space<vmem>> -> memref<1x32x32xf32, #tpu.memory_space<vmem>>
    %dma_wait3A_2179 = tpu.memref_squeeze %dma_wait3A_2178 : memref<1x32x32xf32, #tpu.memory_space<vmem>> -> memref<32x32xf32, #tpu.memory_space<vmem>>
    %dma_wait3A_2180 = arith.constant 0 : i32
    %dma_wait3A_2181 = tpu.memref_slice %arg12[%dma_wait3A_2174, %dma_wait3A_2180] : memref<26x32xi32, #tpu.memory_space<vmem>> -> memref<1x32xi32, #tpu.memory_space<vmem>>
    %dma_wait3A_2182 = tpu.memref_squeeze %dma_wait3A_2181 : memref<1x32xi32, #tpu.memory_space<vmem>> -> memref<32xi32, #tpu.memory_space<vmem>>
    %dma_wait3A_2183 = arith.constant 0 : i32
    %dma_wait3A_2184 = arith.constant 0 : i32
    %dma_wait3A_2185 = tpu.memref_slice %arg5[%dma_wait3A_2183, %dma_wait3A_2184] : memref<676676x32xf32, #tpu.memory_space<hbm>> -> memref<676676x32xf32, #tpu.memory_space<hbm>>
    tpu.wait_indirect_dma semaphore(%arg17 : memref<!tpu.dma_semaphore, #tpu.memory_space<semaphore_mem>>) src(%dma_wait3A_2185 : memref<676676x32xf32, #tpu.memory_space<hbm>>) dst(%dma_wait3A_2179 : memref<32x32xf32, #tpu.memory_space<vmem>>)
    %dma_wait3A_2186 = arith.constant 13 : i32
    %dma_wait3A_2187 = arith.constant 13 : i32
    %dma_wait3A_2188 = arith.constant 0 : i32
    %dma_wait3A_2189 = arith.constant 0 : i32
    %dma_wait3A_2190 = tpu.memref_slice %arg14[%dma_wait3A_2187, %dma_wait3A_2188, %dma_wait3A_2189] : memref<26x32x32xf32, #tpu.memory_space<vmem>> -> memref<1x32x32xf32, #tpu.memory_space<vmem>>
    %dma_wait3A_2191 = tpu.memref_squeeze %dma_wait3A_2190 : memref<1x32x32xf32, #tpu.memory_space<vmem>> -> memref<32x32xf32, #tpu.memory_space<vmem>>
    %dma_wait3A_2192 = arith.constant 0 : i32
    %dma_wait3A_2193 = tpu.memref_slice %arg12[%dma_wait3A_2186, %dma_wait3A_2192] : memref<26x32xi32, #tpu.memory_space<vmem>> -> memref<1x32xi32, #tpu.memory_space<vmem>>
    %dma_wait3A_2194 = tpu.memref_squeeze %dma_wait3A_2193 : memref<1x32xi32, #tpu.memory_space<vmem>> -> memref<32xi32, #tpu.memory_space<vmem>>
    %dma_wait3A_2195 = arith.constant 0 : i32
    %dma_wait3A_2196 = arith.constant 0 : i32
    %dma_wait3A_2197 = tpu.memref_slice %arg5[%dma_wait3A_2195, %dma_wait3A_2196] : memref<676676x32xf32, #tpu.memory_space<hbm>> -> memref<676676x32xf32, #tpu.memory_space<hbm>>
    tpu.wait_indirect_dma semaphore(%arg17 : memref<!tpu.dma_semaphore, #tpu.memory_space<semaphore_mem>>) src(%dma_wait3A_2197 : memref<676676x32xf32, #tpu.memory_space<hbm>>) dst(%dma_wait3A_2191 : memref<32x32xf32, #tpu.memory_space<vmem>>)
    %dma_wait3A_2198 = arith.constant 14 : i32
    %dma_wait3A_2199 = arith.constant 14 : i32
    %dma_wait3A_2200 = arith.constant 0 : i32
    %dma_wait3A_2201 = arith.constant 0 : i32
    %dma_wait3A_2202 = tpu.memref_slice %arg14[%dma_wait3A_2199, %dma_wait3A_2200, %dma_wait3A_2201] : memref<26x32x32xf32, #tpu.memory_space<vmem>> -> memref<1x32x32xf32, #tpu.memory_space<vmem>>
    %dma_wait3A_2203 = tpu.memref_squeeze %dma_wait3A_2202 : memref<1x32x32xf32, #tpu.memory_space<vmem>> -> memref<32x32xf32, #tpu.memory_space<vmem>>
    %dma_wait3A_2204 = arith.constant 0 : i32
    %dma_wait3A_2205 = tpu.memref_slice %arg12[%dma_wait3A_2198, %dma_wait3A_2204] : memref<26x32xi32, #tpu.memory_space<vmem>> -> memref<1x32xi32, #tpu.memory_space<vmem>>
    %dma_wait3A_2206 = tpu.memref_squeeze %dma_wait3A_2205 : memref<1x32xi32, #tpu.memory_space<vmem>> -> memref<32xi32, #tpu.memory_space<vmem>>
    %dma_wait3A_2207 = arith.constant 0 : i32
    %dma_wait3A_2208 = arith.constant 0 : i32
    %dma_wait3A_2209 = tpu.memref_slice %arg5[%dma_wait3A_2207, %dma_wait3A_2208] : memref<676676x32xf32, #tpu.memory_space<hbm>> -> memref<676676x32xf32, #tpu.memory_space<hbm>>
    tpu.wait_indirect_dma semaphore(%arg17 : memref<!tpu.dma_semaphore, #tpu.memory_space<semaphore_mem>>) src(%dma_wait3A_2209 : memref<676676x32xf32, #tpu.memory_space<hbm>>) dst(%dma_wait3A_2203 : memref<32x32xf32, #tpu.memory_space<vmem>>)
    %dma_wait3A_2210 = arith.constant 15 : i32
    %dma_wait3A_2211 = arith.constant 15 : i32
    %dma_wait3A_2212 = arith.constant 0 : i32
    %dma_wait3A_2213 = arith.constant 0 : i32
    %dma_wait3A_2214 = tpu.memref_slice %arg14[%dma_wait3A_2211, %dma_wait3A_2212, %dma_wait3A_2213] : memref<26x32x32xf32, #tpu.memory_space<vmem>> -> memref<1x32x32xf32, #tpu.memory_space<vmem>>
    %dma_wait3A_2215 = tpu.memref_squeeze %dma_wait3A_2214 : memref<1x32x32xf32, #tpu.memory_space<vmem>> -> memref<32x32xf32, #tpu.memory_space<vmem>>
    %dma_wait3A_2216 = arith.constant 0 : i32
    %dma_wait3A_2217 = tpu.memref_slice %arg12[%dma_wait3A_2210, %dma_wait3A_2216] : memref<26x32xi32, #tpu.memory_space<vmem>> -> memref<1x32xi32, #tpu.memory_space<vmem>>
    %dma_wait3A_2218 = tpu.memref_squeeze %dma_wait3A_2217 : memref<1x32xi32, #tpu.memory_space<vmem>> -> memref<32xi32, #tpu.memory_space<vmem>>
    %dma_wait3A_2219 = arith.constant 0 : i32
    %dma_wait3A_2220 = arith.constant 0 : i32
    %dma_wait3A_2221 = tpu.memref_slice %arg5[%dma_wait3A_2219, %dma_wait3A_2220] : memref<676676x32xf32, #tpu.memory_space<hbm>> -> memref<676676x32xf32, #tpu.memory_space<hbm>>
    tpu.wait_indirect_dma semaphore(%arg17 : memref<!tpu.dma_semaphore, #tpu.memory_space<semaphore_mem>>) src(%dma_wait3A_2221 : memref<676676x32xf32, #tpu.memory_space<hbm>>) dst(%dma_wait3A_2215 : memref<32x32xf32, #tpu.memory_space<vmem>>)
    %dma_wait3A_2222 = arith.constant 16 : i32
    %dma_wait3A_2223 = arith.constant 16 : i32
    %dma_wait3A_2224 = arith.constant 0 : i32
    %dma_wait3A_2225 = arith.constant 0 : i32
    %dma_wait3A_2226 = tpu.memref_slice %arg14[%dma_wait3A_2223, %dma_wait3A_2224, %dma_wait3A_2225] : memref<26x32x32xf32, #tpu.memory_space<vmem>> -> memref<1x32x32xf32, #tpu.memory_space<vmem>>
    %dma_wait3A_2227 = tpu.memref_squeeze %dma_wait3A_2226 : memref<1x32x32xf32, #tpu.memory_space<vmem>> -> memref<32x32xf32, #tpu.memory_space<vmem>>
    %dma_wait3A_2228 = arith.constant 0 : i32
    %dma_wait3A_2229 = tpu.memref_slice %arg12[%dma_wait3A_2222, %dma_wait3A_2228] : memref<26x32xi32, #tpu.memory_space<vmem>> -> memref<1x32xi32, #tpu.memory_space<vmem>>
    %dma_wait3A_2230 = tpu.memref_squeeze %dma_wait3A_2229 : memref<1x32xi32, #tpu.memory_space<vmem>> -> memref<32xi32, #tpu.memory_space<vmem>>
    %dma_wait3A_2231 = arith.constant 0 : i32
    %dma_wait3A_2232 = arith.constant 0 : i32
    %dma_wait3A_2233 = tpu.memref_slice %arg5[%dma_wait3A_2231, %dma_wait3A_2232] : memref<676676x32xf32, #tpu.memory_space<hbm>> -> memref<676676x32xf32, #tpu.memory_space<hbm>>
    tpu.wait_indirect_dma semaphore(%arg17 : memref<!tpu.dma_semaphore, #tpu.memory_space<semaphore_mem>>) src(%dma_wait3A_2233 : memref<676676x32xf32, #tpu.memory_space<hbm>>) dst(%dma_wait3A_2227 : memref<32x32xf32, #tpu.memory_space<vmem>>)
    %dma_wait3A_2234 = arith.constant 17 : i32
    %dma_wait3A_2235 = arith.constant 17 : i32
    %dma_wait3A_2236 = arith.constant 0 : i32
    %dma_wait3A_2237 = arith.constant 0 : i32
    %dma_wait3A_2238 = tpu.memref_slice %arg14[%dma_wait3A_2235, %dma_wait3A_2236, %dma_wait3A_2237] : memref<26x32x32xf32, #tpu.memory_space<vmem>> -> memref<1x32x32xf32, #tpu.memory_space<vmem>>
    %dma_wait3A_2239 = tpu.memref_squeeze %dma_wait3A_2238 : memref<1x32x32xf32, #tpu.memory_space<vmem>> -> memref<32x32xf32, #tpu.memory_space<vmem>>
    %dma_wait3A_2240 = arith.constant 0 : i32
    %dma_wait3A_2241 = tpu.memref_slice %arg12[%dma_wait3A_2234, %dma_wait3A_2240] : memref<26x32xi32, #tpu.memory_space<vmem>> -> memref<1x32xi32, #tpu.memory_space<vmem>>
    %dma_wait3A_2242 = tpu.memref_squeeze %dma_wait3A_2241 : memref<1x32xi32, #tpu.memory_space<vmem>> -> memref<32xi32, #tpu.memory_space<vmem>>
    %dma_wait3A_2243 = arith.constant 0 : i32
    %dma_wait3A_2244 = arith.constant 0 : i32
    %dma_wait3A_2245 = tpu.memref_slice %arg5[%dma_wait3A_2243, %dma_wait3A_2244] : memref<676676x32xf32, #tpu.memory_space<hbm>> -> memref<676676x32xf32, #tpu.memory_space<hbm>>
    tpu.wait_indirect_dma semaphore(%arg17 : memref<!tpu.dma_semaphore, #tpu.memory_space<semaphore_mem>>) src(%dma_wait3A_2245 : memref<676676x32xf32, #tpu.memory_space<hbm>>) dst(%dma_wait3A_2239 : memref<32x32xf32, #tpu.memory_space<vmem>>)
    %dma_wait3A_2246 = arith.constant 18 : i32
    %dma_wait3A_2247 = arith.constant 18 : i32
    %dma_wait3A_2248 = arith.constant 0 : i32
    %dma_wait3A_2249 = arith.constant 0 : i32
    %dma_wait3A_2250 = tpu.memref_slice %arg14[%dma_wait3A_2247, %dma_wait3A_2248, %dma_wait3A_2249] : memref<26x32x32xf32, #tpu.memory_space<vmem>> -> memref<1x32x32xf32, #tpu.memory_space<vmem>>
    %dma_wait3A_2251 = tpu.memref_squeeze %dma_wait3A_2250 : memref<1x32x32xf32, #tpu.memory_space<vmem>> -> memref<32x32xf32, #tpu.memory_space<vmem>>
    %dma_wait3A_2252 = arith.constant 0 : i32
    %dma_wait3A_2253 = tpu.memref_slice %arg12[%dma_wait3A_2246, %dma_wait3A_2252] : memref<26x32xi32, #tpu.memory_space<vmem>> -> memref<1x32xi32, #tpu.memory_space<vmem>>
    %dma_wait3A_2254 = tpu.memref_squeeze %dma_wait3A_2253 : memref<1x32xi32, #tpu.memory_space<vmem>> -> memref<32xi32, #tpu.memory_space<vmem>>
    %dma_wait3A_2255 = arith.constant 0 : i32
    %dma_wait3A_2256 = arith.constant 0 : i32
    %dma_wait3A_2257 = tpu.memref_slice %arg5[%dma_wait3A_2255, %dma_wait3A_2256] : memref<676676x32xf32, #tpu.memory_space<hbm>> -> memref<676676x32xf32, #tpu.memory_space<hbm>>
    tpu.wait_indirect_dma semaphore(%arg17 : memref<!tpu.dma_semaphore, #tpu.memory_space<semaphore_mem>>) src(%dma_wait3A_2257 : memref<676676x32xf32, #tpu.memory_space<hbm>>) dst(%dma_wait3A_2251 : memref<32x32xf32, #tpu.memory_space<vmem>>)
    %dma_wait3A_2258 = arith.constant 19 : i32
    %dma_wait3A_2259 = arith.constant 19 : i32
    %dma_wait3A_2260 = arith.constant 0 : i32
    %dma_wait3A_2261 = arith.constant 0 : i32
    %dma_wait3A_2262 = tpu.memref_slice %arg14[%dma_wait3A_2259, %dma_wait3A_2260, %dma_wait3A_2261] : memref<26x32x32xf32, #tpu.memory_space<vmem>> -> memref<1x32x32xf32, #tpu.memory_space<vmem>>
    %dma_wait3A_2263 = tpu.memref_squeeze %dma_wait3A_2262 : memref<1x32x32xf32, #tpu.memory_space<vmem>> -> memref<32x32xf32, #tpu.memory_space<vmem>>
    %dma_wait3A_2264 = arith.constant 0 : i32
    %dma_wait3A_2265 = tpu.memref_slice %arg12[%dma_wait3A_2258, %dma_wait3A_2264] : memref<26x32xi32, #tpu.memory_space<vmem>> -> memref<1x32xi32, #tpu.memory_space<vmem>>
    %dma_wait3A_2266 = tpu.memref_squeeze %dma_wait3A_2265 : memref<1x32xi32, #tpu.memory_space<vmem>> -> memref<32xi32, #tpu.memory_space<vmem>>
    %dma_wait3A_2267 = arith.constant 0 : i32
    %dma_wait3A_2268 = arith.constant 0 : i32
    %dma_wait3A_2269 = tpu.memref_slice %arg5[%dma_wait3A_2267, %dma_wait3A_2268] : memref<676676x32xf32, #tpu.memory_space<hbm>> -> memref<676676x32xf32, #tpu.memory_space<hbm>>
    tpu.wait_indirect_dma semaphore(%arg17 : memref<!tpu.dma_semaphore, #tpu.memory_space<semaphore_mem>>) src(%dma_wait3A_2269 : memref<676676x32xf32, #tpu.memory_space<hbm>>) dst(%dma_wait3A_2263 : memref<32x32xf32, #tpu.memory_space<vmem>>)
    %dma_wait3A_2270 = arith.constant 20 : i32
    %dma_wait3A_2271 = arith.constant 20 : i32
    %dma_wait3A_2272 = arith.constant 0 : i32
    %dma_wait3A_2273 = arith.constant 0 : i32
    %dma_wait3A_2274 = tpu.memref_slice %arg14[%dma_wait3A_2271, %dma_wait3A_2272, %dma_wait3A_2273] : memref<26x32x32xf32, #tpu.memory_space<vmem>> -> memref<1x32x32xf32, #tpu.memory_space<vmem>>
    %dma_wait3A_2275 = tpu.memref_squeeze %dma_wait3A_2274 : memref<1x32x32xf32, #tpu.memory_space<vmem>> -> memref<32x32xf32, #tpu.memory_space<vmem>>
    %dma_wait3A_2276 = arith.constant 0 : i32
    %dma_wait3A_2277 = tpu.memref_slice %arg12[%dma_wait3A_2270, %dma_wait3A_2276] : memref<26x32xi32, #tpu.memory_space<vmem>> -> memref<1x32xi32, #tpu.memory_space<vmem>>
    %dma_wait3A_2278 = tpu.memref_squeeze %dma_wait3A_2277 : memref<1x32xi32, #tpu.memory_space<vmem>> -> memref<32xi32, #tpu.memory_space<vmem>>
    %dma_wait3A_2279 = arith.constant 0 : i32
    %dma_wait3A_2280 = arith.constant 0 : i32
    %dma_wait3A_2281 = tpu.memref_slice %arg5[%dma_wait3A_2279, %dma_wait3A_2280] : memref<676676x32xf32, #tpu.memory_space<hbm>> -> memref<676676x32xf32, #tpu.memory_space<hbm>>
    tpu.wait_indirect_dma semaphore(%arg17 : memref<!tpu.dma_semaphore, #tpu.memory_space<semaphore_mem>>) src(%dma_wait3A_2281 : memref<676676x32xf32, #tpu.memory_space<hbm>>) dst(%dma_wait3A_2275 : memref<32x32xf32, #tpu.memory_space<vmem>>)
    %dma_wait3A_2282 = arith.constant 21 : i32
    %dma_wait3A_2283 = arith.constant 21 : i32
    %dma_wait3A_2284 = arith.constant 0 : i32
    %dma_wait3A_2285 = arith.constant 0 : i32
    %dma_wait3A_2286 = tpu.memref_slice %arg14[%dma_wait3A_2283, %dma_wait3A_2284, %dma_wait3A_2285] : memref<26x32x32xf32, #tpu.memory_space<vmem>> -> memref<1x32x32xf32, #tpu.memory_space<vmem>>
    %dma_wait3A_2287 = tpu.memref_squeeze %dma_wait3A_2286 : memref<1x32x32xf32, #tpu.memory_space<vmem>> -> memref<32x32xf32, #tpu.memory_space<vmem>>
    %dma_wait3A_2288 = arith.constant 0 : i32
    %dma_wait3A_2289 = tpu.memref_slice %arg12[%dma_wait3A_2282, %dma_wait3A_2288] : memref<26x32xi32, #tpu.memory_space<vmem>> -> memref<1x32xi32, #tpu.memory_space<vmem>>
    %dma_wait3A_2290 = tpu.memref_squeeze %dma_wait3A_2289 : memref<1x32xi32, #tpu.memory_space<vmem>> -> memref<32xi32, #tpu.memory_space<vmem>>
    %dma_wait3A_2291 = arith.constant 0 : i32
    %dma_wait3A_2292 = arith.constant 0 : i32
    %dma_wait3A_2293 = tpu.memref_slice %arg5[%dma_wait3A_2291, %dma_wait3A_2292] : memref<676676x32xf32, #tpu.memory_space<hbm>> -> memref<676676x32xf32, #tpu.memory_space<hbm>>
    tpu.wait_indirect_dma semaphore(%arg17 : memref<!tpu.dma_semaphore, #tpu.memory_space<semaphore_mem>>) src(%dma_wait3A_2293 : memref<676676x32xf32, #tpu.memory_space<hbm>>) dst(%dma_wait3A_2287 : memref<32x32xf32, #tpu.memory_space<vmem>>)
    %dma_wait3A_2294 = arith.constant 22 : i32
    %dma_wait3A_2295 = arith.constant 22 : i32
    %dma_wait3A_2296 = arith.constant 0 : i32
    %dma_wait3A_2297 = arith.constant 0 : i32
    %dma_wait3A_2298 = tpu.memref_slice %arg14[%dma_wait3A_2295, %dma_wait3A_2296, %dma_wait3A_2297] : memref<26x32x32xf32, #tpu.memory_space<vmem>> -> memref<1x32x32xf32, #tpu.memory_space<vmem>>
    %dma_wait3A_2299 = tpu.memref_squeeze %dma_wait3A_2298 : memref<1x32x32xf32, #tpu.memory_space<vmem>> -> memref<32x32xf32, #tpu.memory_space<vmem>>
    %dma_wait3A_2300 = arith.constant 0 : i32
    %dma_wait3A_2301 = tpu.memref_slice %arg12[%dma_wait3A_2294, %dma_wait3A_2300] : memref<26x32xi32, #tpu.memory_space<vmem>> -> memref<1x32xi32, #tpu.memory_space<vmem>>
    %dma_wait3A_2302 = tpu.memref_squeeze %dma_wait3A_2301 : memref<1x32xi32, #tpu.memory_space<vmem>> -> memref<32xi32, #tpu.memory_space<vmem>>
    %dma_wait3A_2303 = arith.constant 0 : i32
    %dma_wait3A_2304 = arith.constant 0 : i32
    %dma_wait3A_2305 = tpu.memref_slice %arg5[%dma_wait3A_2303, %dma_wait3A_2304] : memref<676676x32xf32, #tpu.memory_space<hbm>> -> memref<676676x32xf32, #tpu.memory_space<hbm>>
    tpu.wait_indirect_dma semaphore(%arg17 : memref<!tpu.dma_semaphore, #tpu.memory_space<semaphore_mem>>) src(%dma_wait3A_2305 : memref<676676x32xf32, #tpu.memory_space<hbm>>) dst(%dma_wait3A_2299 : memref<32x32xf32, #tpu.memory_space<vmem>>)
    %dma_wait3A_2306 = arith.constant 23 : i32
    %dma_wait3A_2307 = arith.constant 23 : i32
    %dma_wait3A_2308 = arith.constant 0 : i32
    %dma_wait3A_2309 = arith.constant 0 : i32
    %dma_wait3A_2310 = tpu.memref_slice %arg14[%dma_wait3A_2307, %dma_wait3A_2308, %dma_wait3A_2309] : memref<26x32x32xf32, #tpu.memory_space<vmem>> -> memref<1x32x32xf32, #tpu.memory_space<vmem>>
    %dma_wait3A_2311 = tpu.memref_squeeze %dma_wait3A_2310 : memref<1x32x32xf32, #tpu.memory_space<vmem>> -> memref<32x32xf32, #tpu.memory_space<vmem>>
    %dma_wait3A_2312 = arith.constant 0 : i32
    %dma_wait3A_2313 = tpu.memref_slice %arg12[%dma_wait3A_2306, %dma_wait3A_2312] : memref<26x32xi32, #tpu.memory_space<vmem>> -> memref<1x32xi32, #tpu.memory_space<vmem>>
    %dma_wait3A_2314 = tpu.memref_squeeze %dma_wait3A_2313 : memref<1x32xi32, #tpu.memory_space<vmem>> -> memref<32xi32, #tpu.memory_space<vmem>>
    %dma_wait3A_2315 = arith.constant 0 : i32
    %dma_wait3A_2316 = arith.constant 0 : i32
    %dma_wait3A_2317 = tpu.memref_slice %arg5[%dma_wait3A_2315, %dma_wait3A_2316] : memref<676676x32xf32, #tpu.memory_space<hbm>> -> memref<676676x32xf32, #tpu.memory_space<hbm>>
    tpu.wait_indirect_dma semaphore(%arg17 : memref<!tpu.dma_semaphore, #tpu.memory_space<semaphore_mem>>) src(%dma_wait3A_2317 : memref<676676x32xf32, #tpu.memory_space<hbm>>) dst(%dma_wait3A_2311 : memref<32x32xf32, #tpu.memory_space<vmem>>)
    %dma_wait3A_2318 = arith.constant 24 : i32
    %dma_wait3A_2319 = arith.constant 24 : i32
    %dma_wait3A_2320 = arith.constant 0 : i32
    %dma_wait3A_2321 = arith.constant 0 : i32
    %dma_wait3A_2322 = tpu.memref_slice %arg14[%dma_wait3A_2319, %dma_wait3A_2320, %dma_wait3A_2321] : memref<26x32x32xf32, #tpu.memory_space<vmem>> -> memref<1x32x32xf32, #tpu.memory_space<vmem>>
    %dma_wait3A_2323 = tpu.memref_squeeze %dma_wait3A_2322 : memref<1x32x32xf32, #tpu.memory_space<vmem>> -> memref<32x32xf32, #tpu.memory_space<vmem>>
    %dma_wait3A_2324 = arith.constant 0 : i32
    %dma_wait3A_2325 = tpu.memref_slice %arg12[%dma_wait3A_2318, %dma_wait3A_2324] : memref<26x32xi32, #tpu.memory_space<vmem>> -> memref<1x32xi32, #tpu.memory_space<vmem>>
    %dma_wait3A_2326 = tpu.memref_squeeze %dma_wait3A_2325 : memref<1x32xi32, #tpu.memory_space<vmem>> -> memref<32xi32, #tpu.memory_space<vmem>>
    %dma_wait3A_2327 = arith.constant 0 : i32
    %dma_wait3A_2328 = arith.constant 0 : i32
    %dma_wait3A_2329 = tpu.memref_slice %arg5[%dma_wait3A_2327, %dma_wait3A_2328] : memref<676676x32xf32, #tpu.memory_space<hbm>> -> memref<676676x32xf32, #tpu.memory_space<hbm>>
    tpu.wait_indirect_dma semaphore(%arg17 : memref<!tpu.dma_semaphore, #tpu.memory_space<semaphore_mem>>) src(%dma_wait3A_2329 : memref<676676x32xf32, #tpu.memory_space<hbm>>) dst(%dma_wait3A_2323 : memref<32x32xf32, #tpu.memory_space<vmem>>)
    %dma_wait3A_2330 = arith.constant 25 : i32
    %dma_wait3A_2331 = arith.constant 25 : i32
    %dma_wait3A_2332 = arith.constant 0 : i32
    %dma_wait3A_2333 = arith.constant 0 : i32
    %dma_wait3A_2334 = tpu.memref_slice %arg14[%dma_wait3A_2331, %dma_wait3A_2332, %dma_wait3A_2333] : memref<26x32x32xf32, #tpu.memory_space<vmem>> -> memref<1x32x32xf32, #tpu.memory_space<vmem>>
    %dma_wait3A_2335 = tpu.memref_squeeze %dma_wait3A_2334 : memref<1x32x32xf32, #tpu.memory_space<vmem>> -> memref<32x32xf32, #tpu.memory_space<vmem>>
    %dma_wait3A_2336 = arith.constant 0 : i32
    %dma_wait3A_2337 = tpu.memref_slice %arg12[%dma_wait3A_2330, %dma_wait3A_2336] : memref<26x32xi32, #tpu.memory_space<vmem>> -> memref<1x32xi32, #tpu.memory_space<vmem>>
    %dma_wait3A_2338 = tpu.memref_squeeze %dma_wait3A_2337 : memref<1x32xi32, #tpu.memory_space<vmem>> -> memref<32xi32, #tpu.memory_space<vmem>>
    %dma_wait3A_2339 = arith.constant 0 : i32
    %dma_wait3A_2340 = arith.constant 0 : i32
    %dma_wait3A_2341 = tpu.memref_slice %arg5[%dma_wait3A_2339, %dma_wait3A_2340] : memref<676676x32xf32, #tpu.memory_space<hbm>> -> memref<676676x32xf32, #tpu.memory_space<hbm>>
    tpu.wait_indirect_dma semaphore(%arg17 : memref<!tpu.dma_semaphore, #tpu.memory_space<semaphore_mem>>) src(%dma_wait3A_2341 : memref<676676x32xf32, #tpu.memory_space<hbm>>) dst(%dma_wait3A_2335 : memref<32x32xf32, #tpu.memory_space<vmem>>)
    %dma_wait3A_2342 = arith.constant 0 : i32
    %dma_wait3A_2343 = arith.constant 0 : i32
    %dma_wait3A_2344 = tpu.memref_slice %arg6[%dma_wait3A_2342, %dma_wait3A_2343] : memref<26x32xf32, #tpu.memory_space<hbm>> -> memref<26x32xf32, #tpu.memory_space<hbm>>
    tpu.wait_indirect_dma semaphore(%arg17 : memref<!tpu.dma_semaphore, #tpu.memory_space<semaphore_mem>>) src(%dma_wait3A_2344 : memref<26x32xf32, #tpu.memory_space<hbm>>) dst(%arg16 : memref<32x32xf32, #tpu.memory_space<vmem>>)
    %scan3A = arith.constant 0.0384615399 : f32
    %scan3A_2345 = arith.constant 0 : i32
    %scan3A_2346 = arith.constant 32 : i32
    %scan3A_2347 = arith.addi %scan3A_2345, %scan3A_2346 : i32
    %scan3A_2348 = arith.constant 1 : i32
    scf.for %scan3A_2350 = %scan3A_2345 to %scan3A_2347 step %scan3A_2348  : i32 {
      %mul3A_2351 = arith.constant 1 : i32
      %mul3A_2352 = arith.muli %scan3A_2350, %mul3A_2351 : i32
      %add3A_2353 = arith.constant 0 : i32
      %add3A_2354 = arith.addi %add3A_2353, %mul3A_2352 : i32
      %broadcast_in_dim3A_2355 = arith.constant 0.000000e+00 : f32
      %broadcast_in_dim3A_2356 = vector.broadcast %broadcast_in_dim3A_2355 : f32 to vector<16xf32>
      %broadcast_in_dim3A_2357 = arith.constant 0.000000e+00 : f32
      %broadcast_in_dim3A_2358 = vector.broadcast %broadcast_in_dim3A_2357 : f32 to vector<16xf32>
      %get3A_2359 = arith.constant 0 : i32
      %get3A_2360 = arith.index_cast %get3A_2359 : i32 to index
      %get3A_2361 = arith.index_cast %add3A_2354 : i32 to index
      %get3A_2362 = arith.constant 0 : index
      %get3A_2363 = tpu.vector_load %arg14[%get3A_2360, %get3A_2361, %get3A_2362] {strides = array<i32>} : memref<26x32x32xf32, #tpu.memory_space<vmem>>, vector<16xf32>,
      %add3A_2364 = arith.addf %broadcast_in_dim3A_2356, %get3A_2363 : vector<16xf32>
      %get3A_2365 = arith.constant 0 : i32
      %get3A_2366 = arith.index_cast %get3A_2365 : i32 to index
      %get3A_2367 = arith.index_cast %add3A_2354 : i32 to index
      %get3A_2368 = arith.constant 16 : index
      %get3A_2369 = tpu.vector_load %arg14[%get3A_2366, %get3A_2367, %get3A_2368] {strides = array<i32>} : memref<26x32x32xf32, #tpu.memory_space<vmem>>, vector<16xf32>,
      %add3A_2370 = arith.addf %broadcast_in_dim3A_2358, %get3A_2369 : vector<16xf32>
      %get3A_2371 = arith.constant 1 : i32
      %get3A_2372 = arith.index_cast %get3A_2371 : i32 to index
      %get3A_2373 = arith.index_cast %add3A_2354 : i32 to index
      %get3A_2374 = arith.constant 0 : index
      %get3A_2375 = tpu.vector_load %arg14[%get3A_2372, %get3A_2373, %get3A_2374] {strides = array<i32>} : memref<26x32x32xf32, #tpu.memory_space<vmem>>, vector<16xf32>,
      %add3A_2376 = arith.addf %add3A_2364, %get3A_2375 : vector<16xf32>
      %get3A_2377 = arith.constant 1 : i32
      %get3A_2378 = arith.index_cast %get3A_2377 : i32 to index
      %get3A_2379 = arith.index_cast %add3A_2354 : i32 to index
      %get3A_2380 = arith.constant 16 : index
      %get3A_2381 = tpu.vector_load %arg14[%get3A_2378, %get3A_2379, %get3A_2380] {strides = array<i32>} : memref<26x32x32xf32, #tpu.memory_space<vmem>>, vector<16xf32>,
      %add3A_2382 = arith.addf %add3A_2370, %get3A_2381 : vector<16xf32>
      %get3A_2383 = arith.constant 2 : i32
      %get3A_2384 = arith.index_cast %get3A_2383 : i32 to index
      %get3A_2385 = arith.index_cast %add3A_2354 : i32 to index
      %get3A_2386 = arith.constant 0 : index
      %get3A_2387 = tpu.vector_load %arg14[%get3A_2384, %get3A_2385, %get3A_2386] {strides = array<i32>} : memref<26x32x32xf32, #tpu.memory_space<vmem>>, vector<16xf32>,
      %add3A_2388 = arith.addf %add3A_2376, %get3A_2387 : vector<16xf32>
      %get3A_2389 = arith.constant 2 : i32
      %get3A_2390 = arith.index_cast %get3A_2389 : i32 to index
      %get3A_2391 = arith.index_cast %add3A_2354 : i32 to index
      %get3A_2392 = arith.constant 16 : index
      %get3A_2393 = tpu.vector_load %arg14[%get3A_2390, %get3A_2391, %get3A_2392] {strides = array<i32>} : memref<26x32x32xf32, #tpu.memory_space<vmem>>, vector<16xf32>,
      %add3A_2394 = arith.addf %add3A_2382, %get3A_2393 : vector<16xf32>
      %get3A_2395 = arith.constant 3 : i32
      %get3A_2396 = arith.index_cast %get3A_2395 : i32 to index
      %get3A_2397 = arith.index_cast %add3A_2354 : i32 to index
      %get3A_2398 = arith.constant 0 : index
      %get3A_2399 = tpu.vector_load %arg14[%get3A_2396, %get3A_2397, %get3A_2398] {strides = array<i32>} : memref<26x32x32xf32, #tpu.memory_space<vmem>>, vector<16xf32>,
      %add3A_2400 = arith.addf %add3A_2388, %get3A_2399 : vector<16xf32>
      %get3A_2401 = arith.constant 3 : i32
      %get3A_2402 = arith.index_cast %get3A_2401 : i32 to index
      %get3A_2403 = arith.index_cast %add3A_2354 : i32 to index
      %get3A_2404 = arith.constant 16 : index
      %get3A_2405 = tpu.vector_load %arg14[%get3A_2402, %get3A_2403, %get3A_2404] {strides = array<i32>} : memref<26x32x32xf32, #tpu.memory_space<vmem>>, vector<16xf32>,
      %add3A_2406 = arith.addf %add3A_2394, %get3A_2405 : vector<16xf32>
      %get3A_2407 = arith.constant 4 : i32
      %get3A_2408 = arith.index_cast %get3A_2407 : i32 to index
      %get3A_2409 = arith.index_cast %add3A_2354 : i32 to index
      %get3A_2410 = arith.constant 0 : index
      %get3A_2411 = tpu.vector_load %arg14[%get3A_2408, %get3A_2409, %get3A_2410] {strides = array<i32>} : memref<26x32x32xf32, #tpu.memory_space<vmem>>, vector<16xf32>,
      %add3A_2412 = arith.addf %add3A_2400, %get3A_2411 : vector<16xf32>
      %get3A_2413 = arith.constant 4 : i32
      %get3A_2414 = arith.index_cast %get3A_2413 : i32 to index
      %get3A_2415 = arith.index_cast %add3A_2354 : i32 to index
      %get3A_2416 = arith.constant 16 : index
      %get3A_2417 = tpu.vector_load %arg14[%get3A_2414, %get3A_2415, %get3A_2416] {strides = array<i32>} : memref<26x32x32xf32, #tpu.memory_space<vmem>>, vector<16xf32>,
      %add3A_2418 = arith.addf %add3A_2406, %get3A_2417 : vector<16xf32>
      %get3A_2419 = arith.constant 5 : i32
      %get3A_2420 = arith.index_cast %get3A_2419 : i32 to index
      %get3A_2421 = arith.index_cast %add3A_2354 : i32 to index
      %get3A_2422 = arith.constant 0 : index
      %get3A_2423 = tpu.vector_load %arg14[%get3A_2420, %get3A_2421, %get3A_2422] {strides = array<i32>} : memref<26x32x32xf32, #tpu.memory_space<vmem>>, vector<16xf32>,
      %add3A_2424 = arith.addf %add3A_2412, %get3A_2423 : vector<16xf32>
      %get3A_2425 = arith.constant 5 : i32
      %get3A_2426 = arith.index_cast %get3A_2425 : i32 to index
      %get3A_2427 = arith.index_cast %add3A_2354 : i32 to index
      %get3A_2428 = arith.constant 16 : index
      %get3A_2429 = tpu.vector_load %arg14[%get3A_2426, %get3A_2427, %get3A_2428] {strides = array<i32>} : memref<26x32x32xf32, #tpu.memory_space<vmem>>, vector<16xf32>,
      %add3A_2430 = arith.addf %add3A_2418, %get3A_2429 : vector<16xf32>
      %get3A_2431 = arith.constant 6 : i32
      %get3A_2432 = arith.index_cast %get3A_2431 : i32 to index
      %get3A_2433 = arith.index_cast %add3A_2354 : i32 to index
      %get3A_2434 = arith.constant 0 : index
      %get3A_2435 = tpu.vector_load %arg14[%get3A_2432, %get3A_2433, %get3A_2434] {strides = array<i32>} : memref<26x32x32xf32, #tpu.memory_space<vmem>>, vector<16xf32>,
      %add3A_2436 = arith.addf %add3A_2424, %get3A_2435 : vector<16xf32>
      %get3A_2437 = arith.constant 6 : i32
      %get3A_2438 = arith.index_cast %get3A_2437 : i32 to index
      %get3A_2439 = arith.index_cast %add3A_2354 : i32 to index
      %get3A_2440 = arith.constant 16 : index
      %get3A_2441 = tpu.vector_load %arg14[%get3A_2438, %get3A_2439, %get3A_2440] {strides = array<i32>} : memref<26x32x32xf32, #tpu.memory_space<vmem>>, vector<16xf32>,
      %add3A_2442 = arith.addf %add3A_2430, %get3A_2441 : vector<16xf32>
      %get3A_2443 = arith.constant 7 : i32
      %get3A_2444 = arith.index_cast %get3A_2443 : i32 to index
      %get3A_2445 = arith.index_cast %add3A_2354 : i32 to index
      %get3A_2446 = arith.constant 0 : index
      %get3A_2447 = tpu.vector_load %arg14[%get3A_2444, %get3A_2445, %get3A_2446] {strides = array<i32>} : memref<26x32x32xf32, #tpu.memory_space<vmem>>, vector<16xf32>,
      %add3A_2448 = arith.addf %add3A_2436, %get3A_2447 : vector<16xf32>
      %get3A_2449 = arith.constant 7 : i32
      %get3A_2450 = arith.index_cast %get3A_2449 : i32 to index
      %get3A_2451 = arith.index_cast %add3A_2354 : i32 to index
      %get3A_2452 = arith.constant 16 : index
      %get3A_2453 = tpu.vector_load %arg14[%get3A_2450, %get3A_2451, %get3A_2452] {strides = array<i32>} : memref<26x32x32xf32, #tpu.memory_space<vmem>>, vector<16xf32>,
      %add3A_2454 = arith.addf %add3A_2442, %get3A_2453 : vector<16xf32>
      %get3A_2455 = arith.constant 8 : i32
      %get3A_2456 = arith.index_cast %get3A_2455 : i32 to index
      %get3A_2457 = arith.index_cast %add3A_2354 : i32 to index
      %get3A_2458 = arith.constant 0 : index
      %get3A_2459 = tpu.vector_load %arg14[%get3A_2456, %get3A_2457, %get3A_2458] {strides = array<i32>} : memref<26x32x32xf32, #tpu.memory_space<vmem>>, vector<16xf32>,
      %add3A_2460 = arith.addf %add3A_2448, %get3A_2459 : vector<16xf32>
      %get3A_2461 = arith.constant 8 : i32
      %get3A_2462 = arith.index_cast %get3A_2461 : i32 to index
      %get3A_2463 = arith.index_cast %add3A_2354 : i32 to index
      %get3A_2464 = arith.constant 16 : index
      %get3A_2465 = tpu.vector_load %arg14[%get3A_2462, %get3A_2463, %get3A_2464] {strides = array<i32>} : memref<26x32x32xf32, #tpu.memory_space<vmem>>, vector<16xf32>,
      %add3A_2466 = arith.addf %add3A_2454, %get3A_2465 : vector<16xf32>
      %get3A_2467 = arith.constant 9 : i32
      %get3A_2468 = arith.index_cast %get3A_2467 : i32 to index
      %get3A_2469 = arith.index_cast %add3A_2354 : i32 to index
      %get3A_2470 = arith.constant 0 : index
      %get3A_2471 = tpu.vector_load %arg14[%get3A_2468, %get3A_2469, %get3A_2470] {strides = array<i32>} : memref<26x32x32xf32, #tpu.memory_space<vmem>>, vector<16xf32>,
      %add3A_2472 = arith.addf %add3A_2460, %get3A_2471 : vector<16xf32>
      %get3A_2473 = arith.constant 9 : i32
      %get3A_2474 = arith.index_cast %get3A_2473 : i32 to index
      %get3A_2475 = arith.index_cast %add3A_2354 : i32 to index
      %get3A_2476 = arith.constant 16 : index
      %get3A_2477 = tpu.vector_load %arg14[%get3A_2474, %get3A_2475, %get3A_2476] {strides = array<i32>} : memref<26x32x32xf32, #tpu.memory_space<vmem>>, vector<16xf32>,
      %add3A_2478 = arith.addf %add3A_2466, %get3A_2477 : vector<16xf32>
      %get3A_2479 = arith.constant 10 : i32
      %get3A_2480 = arith.index_cast %get3A_2479 : i32 to index
      %get3A_2481 = arith.index_cast %add3A_2354 : i32 to index
      %get3A_2482 = arith.constant 0 : index
      %get3A_2483 = tpu.vector_load %arg14[%get3A_2480, %get3A_2481, %get3A_2482] {strides = array<i32>} : memref<26x32x32xf32, #tpu.memory_space<vmem>>, vector<16xf32>,
      %add3A_2484 = arith.addf %add3A_2472, %get3A_2483 : vector<16xf32>
      %get3A_2485 = arith.constant 10 : i32
      %get3A_2486 = arith.index_cast %get3A_2485 : i32 to index
      %get3A_2487 = arith.index_cast %add3A_2354 : i32 to index
      %get3A_2488 = arith.constant 16 : index
      %get3A_2489 = tpu.vector_load %arg14[%get3A_2486, %get3A_2487, %get3A_2488] {strides = array<i32>} : memref<26x32x32xf32, #tpu.memory_space<vmem>>, vector<16xf32>,
      %add3A_2490 = arith.addf %add3A_2478, %get3A_2489 : vector<16xf32>
      %get3A_2491 = arith.constant 11 : i32
      %get3A_2492 = arith.index_cast %get3A_2491 : i32 to index
      %get3A_2493 = arith.index_cast %add3A_2354 : i32 to index
      %get3A_2494 = arith.constant 0 : index
      %get3A_2495 = tpu.vector_load %arg14[%get3A_2492, %get3A_2493, %get3A_2494] {strides = array<i32>} : memref<26x32x32xf32, #tpu.memory_space<vmem>>, vector<16xf32>,
      %add3A_2496 = arith.addf %add3A_2484, %get3A_2495 : vector<16xf32>
      %get3A_2497 = arith.constant 11 : i32
      %get3A_2498 = arith.index_cast %get3A_2497 : i32 to index
      %get3A_2499 = arith.index_cast %add3A_2354 : i32 to index
      %get3A_2500 = arith.constant 16 : index
      %get3A_2501 = tpu.vector_load %arg14[%get3A_2498, %get3A_2499, %get3A_2500] {strides = array<i32>} : memref<26x32x32xf32, #tpu.memory_space<vmem>>, vector<16xf32>,
      %add3A_2502 = arith.addf %add3A_2490, %get3A_2501 : vector<16xf32>
      %get3A_2503 = arith.constant 12 : i32
      %get3A_2504 = arith.index_cast %get3A_2503 : i32 to index
      %get3A_2505 = arith.index_cast %add3A_2354 : i32 to index
      %get3A_2506 = arith.constant 0 : index
      %get3A_2507 = tpu.vector_load %arg14[%get3A_2504, %get3A_2505, %get3A_2506] {strides = array<i32>} : memref<26x32x32xf32, #tpu.memory_space<vmem>>, vector<16xf32>,
      %add3A_2508 = arith.addf %add3A_2496, %get3A_2507 : vector<16xf32>
      %get3A_2509 = arith.constant 12 : i32
      %get3A_2510 = arith.index_cast %get3A_2509 : i32 to index
      %get3A_2511 = arith.index_cast %add3A_2354 : i32 to index
      %get3A_2512 = arith.constant 16 : index
      %get3A_2513 = tpu.vector_load %arg14[%get3A_2510, %get3A_2511, %get3A_2512] {strides = array<i32>} : memref<26x32x32xf32, #tpu.memory_space<vmem>>, vector<16xf32>,
      %add3A_2514 = arith.addf %add3A_2502, %get3A_2513 : vector<16xf32>
      %get3A_2515 = arith.constant 13 : i32
      %get3A_2516 = arith.index_cast %get3A_2515 : i32 to index
      %get3A_2517 = arith.index_cast %add3A_2354 : i32 to index
      %get3A_2518 = arith.constant 0 : index
      %get3A_2519 = tpu.vector_load %arg14[%get3A_2516, %get3A_2517, %get3A_2518] {strides = array<i32>} : memref<26x32x32xf32, #tpu.memory_space<vmem>>, vector<16xf32>,
      %add3A_2520 = arith.addf %add3A_2508, %get3A_2519 : vector<16xf32>
      %get3A_2521 = arith.constant 13 : i32
      %get3A_2522 = arith.index_cast %get3A_2521 : i32 to index
      %get3A_2523 = arith.index_cast %add3A_2354 : i32 to index
      %get3A_2524 = arith.constant 16 : index
      %get3A_2525 = tpu.vector_load %arg14[%get3A_2522, %get3A_2523, %get3A_2524] {strides = array<i32>} : memref<26x32x32xf32, #tpu.memory_space<vmem>>, vector<16xf32>,
      %add3A_2526 = arith.addf %add3A_2514, %get3A_2525 : vector<16xf32>
      %get3A_2527 = arith.constant 14 : i32
      %get3A_2528 = arith.index_cast %get3A_2527 : i32 to index
      %get3A_2529 = arith.index_cast %add3A_2354 : i32 to index
      %get3A_2530 = arith.constant 0 : index
      %get3A_2531 = tpu.vector_load %arg14[%get3A_2528, %get3A_2529, %get3A_2530] {strides = array<i32>} : memref<26x32x32xf32, #tpu.memory_space<vmem>>, vector<16xf32>,
      %add3A_2532 = arith.addf %add3A_2520, %get3A_2531 : vector<16xf32>
      %get3A_2533 = arith.constant 14 : i32
      %get3A_2534 = arith.index_cast %get3A_2533 : i32 to index
      %get3A_2535 = arith.index_cast %add3A_2354 : i32 to index
      %get3A_2536 = arith.constant 16 : index
      %get3A_2537 = tpu.vector_load %arg14[%get3A_2534, %get3A_2535, %get3A_2536] {strides = array<i32>} : memref<26x32x32xf32, #tpu.memory_space<vmem>>, vector<16xf32>,
      %add3A_2538 = arith.addf %add3A_2526, %get3A_2537 : vector<16xf32>
      %get3A_2539 = arith.constant 15 : i32
      %get3A_2540 = arith.index_cast %get3A_2539 : i32 to index
      %get3A_2541 = arith.index_cast %add3A_2354 : i32 to index
      %get3A_2542 = arith.constant 0 : index
      %get3A_2543 = tpu.vector_load %arg14[%get3A_2540, %get3A_2541, %get3A_2542] {strides = array<i32>} : memref<26x32x32xf32, #tpu.memory_space<vmem>>, vector<16xf32>,
      %add3A_2544 = arith.addf %add3A_2532, %get3A_2543 : vector<16xf32>
      %get3A_2545 = arith.constant 15 : i32
      %get3A_2546 = arith.index_cast %get3A_2545 : i32 to index
      %get3A_2547 = arith.index_cast %add3A_2354 : i32 to index
      %get3A_2548 = arith.constant 16 : index
      %get3A_2549 = tpu.vector_load %arg14[%get3A_2546, %get3A_2547, %get3A_2548] {strides = array<i32>} : memref<26x32x32xf32, #tpu.memory_space<vmem>>, vector<16xf32>,
      %add3A_2550 = arith.addf %add3A_2538, %get3A_2549 : vector<16xf32>
      %get3A_2551 = arith.constant 16 : i32
      %get3A_2552 = arith.index_cast %get3A_2551 : i32 to index
      %get3A_2553 = arith.index_cast %add3A_2354 : i32 to index
      %get3A_2554 = arith.constant 0 : index
      %get3A_2555 = tpu.vector_load %arg14[%get3A_2552, %get3A_2553, %get3A_2554] {strides = array<i32>} : memref<26x32x32xf32, #tpu.memory_space<vmem>>, vector<16xf32>,
      %add3A_2556 = arith.addf %add3A_2544, %get3A_2555 : vector<16xf32>
      %get3A_2557 = arith.constant 16 : i32
      %get3A_2558 = arith.index_cast %get3A_2557 : i32 to index
      %get3A_2559 = arith.index_cast %add3A_2354 : i32 to index
      %get3A_2560 = arith.constant 16 : index
      %get3A_2561 = tpu.vector_load %arg14[%get3A_2558, %get3A_2559, %get3A_2560] {strides = array<i32>} : memref<26x32x32xf32, #tpu.memory_space<vmem>>, vector<16xf32>,
      %add3A_2562 = arith.addf %add3A_2550, %get3A_2561 : vector<16xf32>
      %get3A_2563 = arith.constant 17 : i32
      %get3A_2564 = arith.index_cast %get3A_2563 : i32 to index
      %get3A_2565 = arith.index_cast %add3A_2354 : i32 to index
      %get3A_2566 = arith.constant 0 : index
      %get3A_2567 = tpu.vector_load %arg14[%get3A_2564, %get3A_2565, %get3A_2566] {strides = array<i32>} : memref<26x32x32xf32, #tpu.memory_space<vmem>>, vector<16xf32>,
      %add3A_2568 = arith.addf %add3A_2556, %get3A_2567 : vector<16xf32>
      %get3A_2569 = arith.constant 17 : i32
      %get3A_2570 = arith.index_cast %get3A_2569 : i32 to index
      %get3A_2571 = arith.index_cast %add3A_2354 : i32 to index
      %get3A_2572 = arith.constant 16 : index
      %get3A_2573 = tpu.vector_load %arg14[%get3A_2570, %get3A_2571, %get3A_2572] {strides = array<i32>} : memref<26x32x32xf32, #tpu.memory_space<vmem>>, vector<16xf32>,
      %add3A_2574 = arith.addf %add3A_2562, %get3A_2573 : vector<16xf32>
      %get3A_2575 = arith.constant 18 : i32
      %get3A_2576 = arith.index_cast %get3A_2575 : i32 to index
      %get3A_2577 = arith.index_cast %add3A_2354 : i32 to index
      %get3A_2578 = arith.constant 0 : index
      %get3A_2579 = tpu.vector_load %arg14[%get3A_2576, %get3A_2577, %get3A_2578] {strides = array<i32>} : memref<26x32x32xf32, #tpu.memory_space<vmem>>, vector<16xf32>,
      %add3A_2580 = arith.addf %add3A_2568, %get3A_2579 : vector<16xf32>
      %get3A_2581 = arith.constant 18 : i32
      %get3A_2582 = arith.index_cast %get3A_2581 : i32 to index
      %get3A_2583 = arith.index_cast %add3A_2354 : i32 to index
      %get3A_2584 = arith.constant 16 : index
      %get3A_2585 = tpu.vector_load %arg14[%get3A_2582, %get3A_2583, %get3A_2584] {strides = array<i32>} : memref<26x32x32xf32, #tpu.memory_space<vmem>>, vector<16xf32>,
      %add3A_2586 = arith.addf %add3A_2574, %get3A_2585 : vector<16xf32>
      %get3A_2587 = arith.constant 19 : i32
      %get3A_2588 = arith.index_cast %get3A_2587 : i32 to index
      %get3A_2589 = arith.index_cast %add3A_2354 : i32 to index
      %get3A_2590 = arith.constant 0 : index
      %get3A_2591 = tpu.vector_load %arg14[%get3A_2588, %get3A_2589, %get3A_2590] {strides = array<i32>} : memref<26x32x32xf32, #tpu.memory_space<vmem>>, vector<16xf32>,
      %add3A_2592 = arith.addf %add3A_2580, %get3A_2591 : vector<16xf32>
      %get3A_2593 = arith.constant 19 : i32
      %get3A_2594 = arith.index_cast %get3A_2593 : i32 to index
      %get3A_2595 = arith.index_cast %add3A_2354 : i32 to index
      %get3A_2596 = arith.constant 16 : index
      %get3A_2597 = tpu.vector_load %arg14[%get3A_2594, %get3A_2595, %get3A_2596] {strides = array<i32>} : memref<26x32x32xf32, #tpu.memory_space<vmem>>, vector<16xf32>,
      %add3A_2598 = arith.addf %add3A_2586, %get3A_2597 : vector<16xf32>
      %get3A_2599 = arith.constant 20 : i32
      %get3A_2600 = arith.index_cast %get3A_2599 : i32 to index
      %get3A_2601 = arith.index_cast %add3A_2354 : i32 to index
      %get3A_2602 = arith.constant 0 : index
      %get3A_2603 = tpu.vector_load %arg14[%get3A_2600, %get3A_2601, %get3A_2602] {strides = array<i32>} : memref<26x32x32xf32, #tpu.memory_space<vmem>>, vector<16xf32>,
      %add3A_2604 = arith.addf %add3A_2592, %get3A_2603 : vector<16xf32>
      %get3A_2605 = arith.constant 20 : i32
      %get3A_2606 = arith.index_cast %get3A_2605 : i32 to index
      %get3A_2607 = arith.index_cast %add3A_2354 : i32 to index
      %get3A_2608 = arith.constant 16 : index
      %get3A_2609 = tpu.vector_load %arg14[%get3A_2606, %get3A_2607, %get3A_2608] {strides = array<i32>} : memref<26x32x32xf32, #tpu.memory_space<vmem>>, vector<16xf32>,
      %add3A_2610 = arith.addf %add3A_2598, %get3A_2609 : vector<16xf32>
      %get3A_2611 = arith.constant 21 : i32
      %get3A_2612 = arith.index_cast %get3A_2611 : i32 to index
      %get3A_2613 = arith.index_cast %add3A_2354 : i32 to index
      %get3A_2614 = arith.constant 0 : index
      %get3A_2615 = tpu.vector_load %arg14[%get3A_2612, %get3A_2613, %get3A_2614] {strides = array<i32>} : memref<26x32x32xf32, #tpu.memory_space<vmem>>, vector<16xf32>,
      %add3A_2616 = arith.addf %add3A_2604, %get3A_2615 : vector<16xf32>
      %get3A_2617 = arith.constant 21 : i32
      %get3A_2618 = arith.index_cast %get3A_2617 : i32 to index
      %get3A_2619 = arith.index_cast %add3A_2354 : i32 to index
      %get3A_2620 = arith.constant 16 : index
      %get3A_2621 = tpu.vector_load %arg14[%get3A_2618, %get3A_2619, %get3A_2620] {strides = array<i32>} : memref<26x32x32xf32, #tpu.memory_space<vmem>>, vector<16xf32>,
      %add3A_2622 = arith.addf %add3A_2610, %get3A_2621 : vector<16xf32>
      %get3A_2623 = arith.constant 22 : i32
      %get3A_2624 = arith.index_cast %get3A_2623 : i32 to index
      %get3A_2625 = arith.index_cast %add3A_2354 : i32 to index
      %get3A_2626 = arith.constant 0 : index
      %get3A_2627 = tpu.vector_load %arg14[%get3A_2624, %get3A_2625, %get3A_2626] {strides = array<i32>} : memref<26x32x32xf32, #tpu.memory_space<vmem>>, vector<16xf32>,
      %add3A_2628 = arith.addf %add3A_2616, %get3A_2627 : vector<16xf32>
      %get3A_2629 = arith.constant 22 : i32
      %get3A_2630 = arith.index_cast %get3A_2629 : i32 to index
      %get3A_2631 = arith.index_cast %add3A_2354 : i32 to index
      %get3A_2632 = arith.constant 16 : index
      %get3A_2633 = tpu.vector_load %arg14[%get3A_2630, %get3A_2631, %get3A_2632] {strides = array<i32>} : memref<26x32x32xf32, #tpu.memory_space<vmem>>, vector<16xf32>,
      %add3A_2634 = arith.addf %add3A_2622, %get3A_2633 : vector<16xf32>
      %get3A_2635 = arith.constant 23 : i32
      %get3A_2636 = arith.index_cast %get3A_2635 : i32 to index
      %get3A_2637 = arith.index_cast %add3A_2354 : i32 to index
      %get3A_2638 = arith.constant 0 : index
      %get3A_2639 = tpu.vector_load %arg14[%get3A_2636, %get3A_2637, %get3A_2638] {strides = array<i32>} : memref<26x32x32xf32, #tpu.memory_space<vmem>>, vector<16xf32>,
      %add3A_2640 = arith.addf %add3A_2628, %get3A_2639 : vector<16xf32>
      %get3A_2641 = arith.constant 23 : i32
      %get3A_2642 = arith.index_cast %get3A_2641 : i32 to index
      %get3A_2643 = arith.index_cast %add3A_2354 : i32 to index
      %get3A_2644 = arith.constant 16 : index
      %get3A_2645 = tpu.vector_load %arg14[%get3A_2642, %get3A_2643, %get3A_2644] {strides = array<i32>} : memref<26x32x32xf32, #tpu.memory_space<vmem>>, vector<16xf32>,
      %add3A_2646 = arith.addf %add3A_2634, %get3A_2645 : vector<16xf32>
      %get3A_2647 = arith.constant 24 : i32
      %get3A_2648 = arith.index_cast %get3A_2647 : i32 to index
      %get3A_2649 = arith.index_cast %add3A_2354 : i32 to index
      %get3A_2650 = arith.constant 0 : index
      %get3A_2651 = tpu.vector_load %arg14[%get3A_2648, %get3A_2649, %get3A_2650] {strides = array<i32>} : memref<26x32x32xf32, #tpu.memory_space<vmem>>, vector<16xf32>,
      %add3A_2652 = arith.addf %add3A_2640, %get3A_2651 : vector<16xf32>
      %get3A_2653 = arith.constant 24 : i32
      %get3A_2654 = arith.index_cast %get3A_2653 : i32 to index
      %get3A_2655 = arith.index_cast %add3A_2354 : i32 to index
      %get3A_2656 = arith.constant 16 : index
      %get3A_2657 = tpu.vector_load %arg14[%get3A_2654, %get3A_2655, %get3A_2656] {strides = array<i32>} : memref<26x32x32xf32, #tpu.memory_space<vmem>>, vector<16xf32>,
      %add3A_2658 = arith.addf %add3A_2646, %get3A_2657 : vector<16xf32>
      %get3A_2659 = arith.constant 25 : i32
      %get3A_2660 = arith.index_cast %get3A_2659 : i32 to index
      %get3A_2661 = arith.index_cast %add3A_2354 : i32 to index
      %get3A_2662 = arith.constant 0 : index
      %get3A_2663 = tpu.vector_load %arg14[%get3A_2660, %get3A_2661, %get3A_2662] {strides = array<i32>} : memref<26x32x32xf32, #tpu.memory_space<vmem>>, vector<16xf32>,
      %add3A_2664 = arith.addf %add3A_2652, %get3A_2663 : vector<16xf32>
      %get3A_2665 = arith.constant 25 : i32
      %get3A_2666 = arith.index_cast %get3A_2665 : i32 to index
      %get3A_2667 = arith.index_cast %add3A_2354 : i32 to index
      %get3A_2668 = arith.constant 16 : index
      %get3A_2669 = tpu.vector_load %arg14[%get3A_2666, %get3A_2667, %get3A_2668] {strides = array<i32>} : memref<26x32x32xf32, #tpu.memory_space<vmem>>, vector<16xf32>,
      %add3A_2670 = arith.addf %add3A_2658, %get3A_2669 : vector<16xf32>
      %mul3A_2671 = vector.broadcast %scan3A : f32 to vector<16xf32>
      %mul3A_2672 = arith.mulf %add3A_2664, %mul3A_2671 : vector<16xf32>
      %swap3A_2673 = arith.index_cast %add3A_2354 : i32 to index
      %swap3A_2674 = arith.constant 0 : index
      %swap3A_2675 = tpu.vector_load %arg15[%swap3A_2673, %swap3A_2674] {strides = array<i32>} : memref<32x32xf32, #tpu.memory_space<vmem>>, vector<16xf32>,
      tpu.vector_store %arg15[%swap3A_2673, %swap3A_2674], %mul3A_2672 {strides = array<i32>} : memref<32x32xf32, #tpu.memory_space<vmem>>, vector<16xf32>,
      %mul3A_2676 = vector.broadcast %scan3A : f32 to vector<16xf32>
      %mul3A_2677 = arith.mulf %add3A_2670, %mul3A_2676 : vector<16xf32>
      %swap3A_2678 = arith.index_cast %add3A_2354 : i32 to index
      %swap3A_2679 = arith.constant 16 : index
      %swap3A_2680 = tpu.vector_load %arg15[%swap3A_2678, %swap3A_2679] {strides = array<i32>} : memref<32x32xf32, #tpu.memory_space<vmem>>, vector<16xf32>,
      tpu.vector_store %arg15[%swap3A_2678, %swap3A_2679], %mul3A_2677 {strides = array<i32>} : memref<32x32xf32, #tpu.memory_space<vmem>>, vector<16xf32>,
    }
    %scan3A_2349 = arith.constant 32 : i32
    "tpu.region"() ({
      %run_scoped3A = tpu.sem_alloc : memref<!tpu.dma_semaphore, #tpu.memory_space<semaphore_mem>>
      %dma_start3A_2350 = arith.constant 0 : i32
      %dma_start3A_2351 = tpu.memref_slice %arg7[%mul3A_2, %dma_start3A_2350] : memref<1024x32xf32, #tpu.memory_space<hbm>> -> memref<32x32xf32, #tpu.memory_space<hbm>>
      %dma_start3A_2352 = arith.constant 0 : i32
      %dma_start3A_2353 = tpu.memref_slice %arg7[%mul3A_2, %dma_start3A_2352] : memref<1024x32xf32, #tpu.memory_space<hbm>> -> memref<32x32xf32, #tpu.memory_space<hbm>>
      tpu.enqueue_dma source(%arg15 : memref<32x32xf32, #tpu.memory_space<vmem>>) target(%dma_start3A_2353 : memref<32x32xf32, #tpu.memory_space<hbm>>) target_semaphore(%run_scoped3A : memref<!tpu.dma_semaphore, #tpu.memory_space<semaphore_mem>>)
      %dma_wait3A_2354 = arith.constant 0 : i32
      %dma_wait3A_2355 = tpu.memref_slice %arg7[%mul3A_2, %dma_wait3A_2354] : memref<1024x32xf32, #tpu.memory_space<hbm>> -> memref<32x32xf32, #tpu.memory_space<hbm>>
      %dma_wait3A_2356 = arith.constant 0 : i32
      %dma_wait3A_2357 = tpu.memref_slice %arg7[%mul3A_2, %dma_wait3A_2356] : memref<1024x32xf32, #tpu.memory_space<hbm>> -> memref<32x32xf32, #tpu.memory_space<hbm>>
      tpu.wait_dma2 semaphore(%run_scoped3A : memref<!tpu.dma_semaphore, #tpu.memory_space<semaphore_mem>>) src(%arg15 : memref<32x32xf32, #tpu.memory_space<vmem>>) dst(%dma_wait3A_2357 : memref<32x32xf32, #tpu.memory_space<hbm>>)
      tpu.yield
    }) : () -> ()
    "tpu.region"() ({
      %run_scoped3A = tpu.sem_alloc : memref<!tpu.dma_semaphore, #tpu.memory_space<semaphore_mem>>
      %dma_start3A_2350 = arith.constant 0 : i32
      %dma_start3A_2351 = tpu.memref_slice %arg8[%mul3A_2, %dma_start3A_2350] : memref<1024x32xf32, #tpu.memory_space<hbm>> -> memref<32x32xf32, #tpu.memory_space<hbm>>
      %dma_start3A_2352 = arith.constant 0 : i32
      %dma_start3A_2353 = tpu.memref_slice %arg8[%mul3A_2, %dma_start3A_2352] : memref<1024x32xf32, #tpu.memory_space<hbm>> -> memref<32x32xf32, #tpu.memory_space<hbm>>
      tpu.enqueue_dma source(%arg16 : memref<32x32xf32, #tpu.memory_space<vmem>>) target(%dma_start3A_2353 : memref<32x32xf32, #tpu.memory_space<hbm>>) target_semaphore(%run_scoped3A : memref<!tpu.dma_semaphore, #tpu.memory_space<semaphore_mem>>)
      %dma_wait3A_2354 = arith.constant 0 : i32
      %dma_wait3A_2355 = tpu.memref_slice %arg8[%mul3A_2, %dma_wait3A_2354] : memref<1024x32xf32, #tpu.memory_space<hbm>> -> memref<32x32xf32, #tpu.memory_space<hbm>>
      %dma_wait3A_2356 = arith.constant 0 : i32
      %dma_wait3A_2357 = tpu.memref_slice %arg8[%mul3A_2, %dma_wait3A_2356] : memref<1024x32xf32, #tpu.memory_space<hbm>> -> memref<32x32xf32, #tpu.memory_space<hbm>>
      tpu.wait_dma2 semaphore(%run_scoped3A : memref<!tpu.dma_semaphore, #tpu.memory_space<semaphore_mem>>) src(%arg16 : memref<32x32xf32, #tpu.memory_space<vmem>>) dst(%dma_wait3A_2357 : memref<32x32xf32, #tpu.memory_space<hbm>>)
      tpu.yield
    }) : () -> ()
    return
  }
}

module attributes {stable_mosaic.version = 14 : i64} {
  func.func @_tc_body(%arg0: i32, %arg1: memref<32x1024xf32, #tpu.memory_space<vmem>>, %arg2: memref<16x32xf32, #tpu.memory_space<vmem>>, %arg3: memref<16x32x1024xf32, #tpu.memory_space<vmem>>) attributes {dimension_semantics = [#tpu.dimension_semantics<arbitrary>], iteration_bounds = array<i64: 64>, scalar_prefetch = 0 : i64, scratch_operands = 0 : i64, tpu.core_type = #tpu.core_type<tc>, window_params = [{pipeline_mode = #tpu.pipeline_mode<synchronous>, transform_indices = @transform_0, window_bounds = array<i64: 32, 1024>}, {transform_indices = @transform_1, window_bounds = array<i64: 16, 32>}, {transform_indices = @transform_2, window_bounds = array<i64: 16, 32, 1024>}]} {
    %get3A = arith.constant 0 : index
    %get3A_0 = arith.constant 0 : index
    %get3A_1 = vector.load %arg1[%get3A, %get3A_0] : memref<32x1024xf32, #tpu.memory_space<vmem>>, vector<32x1024xf32>
    %broadcast_in_dim3A = vector.shape_cast %get3A_1 : vector<32x1024xf32> to vector<1x32x1024xf32>
    %get3A_2 = arith.constant 0 : index
    %get3A_3 = arith.constant 0 : index
    %get3A_4 = vector.load %arg2[%get3A_2, %get3A_3] : memref<16x32xf32, #tpu.memory_space<vmem>>, vector<16x32xf32>
    %broadcast_in_dim3A_5 = vector.shape_cast %get3A_4 : vector<16x32xf32> to vector<16x32x1xf32>
    %add3A = vector.broadcast %broadcast_in_dim3A : vector<1x32x1024xf32> to vector<16x32x1024xf32>
    %add3A_6 = vector.broadcast %broadcast_in_dim3A_5 : vector<16x32x1xf32> to vector<16x32x1024xf32>
    %add3A_7 = arith.addf %add3A, %add3A_6 : vector<16x32x1024xf32>
    %swap3A = arith.constant 0 : index
    %swap3A_8 = arith.constant 0 : index
    %swap3A_9 = arith.constant 0 : index
    %swap3A_10 = vector.load %arg3[%swap3A, %swap3A_8, %swap3A_9] : memref<16x32x1024xf32, #tpu.memory_space<vmem>>, vector<16x32x1024xf32>
    tpu.vector_store %arg3[%swap3A, %swap3A_8, %swap3A_9], %add3A_7 {strides = array<i32>} : memref<16x32x1024xf32, #tpu.memory_space<vmem>>, vector<16x32x1024xf32>,
    return
  }
  func.func @transform_0(%arg0: i32) -> (i32, i32) {
    %c0_i32 = arith.constant 0 : i32
    %c0_i32_0 = arith.constant 0 : i32
    %c0_i32_1 = arith.constant 0 : i32
    return %c0_i32, %c0_i32_0 : i32, i32
  }
  func.func @transform_1(%arg0: i32) -> (i32, i32) {
    %c0_i32 = arith.constant 0 : i32
    %c0_i32_0 = arith.constant 0 : i32
    return %arg0, %c0_i32 : i32, i32
  }
  func.func @transform_2(%arg0: i32) -> (i32, i32, i32) {
    %c0_i32 = arith.constant 0 : i32
    %c0_i32_0 = arith.constant 0 : i32
    %c0_i32_1 = arith.constant 0 : i32
    return %arg0, %c0_i32, %c0_i32_0 : i32, i32, i32
  }
}

</mosaic_0001>

<sc_bundles>
// kernel: kernel.4.cloned.1.call-start
scs
__scs_entry_jumppad:
0x0: {  	(pc) =	sbr.rel $0x88, $3  }
0x1: {  	(tag) =	ssettag $0x0;
	lr =	simm.s32 $0x1  }
0x2: {  	[smem:$0x3F9C] =	sst lr;
	_ =	strace $0xD0000000  }
0x3: {  	_ = 	snop  }
0x4: {  	_ = 	snop  }
0x5: {  	_ = 	snop  }
0x6: {  	_ = 	snop  }
0x7: {  	_ = 	snop  }
__scs_overlays_trampoline_lowered:
0x8: {  	[smem:$0x3FAB] =	sst s0  }
0x9: {  	[smem:$0x3FAC] =	sst s1  }
0xa: {  	[smem:$0x3FAD] =	sst s2  }
0xb: {  	[smem:$0x3FAE] =	sst s3  }
0xc: {  	[smem:$0x3FAF] =	sst s4  }
0xd: {  	[smem:$0x3FB0] =	sst s5  }
0xe: {  	[smem:$0x3FB1] =	sst s6  }
0xf: {  	[smem:$0x3FB2] =	sst s7  }
0x10: {  	[smem:$0x3FB3] =	sst s8  }
0x11: {  	[smem:$0x3FB4] =	sst s9;
	s0 =	simm.s32 @!p0 $0x0  }
0x12: {  	s1 =	sld [smem:$0x3F9A];
	s0 =	simm.s32 @p0 $0x1  }
0x13: {  	[smem:$0x3FB5] =	sst s0;
	s0 =	simm.s32 @!p1 $0x0  }
0x14: {  	s2 =	sld [smem:$0x3F99];
	s0 =	simm.s32 @p1 $0x1  }
0x15: {  	[smem:$0x3FB6] =	sst s0;
	s0 =	simm.s32 @!p2 $0x0  }
0x16: {  	s3 =	sld [smem:$0x3FDB];
	s0 =	simm.s32 @p2 $0x1  }
0x17: {  	s4 =	simm.s32 $0x1BF5;
	[smem:$0x3FB8] =	sst s0  }
0x18: {  	s0 =	sld [smem:$0x3F9B];
	_ =	swait.ge [sflag:s4], $0x0  }
0x19: {  	s7 =	sld [smem:$0x3F9C]  }
0x1a: {  	s8 =	sadd.s32 $0xFFFFE003, lr  }
0x1b: {  	s9 =	sadd.s32 $0xFFFFFEF7, lr;
	s5 =	simm.s32 $0xFFFFFFFF;
	p2 =	slt.u32 s8, $0xFFFFF086  }
0x1c: {  	p1 =	slt.u32 s9, $0xF7A;
	s5 =	simm.s32 @!p2 $0x0  }
0x1d: {  	s5 =	simm.s32 @p1 $0x1;
	p0 =	seq.s32 s7, s2  }
0x1e: {  	s7 =	smul.u32 @!p0 $0xF7A, s2;
	p2 =	seq.s32 @!p0 s5, $0x0  }
0x1f: {  	s9 =	smul.u32 $0xF7A, s1;
	s8 =	simm.s32 @!p0 $0x1BF5;
	p2 =	por !p2, p0  }
0x20: {  	[sflag:s8] =	ssyncset.s32 @!p0 $0xFFFFF086;
	s6 =	sadd.s32 @!p0 s3, s7;
	s7 =	simm.s32 @!p0 $0x108  }
0x21: {  	s3 =	sadd.s32 s3, s9;
	s6 =	sadd.s32 @!p0 $0x88, s6;
	s7 =	simm.s32 @p2 $0x1082  }
0x22: {  	[simem:s7], [sflag:s8] =	dma.local @!p0 [hbm:s6], $0xF7A  }
0x23: {  	s9 =	sor.u32 $0xD0000000, s2;
	s6 =	simm.s32 $0x108;
	_ =	swait.ge @!p0 [sflag:s8], $0x0  }
0x24: {  	s3 =	sadd.s32 $0x88, s3;
	s6 =	simm.s32 @!p1 $0x1082;
	[sflag:s4] =	ssyncset.s32 $0xFFFFF086  }
0x25: {  	[simem:s6], [sflag:s4] =	dma.local [hbm:s3], $0xF7A  }
0x26: {  	[smem:$0x3F9C] =	sst s1;
	(tag) =	ssettag s2;
	_ =	strace s9  }
0x27: {  	s1 =	sld [smem:$0x3FAC]  }
0x28: {  	s2 =	sld [smem:$0x3FAD]  }
0x29: {  	s4 =	sld [smem:$0x3FAF]  }
0x2a: {  	p0 =	seq.s32 s5, $0x0;
	s5 =	sld [smem:$0x3FB0]  }
0x2b: {  	s6 =	sld [smem:$0x3FB1]  }
0x2c: {  	s7 =	sld [smem:$0x3FB2]  }
0x2d: {  	s3 =	simm.s32 $0x108;
	s8 =	sld [smem:$0x3FB3]  }
0x2e: {  	s3 =	simm.s32 @!p0 $0x1082;
	s9 =	sld [smem:$0x3FB4]  }
0x2f: {  	lr =	sadd.s32 s0, s3;
	s0 =	sld [smem:$0x3FAB]  }
0x30: {  	s3 =	sld [smem:$0x3FAE]  }
0x31: {  	[smem:$0x3FB7] =	sst s10  }
0x32: {  	s10 =	sld [smem:$0x3FB5];
	_ =	sdelay $0x3  }
0x33: {  	p0 =	seq.s32 s10, $0x1;
	s10 =	sld [smem:$0x3FB7];
	_ =	sdelay $0x3  }
0x34: {  	[smem:$0x3FB7] =	sst s10  }
0x35: {  	s10 =	sld [smem:$0x3FB6];
	_ =	sdelay $0x3  }
0x36: {  	p1 =	seq.s32 s10, $0x1;
	s10 =	sld [smem:$0x3FB7];
	_ =	sdelay $0x3  }
0x37: {  	[smem:$0x3FB7] =	sst s10  }
0x38: {  	s10 =	sld [smem:$0x3FB8]  }
0x39: {  	_ = 	snop;
	(pc) =	sbr.ind lr, $3  }
0x3a: {  	_ = 	snop  }
0x3b: {  	_ = 	snop  }
0x3c: {  	p2 =	seq.s32 s10, $0x1;
	s10 =	sld [smem:$0x3FB7]  }
0x3d: {  	_ =	shalt  }
0x3e: {  	_ =	shalt  }
0x3f: {  	_ =	shalt  }
0x40: {  	_ =	shalt  }
0x41: {  	_ =	shalt  }
0x42: {  	_ =	shalt  }
0x43: {  	_ =	shalt  }
0x44: {  	_ =	shalt  }
0x45: {  	_ =	shalt  }
0x46: {  	_ =	shalt  }
0x47: {  	_ =	shalt  }
0x48: {  	_ =	shalt  }
0x49: {  	_ =	shalt  }
0x4a: {  	_ =	shalt  }
0x4b: {  	_ =	shalt  }
0x4c: {  	_ =	shalt  }
0x4d: {  	_ =	shalt  }
0x4e: {  	_ =	shalt  }
0x4f: {  	_ =	shalt  }
0x50: {  	_ =	shalt  }
0x51: {  	_ =	shalt  }
0x52: {  	_ =	shalt  }
0x53: {  	_ =	shalt  }
0x54: {  	_ =	shalt  }
0x55: {  	_ =	shalt  }
0x56: {  	_ =	shalt  }
0x57: {  	_ =	shalt  }
0x58: {  	_ =	shalt  }
0x59: {  	_ =	shalt  }
0x5a: {  	_ =	shalt  }
0x5b: {  	_ =	shalt  }
0x5c: {  	_ =	shalt  }
0x5d: {  	_ =	shalt  }
0x5e: {  	_ =	shalt  }
0x5f: {  	_ =	shalt  }
0x60: {  	_ =	shalt  }
0x61: {  	_ =	shalt  }
0x62: {  	_ =	shalt  }
0x63: {  	_ =	shalt  }
0x64: {  	_ =	shalt  }
0x65: {  	_ =	shalt  }
0x66: {  	_ =	shalt  }
0x67: {  	_ =	shalt  }
0x68: {  	_ =	shalt  }
0x69: {  	_ =	shalt  }
0x6a: {  	_ =	shalt  }
0x6b: {  	_ =	shalt  }
0x6c: {  	_ =	shalt  }
0x6d: {  	_ =	shalt  }
0x6e: {  	_ =	shalt  }
0x6f: {  	_ =	shalt  }
0x70: {  	_ =	shalt  }
0x71: {  	_ =	shalt  }
0x72: {  	_ =	shalt  }
0x73: {  	_ =	shalt  }
0x74: {  	_ =	shalt  }
0x75: {  	_ =	shalt  }
0x76: {  	_ =	shalt  }
0x77: {  	_ =	shalt  }
0x78: {  	_ =	shalt  }
0x79: {  	_ =	shalt  }
0x7a: {  	_ =	shalt  }
0x7b: {  	_ =	shalt  }
0x7c: {  	_ =	shalt  }
0x7d: {  	_ =	shalt  }
0x7e: {  	_ =	shalt  }
0x7f: {  	_ =	shalt  }
0x80: {  	_ =	shalt  }
0x81: {  	_ =	shalt  }
0x82: {  	_ =	shalt  }
0x83: {  	_ =	shalt  }
0x84: {  	_ =	shalt  }
0x85: {  	_ =	shalt  }
0x86: {  	_ =	shalt  }
0x87: {  	_ =	shalt  }
.Lfunc_end0:
.L_simem_size_0:
called_computation_lowered:
.L_overlay_start_0:
0x88: {  	s2 =	sld [smem:$0x3FD9]  }
0x89: {  	s3 =	sld [smem:$0x3FFE];
	_ =	sdelay $0x1  }
0x8a: {  	s1 =	srdreg.scid  }
0x8b: {  	s0 =	sand.u32 $0x1, s1  }
0x8c: {  	s17 =	sshll.u32 s0, $0xA;
	s2 =	sadd.s32 s3, s2  }
0x8d: {  	s2 =	sadd.s32 s2, s17  }
0x8e: {  	[smem:$0x3FC3] =	sst s2  }
0x8f: {  	_ = 	snop  }
0x90: {  	s2 =	sld [smem:$0x3FD0];
	(tm) =	ssettm $0x1  }
0x91: {  	s18 =	sld [smem:$0x3FFB];
	_ =	sdelay $0x3  }
0x92: {  	_ =	strace s18  }
0x93: {  	s3 =	sld [smem:$0x3FFC];
	_ =	sdelay $0x3  }
0x94: {  	_ =	strace s3  }
0x95: {  	s3 =	sld [smem:$0x3FFD];
	_ =	sdelay $0x3  }
0x96: {  	_ =	strace s3  }
0x97: {  	_ =	strace $0x8FFFFFFF  }
0x98: {  	s19 =	sld [smem:$0x3FDB];
	_ =	sdelay $0x1  }
0x99: {  	s4 =	simm.s32 $_scs_section_size  }
0x9a: {  	s5 =	simm.s32 $_size__tile_overlayer_lowered;
	s6 =	simm.s32 $_tile_overlayer_lowered  }
0x9b: {  	s22 =	simm.s32 $0x1BFF;
	s21 =	sshll.u32 s6, $0x1;
	s3 =	sadd.s32 s4, s19  }
0x9c: {  	s7 =	simm.s32 $0x0;
	s20 =	sshll.u32 s5, $0x1;
	s5 =	sadd.s32 s21, s3  }
0x9d: {  	[timem:s7], [sflag:s22] =	dma.local [hbm:s5], s20  }
0x9e: {  	_ =	swait.ge [sflag:s22], s20  }
0x9f: {  	s4 =	ssub.s32 $0x0, s20;
	[sflag:s22] =	ssyncset.done $0x0  }
0xa0: {  	[sflag:s22] =	ssyncadd.s32 s4;
	_ =	sdelay $0x1  }
0xa1: {  	s23 =	simm.s32 $0x1B8B  }
0xa2: {  	_ =	swait.ge [sflag:s23], $0x1  }
0xa3: {  	[sflag:s23] =	ssyncset.done $0x0  }
0xa4: {  	s25 =	simm.s32 $0x1B8E;
	s24 =	sld [smem:$0x3FFE];
	[sflag:s23] =	ssyncadd.s32 $0xFFFFFFFF  }
0xa5: {  	s26 =	simm.s32 $execute0_lowered;
	[smem:$0x3FD2] =	sst s25  }
0xa6: {  	s5 =	sshll.u32 s26, $0x1;
	_ =	strace $0x80000046;
	[dreg:$0x1] =	wrdreg $0xFFFFFFFF  }
0xa7: {  	s28 =	simm.s32 $_size_execute0_lowered;
	s3 =	sadd.s32 s3, s5;
	[dreg:$0x0] =	wrdreg $0x0  }
0xa8: {  	s5 =	sshll.u32 s28, $0x1;
	[dreg:$0x2] =	wrdreg s3  }
0xa9: {  	[dreg:$0x3] =	wrdreg s5  }
0xaa: {  	[dreg:$0x4] =	wrdreg $0xC0  }
0xab: {  	_ =	task [dreg:s7], $0x5FFFF  }
0xac: {  	[dreg:$0x1] =	wrdreg $0xFFFFFFFF  }
0xad: {  	[dreg:$0x0] =	wrdreg $0x60  }
0xae: {  	[dreg:$0x2] =	wrdreg s24  }
0xaf: {  	[dreg:$0x3] =	wrdreg s2  }
0xb0: {  	[dreg:$0x4] =	wrdreg $0x9  }
0xb1: {  	_ =	task.clear_ibuf [dreg:s7], $0x5FFFF;
	_ =	strace $0x90000046  }
0xb2: {  	s29 =	simm.s32 $0x9;
	_ =	strace $0x80000048  }
0xb3: {  	_ =	swait.ge [sflag:s29], $0x1  }
0xb4: {  	[sflag:s29] =	ssyncadd.s32 $0xFFFFFFFF  }
0xb5: {  	_ =	strace $0x90000048  }
0xb6: {  	_ =	sfence  }
0xb7: {  	s30 =	sld [smem:$0x0];
	_ =	sdelay $0x2  }
0xb8: {  	s31 =	sshll.u32 s1, $0xD;
	s1 =	sshrl.u32 s1, $0x2  }
0xb9: {  	s3 =	sand.u32 $0x4000, s31;
	s1 =	sadd.s32 s1, s30  }
0xba: {  	s0 =	sor.u32 s3, s0;
	s1 =	sshll.u32 s1, $0x11  }
0xbb: {  	s0 =	sor.u32 s1, s0  }
0xbc: {  	s0 =	sadd.s32 $0x8F2B, s0  }
0xbd: {  	[sflag:s0] =	ssyncadd.remote.s32 $0x1  }
0xbe: {  	_ =	sfence.sel $0xFFFF  }
0xbf: {  	[dreg:$0x0] =	wrdreg $0xFFFFFFFF;
	(pc) =	sbr.abs _section_cstart, $3  }
0xc0: {  	[dreg:$0x1] =	wrdreg $0xFFFFFFFF  }
0xc1: {  	_ =	task.clear_ibuf [dreg:s7], $0x2FFFF;
	_ =	strace $0x9FFFFFFF  }
0xc2: {  	(tm) =	ssettm $0x7FFFFFFF  }
0xc3: {  	_ =	shalt  }
tec
execute0_lowered:
.L_overlay_start_1:
0x0: {  	(tag) =	ssettag $0x1  }
0x1: {  	s0 =	rddreg [dreg:$0x0]  }
0x2: {  	s2 =	rddreg [dreg:$0x1]  }
0x3: {  	s1 =	srdreg.scid;
	s4 =	stileid.u32;
	s3 =	simm.s32 $0x0  }
0x4: {  	s11 =	simm.s32 $0x20;
	s12 =	simm.s32 $0x400;
	s13 =	simm.s32 $0x2  }
0x5: {  	s19 =	simm.s32 $0x5D20;
	s20 =	simm.s32 $0xC60;
	s21 =	simm.s32 $0x6120  }
0x6: {  	s22 =	simm.s32 $0xC80;
	s23 =	simm.s32 $0x6520;
	s24 =	simm.s32 $0xCA0  }
0x7: {  	s28 =	simm.s32 $0x6D20;
	s29 =	simm.s32 $0xCE0;
	s30 =	simm.s32 $0x7120  }
0x8: {  	s31 =	simm.s32 $0xD00;
	s14 =	simm.s32 $0x7520;
	s1 =	sand.u32 $0x1, s1  }
0x9: {  	s15 =	simm.s32 $0x0;
	s4 =	sshll.u32 s4, $0x6;
	s5 =	sshll.u32 s1, $0x5  }
0xa: {  	[smem:$0x7FF] =	sst s3;
	s1 =	ssub.s32 $0x2, s1;
	s4 =	sor.u32 s5, s4  }
0xb: {  	_ =	strace $0x80000047;
	s26 =	sshrl.u32 s1, $0x1;
	s5 =	sshrl.u32 s4, $0x3  }
0xc: {  	s25 =	sshll.u32 s4, $0x2;
	s4 =	sadd.s32 $0x3A00, s0;
	s1 =	ssub.s32 s1, s26  }
0xd: {  	s26 =	simm.s32 $0xCC0;
	s7 =	sadd.s32 s5, s0;
	s0 =	sadd.s32 s25, s0  }
0xe: {  	s10 =	smax.u32 s1, $0x1;
	s25 =	simm.s32 $0x6920;
	s1 =	simm.s32 $0x1  }
0xf: {  	s5 =	sadd.s32 $0x2C00, s7;
	s6 =	sadd.s32 $0x1E00, s7;
	s7 =	sadd.s32 $0x1000, s7  }
0x10: {  	v0 =	vimm.s32 $0x0;
	s8 =	sadd.s32 $0x3C00, s0;
	s9 =	sadd.s32 $0x4C00, s0;
	s0 =	simm.s32 $0x7920  }
.LBB2_1:
0x11: {  	[tilespmem:s3], [sflag:$0x2] =	stream.strided.gather [hbm4b:s5+s11], $0x340, s12, s11, $0x38;
	[tilespmem:$0x7D20] =	vst v63  }
0x12: {  	_ =	swait.ge [sflag:s13], $0x340  }
0x13: {  	[sflag:s13] =	ssyncset.done $0x0  }
0x14: {  	s16 =	simm.s32 $0x340;
	[sflag:s13] =	ssyncadd.s32 $0xFFFFFCC0  }
0x15: {  	[tilespmem:s16], [sflag:$0x2] =	stream.strided.gather [hbm4b:s6+s11], $0x340, s12, s11, $0x38;
	[tilespmem:$0x7D20] =	vst v63  }
0x16: {  	_ =	swait.ge [sflag:s13], $0x340  }
0x17: {  	[sflag:s13] =	ssyncset.done $0x0  }
0x18: {  	s17 =	simm.s32 $0x680;
	[sflag:s13] =	ssyncadd.s32 $0xFFFFFCC0  }
0x19: {  	[tilespmem:s17], [sflag:$0x2] =	stream.strided.gather [hbm4b:s7+s11], $0x340, s12, s11, $0x38;
	[tilespmem:$0x7D20] =	vst v63  }
0x1a: {  	_ =	swait.ge [sflag:s13], $0x340  }
0x1b: {  	[sflag:s13] =	ssyncset.done $0x0  }
0x1c: {  	[sflag:s13] =	ssyncadd.s32 $0xFFFFFCC0  }
0x1d: {  	v1 =	vld [tilespmem:$0x340]  }
0x1e: {  	v2 =	vld [tilespmem:$0x360];
	_ =	sdelay $0x1  }
0x1f: {  	v3 =	vld [tilespmem:$0x380];
	_ =	sdelay $0x1  }
0x20: {  	v4 =	vld [tilespmem:$0x3A0]  }
0x21: {  	vm0 =	vgt.f32 v2, v1  }
0x22: {  	v1 =	vsel vm0, v2, v1;
	v2 =	vld [tilespmem:$0x3C0]  }
0x23: {  	vm1 =	vgt.f32 v3, v1  }
0x24: {  	v1 =	vsel vm1, v3, v1;
	v3 =	vld [tilespmem:$0x3E0]  }
0x25: {  	v6 =	vld [tilespmem:$0x5E0];
	vm2 =	vgt.f32 v4, v1  }
0x26: {  	v1 =	vsel vm2, v4, v1;
	v4 =	vld [tilespmem:$0x400]  }
0x27: {  	v7 =	vld [tilespmem:$0x620];
	vm3 =	vgt.f32 v2, v1  }
0x28: {  	v1 =	vsel vm3, v2, v1;
	v2 =	vld [tilespmem:$0x420]  }
0x29: {  	v8 =	vld [tilespmem:$0x660];
	vm4 =	vgt.f32 v3, v1  }
0x2a: {  	v1 =	vsel vm4, v3, v1;
	v3 =	vld [tilespmem:$0x440]  }
0x2b: {  	v9 =	vld [tilespmem:$0x680];
	vm5 =	vgt.f32 v4, v1  }
0x2c: {  	v1 =	vsel vm5, v4, v1;
	v4 =	vld [tilespmem:$0x460]  }
0x2d: {  	v11 =	vld [tilespmem:$0x6C0];
	vm6 =	vgt.f32 v2, v1  }
0x2e: {  	v1 =	vsel vm6, v2, v1;
	v2 =	vld [tilespmem:$0x480]  }
0x2f: {  	v14 =	vld [tilespmem:$0xA0];
	vm7 =	vgt.f32 v3, v1  }
0x30: {  	v1 =	vsel vm7, v3, v1;
	v3 =	vld [tilespmem:$0x4A0]  }
0x31: {  	v15 =	vld [tilespmem:$0x720];
	vm8 =	vgt.f32 v4, v1  }
0x32: {  	v1 =	vsel vm8, v4, v1;
	v4 =	vld [tilespmem:$0x4C0]  }
0x33: {  	v26 =	vld [tilespmem:$0xE0];
	vm9 =	vgt.f32 v2, v1  }
0x34: {  	v1 =	vsel vm9, v2, v1;
	v2 =	vld [tilespmem:$0x4E0]  }
0x35: {  	v28 =	vld [tilespmem:$0x760];
	vm10 =	vgt.f32 v3, v1  }
0x36: {  	v1 =	vsel vm10, v3, v1;
	v3 =	vld [tilespmem:$0x500]  }
0x37: {  	v18 =	vld [tilespmem:$0x100];
	vm11 =	vgt.f32 v4, v1  }
0x38: {  	v1 =	vsel vm11, v4, v1;
	v4 =	vld [tilespmem:$0x520]  }
0x39: {  	v19 =	vld [tilespmem:$0x780];
	v5 =	vsel vm0, $0x1, v0;
	vm12 =	vgt.f32 v2, v1  }
0x3a: {  	v5 =	vsel vm1, $0x2, v5;
	v1 =	vsel vm12, v2, v1;
	v2 =	vld [tilespmem:$0x540]  }
0x3b: {  	v20 =	vld [tilespmem:$0x140];
	v5 =	vsel vm2, $0x3, v5;
	vm0 =	vgt.f32 v3, v1  }
0x3c: {  	v5 =	vsel vm3, $0x4, v5;
	v1 =	vsel vm0, v3, v1;
	v3 =	vld [tilespmem:$0x560]  }
0x3d: {  	v21 =	vld [tilespmem:$0x7C0];
	v5 =	vsel vm4, $0x5, v5;
	vm1 =	vgt.f32 v4, v1  }
0x3e: {  	v16 =	vsub.s32 $0x1, v9;
	v5 =	vsel vm5, $0x6, v5;
	v1 =	vsel vm1, v4, v1;
	v4 =	vld [tilespmem:$0x580]  }
0x3f: {  	v22 =	vld [tilespmem:$0x1A0];
	v25 =	vsub.s32 $0x1, v11;
	v5 =	vsel vm6, $0x7, v5;
	vm13 =	vgt.f32 v2, v1  }
0x40: {  	v14 =	vmul.u32 v14, v15;
	v5 =	vsel vm7, $0x8, v5;
	v1 =	vsel vm13, v2, v1;
	v2 =	vld [tilespmem:$0x5A0]  }
0x41: {  	v23 =	vld [tilespmem:$0x820];
	v38 =	vmul.u32 v26, v28;
	v5 =	vsel vm8, $0x9, v5;
	vm14 =	vgt.f32 v3, v1  }
0x42: {  	v39 =	vsub.s32 $0x1, v28;
	v5 =	vsel vm9, $0xA, v5;
	v1 =	vsel vm14, v3, v1;
	v3 =	vld [tilespmem:$0x5C0]  }
0x43: {  	v10 =	vld [tilespmem:$0x6A0];
	v18 =	vmul.u32 v18, v19;
	v5 =	vsel vm10, $0xB, v5;
	vm15 =	vgt.f32 v4, v1  }
0x44: {  	v12 =	vld [tilespmem:$0x6E0];
	v19 =	vsub.s32 $0x1, v19;
	v5 =	vsel vm11, $0xC, v5;
	v1 =	vsel vm15, v4, v1  }
0x45: {  	v63 =	vld [tilespmem:$0xC0];
	v46 =	vmul.u32 v20, v21;
	v5 =	vsel vm12, $0xD, v5;
	vm8 =	vgt.f32 v2, v1  }
0x46: {  	v47 =	vsub.s32 $0x1, v21;
	v5 =	vsel vm0, $0xE, v5;
	v4 =	vld [tilespmem:$0x600];
	v1 =	vsel vm8, v2, v1  }
0x47: {  	v40 =	vld [tilespmem:$0x800];
	v52 =	vmul.u32 v22, v23;
	v5 =	vsel vm1, $0xF, v5;
	vm9 =	vgt.f32 v3, v1  }
0x48: {  	v53 =	vsub.s32 $0x1, v23;
	v5 =	vsel vm13, $0x10, v5;
	v2 =	vld [tilespmem:$0x640];
	v1 =	vsel vm9, v3, v1  }
0x49: {  	v24 =	vmul.u32 $0x3E8, v16;
	v5 =	vsel vm14, $0x11, v5;
	v3 =	vld [tilespmem:$0x0];
	vm10 =	vgt.f32 v6, v1  }
0x4a: {  	v19 =	vmul.u32 $0x3E8, v19;
	v5 =	vsel vm15, $0x12, v5;
	v1 =	vsel vm10, v6, v1;
	v6 =	vld [tilespmem:$0x20]  }
0x4b: {  	v17 =	vld [tilespmem:$0x740];
	v20 =	vmul.u32 $0x3E8, v47;
	v5 =	vsel vm8, $0x13, v5;
	vm11 =	vgt.f32 v4, v1  }
0x4c: {  	v30 =	vld [tilespmem:$0x120];
	v16 =	vsub.s32 $0x1, v40;
	v5 =	vsel vm9, $0x14, v5;
	v1 =	vsel vm11, v4, v1  }
0x4d: {  	v22 =	vmul.u32 $0x3E8, v53;
	v5 =	vsel vm10, $0x15, v5;
	v4 =	vld [tilespmem:$0x40];
	vm12 =	vgt.f32 v7, v1  }
0x4e: {  	v32 =	vld [tilespmem:$0x7A0];
	v5 =	vsel vm11, $0x16, v5;
	v3 =	vmul.u32 v3, v9;
	v1 =	vsel vm12, v7, v1  }
0x4f: {  	v7 =	vld [tilespmem:$0x60];
	v5 =	vsel vm12, $0x17, v5;
	vm13 =	vgt.f32 v2, v1;
	v6 =	vmul.u32 v6, v10  }
0x50: {  	v42 =	vld [tilespmem:$0x1C0];
	v1 =	vsel vm13, v2, v1;
	v2 =	vsel vm13, $0x18, v5;
	v5 =	vsub.s32 $0x1, v10  }
0x51: {  	v3 =	vadd.s32 v3, v24;
	v24 =	vld [tilespmem:$0x840];
	vm14 =	vgt.f32 v8, v1;
	v5 =	vmul.u32 $0x3E8, v5  }
0x52: {  	v13 =	vld [tilespmem:$0x80];
	v16 =	vmul.u32 $0x3E8, v16;
	v4 =	vmul.u32 v4, v11;
	v1 =	vsel vm14, $0x19, v2  }
0x53: {  	v8 =	vld [tilespmem:$0x700];
	v2 =	vmul.u32 $0x65AA, v1;
	v5 =	vadd.s32 v5, v6;
	v6 =	vmul.u32 $0x3E8, v25  }
0x54: {  	v10 =	vmul.u32 v63, v17;
	v11 =	vmul.u32 $0x3E8, v39;
	v39 =	vld [tilespmem:$0x8E0];
	v7 =	vmul.u32 v7, v12  }
0x55: {  	v36 =	vld [tilespmem:$0x7E0];
	v27 =	vadd.s32 v2, v5;
	v5 =	vsub.s32 $0x1, v12;
	v6 =	vadd.s32 v6, v4  }
0x56: {  	v48 =	vld [tilespmem:$0x350];
	v12 =	vmul.u32 v30, v32;
	v41 =	vadd.s32 v18, v2;
	v18 =	vmul.u32 v42, v24  }
0x57: {  	v25 =	vld [tilespmem:$0x370];
	v24 =	vsub.s32 $0x1, v24;
	v29 =	vmul.u32 $0x3E8, v5;
	v5 =	vadd.s32 v2, v3  }
0x58: {  	v4 =	vadd.s32 $0x3E9, v27;
	v3 =	vadd.s32 v2, v6;
	v31 =	vmul.u32 v13, v8  }
0x59: {  	v35 =	vld [tilespmem:$0x160];
	v13 =	vsub.s32 $0x1, v32;
	v24 =	vmul.u32 $0x3E8, v24;
	v23 =	vsub.s32 $0x1, v39  }
0x5a: {  	v37 =	vld [tilespmem:$0x180];
	v3 =	vadd.s32 $0x7D2, v3;
	v13 =	vmul.u32 $0x3E8, v13;
	v43 =	vadd.s32 v12, v2  }
0x5b: {  	v45 =	vld [tilespmem:$0x1E0];
	v18 =	vadd.s32 v18, v2;
	v6 =	vadd.s32 v29, v7;
	v7 =	vsub.s32 $0x1, v8  }
0x5c: {  	v49 =	vld [tilespmem:$0x200];
	v8 =	vsub.s32 $0x1, v15;
	v15 =	vsub.s32 $0x1, v36;
	vm15 =	vgt.f32 v25, v48  }
0x5d: {  	v54 =	vld [tilespmem:$0x880];
	v18 =	vadd.s32 v24, v18;
	v7 =	vmul.u32 $0x3E8, v7;
	v33 =	vmul.u32 $0x3E8, v8  }
0x5e: {  	v27 =	vld [tilespmem:$0x390];
	v8 =	vsub.s32 $0x1, v17;
	v6 =	vadd.s32 v2, v6;
	v44 =	vadd.s32 v13, v43  }
0x5f: {  	v51 =	vld [tilespmem:$0x3B0];
	v15 =	vmul.u32 $0x3E8, v15;
	v17 =	vmul.u32 v37, v40;
	v13 =	vadd.s32 v46, v2  }
0x60: {  	v55 =	vld [tilespmem:$0x3D0];
	v21 =	vsel vm15, v25, v48;
	v29 =	vsel vm15, $0x1, v0;
	v34 =	vmul.u32 $0x3E8, v8  }
0x61: {  	v57 =	vld [tilespmem:$0x8A0];
	v8 =	vadd.s32 $0xBBB, v6;
	v13 =	vadd.s32 v20, v13;
	v6 =	vadd.s32 v7, v31  }
0x62: {  	v56 =	vld [tilespmem:$0x3F0];
	v7 =	vadd.s32 v33, v14;
	v14 =	vmul.u32 v35, v36;
	v17 =	vadd.s32 v17, v2  }
0x63: {  	v58 =	vld [tilespmem:$0x410];
	vm4 =	vgt.f32 v27, v21;
	v35 =	vmul.u32 v49, v54;
	v6 =	vadd.s32 v2, v6  }
0x64: {  	v26 =	vld [tilespmem:$0x860];
	v7 =	vadd.s32 v2, v7;
	v10 =	vadd.s32 v34, v10;
	v50 =	vadd.s32 v16, v17  }
0x65: {  	v28 =	vld [tilespmem:$0x220];
	v16 =	vadd.s32 v52, v2;
	v21 =	vsel vm4, v27, v21;
	v29 =	vsel vm4, $0x2, v29  }
0x66: {  	v60 =	vld [tilespmem:$0x430];
	v27 =	vsub.s32 $0x1, v57;
	v9 =	vadd.s32 $0xFA4, v6;
	v7 =	vadd.s32 $0x138D, v7  }
0x67: {  	v62 =	vld [tilespmem:$0x450];
	v6 =	vadd.s32 v2, v10;
	v10 =	vadd.s32 v11, v38;
	v11 =	vadd.s32 v19, v41  }
0x68: {  	v63 =	vld [tilespmem:$0x260];
	v14 =	vadd.s32 v14, v2;
	v16 =	vadd.s32 v22, v16;
	vm5 =	vgt.f32 v51, v21  }
0x69: {  	v43 =	vld [tilespmem:$0x900];
	v19 =	vmul.u32 v45, v26;
	v26 =	vsub.s32 $0x1, v26;
	v38 =	vsub.s32 $0x1, v54  }
0x6a: {  	v53 =	vld [tilespmem:$0x550];
	v41 =	vmul.u32 v28, v57;
	v27 =	vmul.u32 $0x3E8, v27;
	v6 =	vadd.s32 $0x1776, v6  }
0x6b: {  	v30 =	vld [tilespmem:$0x240];
	v10 =	vadd.s32 v2, v10;
	v11 =	vadd.s32 $0x1F48, v11;
	v14 =	vadd.s32 v15, v14  }
0x6c: {  	v42 =	vld [tilespmem:$0x4B0];
	v15 =	vadd.s32 $0x271A, v13;
	v16 =	vadd.s32 $0x32D5, v16;
	v17 =	vsel vm5, v51, v21  }
0x6d: {  	v31 =	vld [tilespmem:$0x8C0];
	v29 =	vsel vm5, $0x3, v29;
	v61 =	vmul.u32 $0x3E8, v26;
	v26 =	vmul.u32 v63, v39  }
0x6e: {  	v32 =	vld [tilespmem:$0x280];
	v51 =	vmul.u32 $0x3E8, v23;
	v28 =	vsub.s32 $0x1, v43;
	v12 =	vadd.s32 $0x1B5F, v10  }
0x6f: {  	v33 =	vld [tilespmem:$0x2A0];
	v10 =	vadd.s32 $0x2331, v44;
	v13 =	vadd.s32 $0x2B03, v14;
	v14 =	vadd.s32 $0x2EEC, v50  }
0x70: {  	v34 =	vld [tilespmem:$0x920];
	vm6 =	vgt.f32 v55, v17;
	v19 =	vadd.s32 v19, v2;
	v28 =	vmul.u32 $0x3E8, v28  }
0x71: {  	v54 =	vld [tilespmem:$0x2E0];
	v59 =	vsel vm6, v55, v17;
	v29 =	vsel vm6, $0x4, v29;
	v17 =	vadd.s32 $0x36BE, v18  }
0x72: {  	v57 =	vld [tilespmem:$0x960];
	v18 =	vadd.s32 v61, v19;
	v19 =	vadd.s32 v35, v2;
	v45 =	vmul.u32 v30, v31  }
0x73: {  	v37 =	vld [tilespmem:$0x470];
	v31 =	vsub.s32 $0x1, v31;
	v26 =	vadd.s32 v26, v2;
	vm7 =	vgt.f32 v56, v59  }
0x74: {  	v40 =	vld [tilespmem:$0x490];
	v55 =	vmul.u32 v32, v43;
	v18 =	vadd.s32 $0x3AA7, v18;
	v22 =	vsel vm7, v56, v59  }
0x75: {  	v49 =	vld [tilespmem:$0x2C0];
	v47 =	vmul.u32 $0x3E8, v31;
	v29 =	vsel vm7, $0x5, v29;
	vm8 =	vgt.f32 v58, v22  }
0x76: {  	v35 =	vld [tilespmem:$0x940];
	v59 =	vmul.u32 v33, v34;
	v34 =	vsub.s32 $0x1, v34;
	v36 =	vsel vm8, v58, v22  }
0x77: {  	v46 =	vld [tilespmem:$0x4F0];
	v30 =	vmul.u32 v54, v57;
	v32 =	vsub.s32 $0x1, v57;
	vm9 =	vgt.f32 v60, v36  }
0x78: {  	v63 =	vld [tilespmem:$0x320];
	v61 =	vmul.u32 $0x3E8, v34;
	v22 =	vmul.u32 $0x3E8, v38;
	v20 =	vsel vm9, v60, v36  }
0x79: {  	v32 =	vmul.u32 $0x3E8, v32;
	v29 =	vsel vm8, $0x6, v29;
	v38 =	vld [tilespmem:$0x9A0];
	vm10 =	vgt.f32 v62, v20  }
0x7a: {  	v48 =	vld [tilespmem:$0x510];
	v29 =	vsel vm9, $0x7, v29;
	v19 =	vadd.s32 v22, v19;
	v20 =	vsel vm10, v62, v20  }
0x7b: {  	v39 =	vld [tilespmem:$0x670];
	v22 =	vadd.s32 v41, v2;
	v41 =	vmul.u32 v49, v35;
	vm11 =	vgt.f32 v37, v20  }
0x7c: {  	v44 =	vld [tilespmem:$0x4D0];
	v35 =	vsub.s32 $0x1, v35;
	v19 =	vadd.s32 $0x3E90, v19;
	v20 =	vsel vm11, v37, v20  }
0x7d: {  	v50 =	vld [tilespmem:$0x530];
	v22 =	vadd.s32 v27, v22;
	v27 =	vadd.s32 v45, v2;
	vm12 =	vgt.f32 v40, v20  }
0x7e: {  	v56 =	vld [tilespmem:$0x570];
	v43 =	vmul.u32 $0x3E8, v35;
	v34 =	vmul.u32 v63, v38;
	v25 =	vsel vm12, v40, v20  }
0x7f: {  	v58 =	vld [tilespmem:$0x590];
	v29 =	vsel vm10, $0x8, v29;
	v57 =	vsub.s32 $0x1, v38;
	vm13 =	vgt.f32 v42, v25  }
0x80: {  	v36 =	vld [tilespmem:$0x300];
	v29 =	vsel vm11, $0x9, v29;
	v34 =	vadd.s32 v34, v2;
	v24 =	vsel vm13, v42, v25  }
0x81: {  	v60 =	vld [tilespmem:$0x5B0];
	v29 =	vsel vm12, $0xA, v29;
	v20 =	vadd.s32 $0x4279, v22;
	vm14 =	vgt.f32 v44, v24  }
0x82: {  	v49 =	vld [tilespmem:$0x690];
	v22 =	vadd.s32 v47, v27;
	v47 =	vadd.s32 v30, v2;
	v24 =	vsel vm14, v44, v24  }
0x83: {  	v37 =	vld [tilespmem:$0x980];
	v21 =	vadd.s32 $0x4662, v22;
	v22 =	vadd.s32 v51, v26;
	vm15 =	vgt.f32 v46, v24  }
0x84: {  	v45 =	vld [tilespmem:$0x630];
	v26 =	vadd.s32 v55, v2;
	v29 =	vsel vm13, $0xB, v29;
	v52 =	vsel vm15, v46, v24  }
0x85: {  	v62 =	vld [tilespmem:$0x5D0];
	v22 =	vadd.s32 $0x4A4B, v22;
	v29 =	vsel vm14, $0xC, v29;
	vm4 =	vgt.f32 v48, v52  }
0x86: {  	v40 =	vld [tilespmem:$0x6B0];
	v26 =	vadd.s32 v28, v26;
	v29 =	vsel vm15, $0xD, v29;
	v23 =	vsel vm4, v48, v52  }
0x87: {  	v28 =	vadd.s32 v59, v2;
	v29 =	vsel vm4, $0xE, v29;
	v52 =	vld [tilespmem:$0x30];
	vm5 =	vgt.f32 v50, v23  }
0x88: {  	v51 =	vsub.s32 $0x1, v37;
	v48 =	vld [tilespmem:$0x10];
	v23 =	vsel vm5, v50, v23;
	v29 =	vsel vm5, $0xF, v29  }
0x89: {  	v63 =	vld [tilespmem:$0x710];
	v50 =	vmul.u32 v36, v37;
	v36 =	vmul.u32 $0x3E8, v51;
	vm6 =	vgt.f32 v53, v23  }
0x8a: {  	v38 =	vld [tilespmem:$0x170];
	v24 =	vsel vm6, v53, v23;
	v29 =	vsel vm6, $0x10, v29;
	v23 =	vadd.s32 $0x4E34, v26  }
0x8b: {  	v26 =	vadd.s32 v61, v28;
	v28 =	vadd.s32 v41, v2;
	v61 =	vld [tilespmem:$0x90];
	vm7 =	vgt.f32 v56, v24  }
0x8c: {  	v55 =	vld [tilespmem:$0x50];
	v53 =	vadd.s32 v50, v2;
	v37 =	vmul.u32 v52, v40;
	v24 =	vsel vm7, v56, v24  }
0x8d: {  	v30 =	vmul.u32 v48, v49;
	v29 =	vsel vm7, $0x11, v29;
	v56 =	vld [tilespmem:$0x6D0];
	vm8 =	vgt.f32 v58, v24  }
0x8e: {  	v59 =	vld [tilespmem:$0x6F0];
	v27 =	vsel vm8, v58, v24;
	v29 =	vsel vm8, $0x12, v29;
	v24 =	vadd.s32 $0x521D, v26  }
0x8f: {  	[tilespmem:$0x9C0] =	vst v5;
	v42 =	vld [tilespmem:$0x5F0];
	v26 =	vadd.s32 v43, v28;
	v28 =	vadd.s32 v32, v47;
	vm9 =	vgt.f32 v60, v27  }
0x90: {  	[tilespmem:$0xA80] =	vst v6;
	v50 =	vld [tilespmem:$0x750];
	v5 =	vadd.s32 $0x59EF, v28;
	v6 =	vmul.u32 v61, v63;
	v27 =	vsel vm9, v60, v27  }
0x91: {  	v44 =	vld [tilespmem:$0x610];
	v29 =	vsel vm9, $0x13, v29;
	v60 =	vsub.s32 $0x1, v40;
	vm10 =	vgt.f32 v62, v27  }
0x92: {  	[tilespmem:$0xA00] =	vst v3;
	v46 =	vld [tilespmem:$0x650];
	v3 =	vmul.u32 v55, v56;
	v48 =	vsub.s32 $0x1, v56;
	v25 =	vsel vm10, v62, v27  }
0x93: {  	v47 =	vld [tilespmem:$0xD0];
	v29 =	vsel vm10, $0x14, v29;
	v62 =	vsub.s32 $0x1, v49;
	v49 =	vsub.s32 $0x1, v59  }
0x94: {  	[tilespmem:$0xA20] =	vst v8;
	v61 =	vld [tilespmem:$0x150];
	v8 =	vmul.u32 $0x3E8, v48;
	vm11 =	vgt.f32 v42, v25;
	v43 =	vmul.u32 $0x3E8, v62  }
0x95: {  	v56 =	vld [tilespmem:$0x790];
	v51 =	vmul.u32 $0x3E8, v49;
	v62 =	vsub.s32 $0x1, v50;
	v25 =	vsel vm11, v42, v25  }
0x96: {  	v40 =	vld [tilespmem:$0x7F0];
	v29 =	vsel vm11, $0x15, v29;
	v3 =	vadd.s32 v8, v3;
	v8 =	vsub.s32 $0x1, v63  }
0x97: {  	[tilespmem:$0xAA0] =	vst v12;
	v48 =	vld [tilespmem:$0x1D0];
	v12 =	vmul.u32 $0x3E8, v62;
	vm12 =	vgt.f32 v44, v25;
	v30 =	vadd.s32 v30, v43  }
0x98: {  	v49 =	vld [tilespmem:$0x850];
	v8 =	vmul.u32 $0x3E8, v8;
	v33 =	vsel vm12, v44, v25;
	v29 =	vsel vm12, $0x16, v29  }
0x99: {  	v63 =	vld [tilespmem:$0x7D0];
	v25 =	vadd.s32 $0x5606, v26;
	v26 =	vadd.s32 v36, v53;
	v36 =	vmul.u32 $0x3E8, v57  }
0x9a: {  	[tilespmem:$0x9E0] =	vst v4;
	v52 =	vld [tilespmem:$0xF0];
	v42 =	vsub.s32 $0x1, v56;
	vm13 =	vgt.f32 v45, v33;
	v26 =	vadd.s32 $0x5DD8, v26  }
0x9b: {  	[tilespmem:$0xB60] =	vst v16;
	v58 =	vld [tilespmem:$0x70];
	v6 =	vadd.s32 v8, v6;
	v16 =	vmul.u32 $0x3E8, v42;
	v54 =	vsel vm13, v45, v33  }
0x9c: {  	[tilespmem:$0xAC0] =	vst v11;
	v53 =	vld [tilespmem:$0x770];
	v29 =	vsel vm13, $0x17, v29;
	v4 =	vadd.s32 v36, v34;
	v36 =	vmul.u32 v47, v50  }
0x9d: {  	[tilespmem:$0xBC0] =	vst v19;
	v50 =	vmul.u32 v38, v40;
	v19 =	vmul.u32 v48, v49;
	v38 =	vld [tilespmem:$0x910];
	vm14 =	vgt.f32 v46, v54  }
0x9e: {  	[tilespmem:$0xB00] =	vst v15;
	v4 =	vadd.s32 $0x61C1, v4;
	v11 =	vmul.u32 v61, v63;
	v15 =	vsub.s32 $0x1, v63;
	v61 =	vld [tilespmem:$0x250]  }
0x9f: {  	v63 =	vld [tilespmem:$0x8D0];
	v27 =	vsel vm14, v46, v54;
	v29 =	vsel vm14, $0x18, v29;
	v12 =	vadd.s32 v12, v36  }
0xa0: {  	v46 =	vld [tilespmem:$0x730];
	v15 =	vmul.u32 $0x3E8, v15;
	vm15 =	vgt.f32 v39, v27;
	v27 =	vmul.u32 v58, v59  }
0xa1: {  	[tilespmem:$0xD00] =	vst v1;
	v44 =	vld [tilespmem:$0xB0];
	v39 =	vmul.u32 v52, v53;
	v2 =	vsel vm15, $0x19, v29;
	v29 =	vmul.u32 $0x3E8, v60  }
0xa2: {  	[tilespmem:$0xA60] =	vst v7;
	v54 =	vld [tilespmem:$0x110];
	v1 =	vmul.u32 $0x65AA, v2;
	v7 =	vadd.s32 v51, v27;
	v51 =	vsub.s32 $0x1, v40  }
0xa3: {  	v45 =	vadd.s32 v29, v37;
	v37 =	vsub.s32 $0x1, v53;
	v53 =	vmul.u32 $0x3E8, v51  }
0xa4: {  	[tilespmem:$0xA40] =	vst v9;
	v8 =	vld [tilespmem:$0x7B0];
	v42 =	vmul.u32 v61, v63;
	v51 =	vsub.s32 $0x1, v38;
	v28 =	vadd.s32 v1, v45  }
0xa5: {  	[tilespmem:$0xAE0] =	vst v10;
	v59 =	vld [tilespmem:$0x130];
	v9 =	vadd.s32 v1, v30;
	v55 =	vsub.s32 $0x1, v46;
	v3 =	vadd.s32 v1, v3  }
0xa6: {  	[tilespmem:$0xB20] =	vst v13;
	v57 =	vmul.u32 v44, v46;
	v7 =	vadd.s32 v1, v7;
	v6 =	vadd.s32 v1, v6  }
0xa7: {  	[tilespmem:$0xB40] =	vst v14;
	v36 =	vld [tilespmem:$0x290];
	v29 =	vmul.u32 $0x3E8, v37;
	v41 =	vmul.u32 v54, v56;
	v12 =	vadd.s32 v1, v12  }
0xa8: {  	[tilespmem:$0xBE0] =	vst v20;
	v32 =	vld [tilespmem:$0x270];
	v11 =	vadd.s32 v11, v1;
	v20 =	vadd.s32 v50, v1;
	v28 =	vadd.s32 $0x3E9, v28  }
0xa9: {  	[tilespmem:$0xB80] =	vst v17;
	v43 =	vld [tilespmem:$0x190];
	v58 =	vmul.u32 $0x3E8, v55;
	v3 =	vadd.s32 $0x7D2, v3;
	v7 =	vadd.s32 $0xBBB, v7  }
0xaa: {  	[tilespmem:$0xBA0] =	vst v18;
	v47 =	vld [tilespmem:$0x830];
	v6 =	vadd.s32 $0xFA4, v6;
	v45 =	vmul.u32 v59, v8;
	v8 =	vsub.s32 $0x1, v8  }
0xab: {  	[tilespmem:$0xC00] =	vst v21;
	v34 =	vld [tilespmem:$0x8F0];
	v12 =	vadd.s32 $0x1776, v12;
	v11 =	vadd.s32 v15, v11;
	v15 =	vadd.s32 v53, v20  }
0xac: {  	[tilespmem:$0xC20] =	vst v22;
	v52 =	vld [tilespmem:$0x1F0];
	v53 =	vmul.u32 v36, v38;
	v14 =	vadd.s32 v29, v39;
	v13 =	vadd.s32 v41, v1  }
0xad: {  	[tilespmem:$0xD10] =	vst v2;
	v44 =	vld [tilespmem:$0x810];
	v8 =	vmul.u32 $0x3E8, v8;
	v2 =	vadd.s32 $0x271A, v11;
	v29 =	vadd.s32 v19, v1  }
0xae: {  	[tilespmem:$0xC40] =	vst v23;
	v46 =	vld [tilespmem:$0x1B0];
	v15 =	vadd.s32 $0x2B03, v15;
	v11 =	vmul.u32 $0x3E8, v51;
	v60 =	vadd.s32 v58, v57  }
0xaf: {  	[tilespmem:$0xC60] =	vst v24;
	v54 =	vld [tilespmem:$0x870];
	v13 =	vadd.s32 v16, v13;
	v18 =	vadd.s32 v45, v1;
	v14 =	vadd.s32 v1, v14  }
0xb0: {  	[tilespmem:$0xCA0] =	vst v5;
	v16 =	vsub.s32 $0x1, v47;
	v45 =	vmul.u32 v32, v34;
	v10 =	vadd.s32 v1, v60  }
0xb1: {  	[tilespmem:$0xC80] =	vst v25;
	v8 =	vadd.s32 v8, v18;
	v14 =	vadd.s32 $0x1B5F, v14;
	v13 =	vadd.s32 $0x1F48, v13  }
0xb2: {  	[tilespmem:$0xCC0] =	vst v26;
	v40 =	vld [tilespmem:$0x2B0];
	v16 =	vmul.u32 $0x3E8, v16;
	v18 =	vsub.s32 $0x1, v49;
	v10 =	vadd.s32 $0x138D, v10  }
0xb3: {  	[tilespmem:$0xCE0] =	vst v4;
	v56 =	vld [tilespmem:$0x210];
	v55 =	vmul.u32 v43, v44;
	v17 =	vsub.s32 $0x1, v44;
	v58 =	vmul.u32 v46, v47  }
0xb4: {  	[tilespmem:$0x9D0] =	vst v9;
	v41 =	vld [tilespmem:$0x930];
	v8 =	vadd.s32 $0x2331, v8;
	v62 =	vmul.u32 $0x3E8, v18;
	v30 =	vmul.u32 v52, v54  }
0xb5: {  	[tilespmem:$0x9F0] =	vst v28;
	v57 =	vld [tilespmem:$0x890];
	v31 =	vsub.s32 $0x1, v54;
	v44 =	vsub.s32 $0x1, v63;
	v46 =	vsub.s32 $0x1, v34  }
0xb6: {  	v59 =	vld [tilespmem:$0x230];
	[tilespmem:$0xA10] =	vst v3;
	v50 =	vadd.s32 v45, v1;
	v17 =	vmul.u32 $0x3E8, v17;
	v33 =	vmul.u32 $0x3E8, v31  }
0xb7: {  	v60 =	vld [tilespmem:$0x8B0];
	v48 =	vmul.u32 $0x3E8, v44;
	v49 =	vmul.u32 $0x3E8, v46;
	[tilespmem:$0xAF0] =	vst v8;
	v8 =	vadd.s32 v42, v1  }
0xb8: {  	[tilespmem:$0xA30] =	vst v7;
	v5 =	vadd.s32 v55, v1;
	v4 =	vadd.s32 v58, v1;
	v9 =	vadd.s32 v62, v29  }
0xb9: {  	[tilespmem:$0xA50] =	vst v6;
	v3 =	vadd.s32 v30, v1;
	v54 =	vmul.u32 v40, v41;
	v5 =	vadd.s32 v17, v5  }
0xba: {  	[tilespmem:$0xA90] =	vst v12;
	v43 =	vld [tilespmem:$0x2D0];
	v4 =	vadd.s32 v16, v4;
	v35 =	vmul.u32 v56, v57;
	v20 =	vsub.s32 $0x1, v57  }
0xbb: {  	[tilespmem:$0xB10] =	vst v2;
	v47 =	vld [tilespmem:$0x950];
	v3 =	vadd.s32 v33, v3;
	v9 =	vadd.s32 $0x36BE, v9;
	v2 =	vadd.s32 v48, v8  }
0xbc: {  	[tilespmem:$0xB30] =	vst v15;
	v8 =	vadd.s32 v49, v50;
	v7 =	vmul.u32 $0x3E8, v20;
	v37 =	vmul.u32 v59, v60  }
0xbd: {  	[tilespmem:$0xAB0] =	vst v14;
	v17 =	vsub.s32 $0x1, v60;
	v5 =	vadd.s32 $0x2EEC, v5;
	v4 =	vadd.s32 $0x32D5, v4  }
0xbe: {  	[tilespmem:$0xAD0] =	vst v13;
	v62 =	vld [tilespmem:$0x9B0];
	v3 =	vadd.s32 $0x3AA7, v3;
	v60 =	vadd.s32 v54, v1;
	v2 =	vadd.s32 $0x4662, v2  }
0xbf: {  	v52 =	vld [tilespmem:$0x2F0];
	v6 =	vadd.s32 v35, v1;
	v39 =	vmul.u32 $0x3E8, v17;
	[tilespmem:$0xB50] =	vst v5;
	v5 =	vsub.s32 $0x1, v41  }
0xc0: {  	v55 =	vld [tilespmem:$0x970];
	v56 =	vmul.u32 v43, v47;
	v57 =	vsub.s32 $0x1, v47;
	[tilespmem:$0xB70] =	vst v4;
	v4 =	vadd.s32 v53, v1  }
0xc1: {  	[tilespmem:$0xA70] =	vst v10;
	v58 =	vld [tilespmem:$0x310];
	v6 =	vadd.s32 v7, v6;
	v7 =	vadd.s32 v37, v1;
	v5 =	vmul.u32 $0x3E8, v5  }
0xc2: {  	v59 =	vld [tilespmem:$0x990];
	[tilespmem:$0xB90] =	vst v9;
	v12 =	vmul.u32 $0x3E8, v57;
	v4 =	vadd.s32 v11, v4;
	v7 =	vadd.s32 v39, v7  }
0xc3: {  	v61 =	vld [tilespmem:$0x330];
	[tilespmem:$0xBB0] =	vst v3;
	v10 =	vadd.s32 v56, v1;
	v4 =	vadd.s32 $0x4E34, v4;
	v9 =	vsub.s32 $0x1, v62  }
0xc4: {  	[tilespmem:$0xC10] =	vst v2;
	v3 =	vadd.s32 v5, v60;
	v5 =	vadd.s32 $0x3E90, v6;
	v6 =	vadd.s32 v12, v10  }
0xc5: {  	[tilespmem:$0xBD0] =	vst v5;
	v5 =	vadd.s32 $0x4279, v7;
	v7 =	vadd.s32 $0x4A4B, v8;
	v8 =	vsub.s32 $0x1, v55  }
0xc6: {  	v2 =	vadd.s32 $0x521D, v3;
	v3 =	vadd.s32 $0x5606, v6;
	[tilespmem:$0xBF0] =	vst v5;
	v5 =	vmul.u32 v52, v55  }
0xc7: {  	v6 =	vmul.u32 $0x3E8, v8;
	[tilespmem:$0xC30] =	vst v7;
	v7 =	vmul.u32 v58, v59;
	v8 =	vsub.s32 $0x1, v59  }
0xc8: {  	[tilespmem:$0xC50] =	vst v4;
	v4 =	vmul.u32 $0x3E8, v8;
	v8 =	vmul.u32 v61, v62;
	v5 =	vadd.s32 v5, v1  }
0xc9: {  	[tilespmem:$0xC70] =	vst v2;
	v2 =	vadd.s32 v6, v5;
	v5 =	vadd.s32 v7, v1;
	v6 =	vmul.u32 $0x3E8, v9  }
0xca: {  	[tilespmem:$0xC90] =	vst v3;
	v1 =	vadd.s32 v8, v1;
	v2 =	vadd.s32 $0x59EF, v2;
	v3 =	vadd.s32 v4, v5  }
0xcb: {  	[tilespmem:$0xCB0] =	vst v2;
	v2 =	vadd.s32 $0x5DD8, v3;
	v1 =	vadd.s32 v6, v1  }
0xcc: {  	[tilespmem:$0xCD0] =	vst v2;
	v1 =	vadd.s32 $0x61C1, v1  }
0xcd: {  	s18 =	simm.s32 $0x9C0;
	s17 =	simm.s32 $0xD20;
	[tilespmem:$0xCF0] =	vst v1  }
0xce: {  	[tilespmem:s17], [sflag:$0x1] =	stream.indirect.gather [hbm4b:s2+s11], $0x20, s18, s11, $0xb8;
	[tilespmem:$0x7D20] =	vst v63  }
0xcf: {  	s17 =	simm.s32 $0x9E0;
	s18 =	simm.s32 $0x1120  }
0xd0: {  	[tilespmem:s18], [sflag:$0x1] =	stream.indirect.gather [hbm4b:s2+s11], $0x20, s17, s11, $0xb8;
	[tilespmem:$0x7D20] =	vst v63  }
0xd1: {  	s17 =	simm.s32 $0xA00;
	s18 =	simm.s32 $0x1520  }
0xd2: {  	[tilespmem:s18], [sflag:$0x1] =	stream.indirect.gather [hbm4b:s2+s11], $0x20, s17, s11, $0xb8;
	[tilespmem:$0x7D20] =	vst v63  }
0xd3: {  	s17 =	simm.s32 $0xA20;
	s18 =	simm.s32 $0x1920  }
0xd4: {  	[tilespmem:s18], [sflag:$0x1] =	stream.indirect.gather [hbm4b:s2+s11], $0x20, s17, s11, $0xb8;
	[tilespmem:$0x7D20] =	vst v63  }
0xd5: {  	s17 =	simm.s32 $0xA40;
	s18 =	simm.s32 $0x1D20  }
0xd6: {  	[tilespmem:s18], [sflag:$0x1] =	stream.indirect.gather [hbm4b:s2+s11], $0x20, s17, s11, $0xb8;
	[tilespmem:$0x7D20] =	vst v63  }
0xd7: {  	s17 =	simm.s32 $0xA60;
	s18 =	simm.s32 $0x2120  }
0xd8: {  	[tilespmem:s18], [sflag:$0x1] =	stream.indirect.gather [hbm4b:s2+s11], $0x20, s17, s11, $0xb8;
	[tilespmem:$0x7D20] =	vst v63  }
0xd9: {  	s17 =	simm.s32 $0xA80;
	s18 =	simm.s32 $0x2520  }
0xda: {  	[tilespmem:s18], [sflag:$0x1] =	stream.indirect.gather [hbm4b:s2+s11], $0x20, s17, s11, $0xb8;
	[tilespmem:$0x7D20] =	vst v63  }
0xdb: {  	s17 =	simm.s32 $0xAA0;
	s18 =	simm.s32 $0x2920  }
0xdc: {  	[tilespmem:s18], [sflag:$0x1] =	stream.indirect.gather [hbm4b:s2+s11], $0x20, s17, s11, $0xb8;
	[tilespmem:$0x7D20] =	vst v63  }
0xdd: {  	s17 =	simm.s32 $0xAC0;
	s18 =	simm.s32 $0x2D20  }
0xde: {  	[tilespmem:s18], [sflag:$0x1] =	stream.indirect.gather [hbm4b:s2+s11], $0x20, s17, s11, $0xb8;
	[tilespmem:$0x7D20] =	vst v63  }
0xdf: {  	s17 =	simm.s32 $0xAE0;
	s18 =	simm.s32 $0x3120  }
0xe0: {  	[tilespmem:s18], [sflag:$0x1] =	stream.indirect.gather [hbm4b:s2+s11], $0x20, s17, s11, $0xb8;
	[tilespmem:$0x7D20] =	vst v63  }
0xe1: {  	s17 =	simm.s32 $0xB00;
	s18 =	simm.s32 $0x3520  }
0xe2: {  	[tilespmem:s18], [sflag:$0x1] =	stream.indirect.gather [hbm4b:s2+s11], $0x20, s17, s11, $0xb8;
	[tilespmem:$0x7D20] =	vst v63  }
0xe3: {  	s17 =	simm.s32 $0xB20;
	s18 =	simm.s32 $0x3920  }
0xe4: {  	[tilespmem:s18], [sflag:$0x1] =	stream.indirect.gather [hbm4b:s2+s11], $0x20, s17, s11, $0xb8;
	[tilespmem:$0x7D20] =	vst v63  }
0xe5: {  	s17 =	simm.s32 $0xB40;
	s18 =	simm.s32 $0x3D20  }
0xe6: {  	[tilespmem:s18], [sflag:$0x1] =	stream.indirect.gather [hbm4b:s2+s11], $0x20, s17, s11, $0xb8;
	[tilespmem:$0x7D20] =	vst v63  }
0xe7: {  	s17 =	simm.s32 $0xB60;
	s18 =	simm.s32 $0x4120  }
0xe8: {  	[tilespmem:s18], [sflag:$0x1] =	stream.indirect.gather [hbm4b:s2+s11], $0x20, s17, s11, $0xb8;
	[tilespmem:$0x7D20] =	vst v63  }
0xe9: {  	s17 =	simm.s32 $0xB80;
	s18 =	simm.s32 $0x4520  }
0xea: {  	[tilespmem:s18], [sflag:$0x1] =	stream.indirect.gather [hbm4b:s2+s11], $0x20, s17, s11, $0xb8;
	[tilespmem:$0x7D20] =	vst v63  }
0xeb: {  	s17 =	simm.s32 $0xBA0;
	s18 =	simm.s32 $0x4920  }
0xec: {  	[tilespmem:s18], [sflag:$0x1] =	stream.indirect.gather [hbm4b:s2+s11], $0x20, s17, s11, $0xb8;
	[tilespmem:$0x7D20] =	vst v63  }
0xed: {  	s17 =	simm.s32 $0xBC0;
	s18 =	simm.s32 $0x4D20  }
0xee: {  	[tilespmem:s18], [sflag:$0x1] =	stream.indirect.gather [hbm4b:s2+s11], $0x20, s17, s11, $0xb8;
	[tilespmem:$0x7D20] =	vst v63  }
0xef: {  	s17 =	simm.s32 $0xBE0;
	s18 =	simm.s32 $0x5120  }
0xf0: {  	[tilespmem:s18], [sflag:$0x1] =	stream.indirect.gather [hbm4b:s2+s11], $0x20, s17, s11, $0xb8;
	[tilespmem:$0x7D20] =	vst v63  }
0xf1: {  	s17 =	simm.s32 $0xC00;
	s18 =	simm.s32 $0x5520  }
0xf2: {  	[tilespmem:s18], [sflag:$0x1] =	stream.indirect.gather [hbm4b:s2+s11], $0x20, s17, s11, $0xb8;
	[tilespmem:$0x7D20] =	vst v63  }
0xf3: {  	s17 =	simm.s32 $0xC20;
	s18 =	simm.s32 $0x5920  }
0xf4: {  	[tilespmem:s18], [sflag:$0x1] =	stream.indirect.gather [hbm4b:s2+s11], $0x20, s17, s11, $0xb8;
	[tilespmem:$0x7D20] =	vst v63  }
0xf5: {  	s18 =	simm.s32 $0xC40  }
0xf6: {  	[tilespmem:s19], [sflag:$0x1] =	stream.indirect.gather [hbm4b:s2+s11], $0x20, s18, s11, $0xb8;
	[tilespmem:$0x7D20] =	vst v63  }
0xf7: {  	_ = 	snop  }
0xf8: {  	[tilespmem:s21], [sflag:$0x1] =	stream.indirect.gather [hbm4b:s2+s11], $0x20, s20, s11, $0xb8;
	[tilespmem:$0x7D20] =	vst v63  }
0xf9: {  	_ = 	snop  }
0xfa: {  	[tilespmem:s23], [sflag:$0x1] =	stream.indirect.gather [hbm4b:s2+s11], $0x20, s22, s11, $0xb8;
	[tilespmem:$0x7D20] =	vst v63  }
0xfb: {  	_ = 	snop  }
0xfc: {  	[tilespmem:s25], [sflag:$0x1] =	stream.indirect.gather [hbm4b:s2+s11], $0x20, s24, s11, $0xb8;
	[tilespmem:$0x7D20] =	vst v63  }
0xfd: {  	_ = 	snop  }
0xfe: {  	[tilespmem:s28], [sflag:$0x1] =	stream.indirect.gather [hbm4b:s2+s11], $0x20, s26, s11, $0xb8;
	[tilespmem:$0x7D20] =	vst v63  }
0xff: {  	_ = 	snop  }
0x100: {  	[tilespmem:s30], [sflag:$0x1] =	stream.indirect.gather [hbm4b:s2+s11], $0x20, s29, s11, $0xb8;
	[tilespmem:$0x7D20] =	vst v63  }
0x101: {  	_ = 	snop  }
0x102: {  	[tilespmem:s0], [sflag:$0x1] =	stream.indirect.gather [hbm4b:s4+s11], $0x20, s31, s11, $0xb8;
	[tilespmem:$0x7D20] =	vst v63  }
0x103: {  	_ =	swait.ge [sflag:s1], $0x400  }
0x104: {  	[sflag:s1] =	ssyncset.done $0x0  }
0x105: {  	[sflag:s1] =	ssyncadd.s32 $0xFFFFFC00  }
0x106: {  	_ =	swait.ge [sflag:s1], $0x400  }
0x107: {  	[sflag:s1] =	ssyncset.done $0x0  }
0x108: {  	[sflag:s1] =	ssyncadd.s32 $0xFFFFFC00  }
0x109: {  	_ =	swait.ge [sflag:s1], $0x400  }
0x10a: {  	[sflag:s1] =	ssyncset.done $0x0  }
0x10b: {  	[sflag:s1] =	ssyncadd.s32 $0xFFFFFC00  }
0x10c: {  	_ =	swait.ge [sflag:s1], $0x400  }
0x10d: {  	[sflag:s1] =	ssyncset.done $0x0  }
0x10e: {  	[sflag:s1] =	ssyncadd.s32 $0xFFFFFC00  }
0x10f: {  	_ =	swait.ge [sflag:s1], $0x400  }
0x110: {  	[sflag:s1] =	ssyncset.done $0x0  }
0x111: {  	[sflag:s1] =	ssyncadd.s32 $0xFFFFFC00  }
0x112: {  	_ =	swait.ge [sflag:s1], $0x400  }
0x113: {  	[sflag:s1] =	ssyncset.done $0x0  }
0x114: {  	[sflag:s1] =	ssyncadd.s32 $0xFFFFFC00  }
0x115: {  	_ =	swait.ge [sflag:s1], $0x400  }
0x116: {  	[sflag:s1] =	ssyncset.done $0x0  }
0x117: {  	[sflag:s1] =	ssyncadd.s32 $0xFFFFFC00  }
0x118: {  	_ =	swait.ge [sflag:s1], $0x400  }
0x119: {  	[sflag:s1] =	ssyncset.done $0x0  }
0x11a: {  	[sflag:s1] =	ssyncadd.s32 $0xFFFFFC00  }
0x11b: {  	_ =	swait.ge [sflag:s1], $0x400  }
0x11c: {  	[sflag:s1] =	ssyncset.done $0x0  }
0x11d: {  	[sflag:s1] =	ssyncadd.s32 $0xFFFFFC00  }
0x11e: {  	_ =	swait.ge [sflag:s1], $0x400  }
0x11f: {  	[sflag:s1] =	ssyncset.done $0x0  }
0x120: {  	[sflag:s1] =	ssyncadd.s32 $0xFFFFFC00  }
0x121: {  	_ =	swait.ge [sflag:s1], $0x400  }
0x122: {  	[sflag:s1] =	ssyncset.done $0x0  }
0x123: {  	[sflag:s1] =	ssyncadd.s32 $0xFFFFFC00  }
0x124: {  	_ =	swait.ge [sflag:s1], $0x400  }
0x125: {  	[sflag:s1] =	ssyncset.done $0x0  }
0x126: {  	[sflag:s1] =	ssyncadd.s32 $0xFFFFFC00  }
0x127: {  	_ =	swait.ge [sflag:s1], $0x400  }
0x128: {  	[sflag:s1] =	ssyncset.done $0x0  }
0x129: {  	[sflag:s1] =	ssyncadd.s32 $0xFFFFFC00  }
0x12a: {  	_ =	swait.ge [sflag:s1], $0x400  }
0x12b: {  	[sflag:s1] =	ssyncset.done $0x0  }
0x12c: {  	[sflag:s1] =	ssyncadd.s32 $0xFFFFFC00  }
0x12d: {  	_ =	swait.ge [sflag:s1], $0x400  }
0x12e: {  	[sflag:s1] =	ssyncset.done $0x0  }
0x12f: {  	[sflag:s1] =	ssyncadd.s32 $0xFFFFFC00  }
0x130: {  	_ =	swait.ge [sflag:s1], $0x400  }
0x131: {  	[sflag:s1] =	ssyncset.done $0x0  }
0x132: {  	[sflag:s1] =	ssyncadd.s32 $0xFFFFFC00  }
0x133: {  	_ =	swait.ge [sflag:s1], $0x400  }
0x134: {  	[sflag:s1] =	ssyncset.done $0x0  }
0x135: {  	[sflag:s1] =	ssyncadd.s32 $0xFFFFFC00  }
0x136: {  	_ =	swait.ge [sflag:s1], $0x400  }
0x137: {  	[sflag:s1] =	ssyncset.done $0x0  }
0x138: {  	[sflag:s1] =	ssyncadd.s32 $0xFFFFFC00  }
0x139: {  	_ =	swait.ge [sflag:s1], $0x400  }
0x13a: {  	[sflag:s1] =	ssyncset.done $0x0  }
0x13b: {  	[sflag:s1] =	ssyncadd.s32 $0xFFFFFC00  }
0x13c: {  	_ =	swait.ge [sflag:s1], $0x400  }
0x13d: {  	[sflag:s1] =	ssyncset.done $0x0  }
0x13e: {  	[sflag:s1] =	ssyncadd.s32 $0xFFFFFC00  }
0x13f: {  	_ =	swait.ge [sflag:s1], $0x400  }
0x140: {  	[sflag:s1] =	ssyncset.done $0x0  }
0x141: {  	[sflag:s1] =	ssyncadd.s32 $0xFFFFFC00  }
0x142: {  	_ =	swait.ge [sflag:s1], $0x400  }
0x143: {  	[sflag:s1] =	ssyncset.done $0x0  }
0x144: {  	[sflag:s1] =	ssyncadd.s32 $0xFFFFFC00  }
0x145: {  	_ =	swait.ge [sflag:s1], $0x400  }
0x146: {  	[sflag:s1] =	ssyncset.done $0x0  }
0x147: {  	[sflag:s1] =	ssyncadd.s32 $0xFFFFFC00  }
0x148: {  	_ =	swait.ge [sflag:s1], $0x400  }
0x149: {  	[sflag:s1] =	ssyncset.done $0x0  }
0x14a: {  	[sflag:s1] =	ssyncadd.s32 $0xFFFFFC00  }
0x14b: {  	_ =	swait.ge [sflag:s1], $0x400  }
0x14c: {  	[sflag:s1] =	ssyncset.done $0x0  }
0x14d: {  	[sflag:s1] =	ssyncadd.s32 $0xFFFFFC00  }
0x14e: {  	_ =	swait.ge [sflag:s1], $0x400  }
0x14f: {  	[sflag:s1] =	ssyncset.done $0x0  }
0x150: {  	[sflag:s1] =	ssyncadd.s32 $0xFFFFFC00  }
0x151: {  	_ =	swait.ge [sflag:s1], $0x400  }
0x152: {  	[sflag:s1] =	ssyncset.done $0x0  }
0x153: {  	s16 =	simm.s32 $0x0;
	[sflag:s1] =	ssyncadd.s32 $0xFFFFFC00  }
0x154: {  	v1 =	vld [tilespmem:s16+$0xD30]  }
0x155: {  	v2 =	vld [tilespmem:s16+$0xD20]  }
0x156: {  	v3 =	vld [tilespmem:s16+$0x1130]  }
0x157: {  	v4 =	vld [tilespmem:s16+$0x1120]  }
0x158: {  	v5 =	vld [tilespmem:s16+$0x1530]  }
0x159: {  	v6 =	vld [tilespmem:s16+$0x1520];
	v1 =	vadd.f32 $0.0e+00, v1  }
0x15a: {  	v7 =	vld [tilespmem:s16+$0x1930];
	v2 =	vadd.f32 $0.0e+00, v2  }
0x15b: {  	v1 =	vadd.f32 v3, v1;
	v3 =	vld [tilespmem:s16+$0x1920]  }
0x15c: {  	v8 =	vld [tilespmem:s16+$0x1D30];
	v2 =	vadd.f32 v4, v2  }
0x15d: {  	v4 =	vld [tilespmem:s16+$0x1D20];
	v1 =	vadd.f32 v5, v1  }
0x15e: {  	v5 =	vld [tilespmem:s16+$0x2130];
	v2 =	vadd.f32 v6, v2  }
0x15f: {  	v6 =	vld [tilespmem:s16+$0x2120];
	v1 =	vadd.f32 v7, v1  }
0x160: {  	v7 =	vld [tilespmem:s16+$0x2530];
	v2 =	vadd.f32 v3, v2  }
0x161: {  	v3 =	vld [tilespmem:s16+$0x2520];
	v1 =	vadd.f32 v8, v1  }
0x162: {  	v8 =	vld [tilespmem:s16+$0x2930];
	v2 =	vadd.f32 v4, v2  }
0x163: {  	v4 =	vld [tilespmem:s16+$0x2920];
	v1 =	vadd.f32 v5, v1  }
0x164: {  	v5 =	vld [tilespmem:s16+$0x2D30];
	v2 =	vadd.f32 v6, v2  }
0x165: {  	v6 =	vld [tilespmem:s16+$0x2D20];
	v1 =	vadd.f32 v7, v1  }
0x166: {  	v7 =	vld [tilespmem:s16+$0x3130];
	v2 =	vadd.f32 v3, v2  }
0x167: {  	v3 =	vld [tilespmem:s16+$0x3120];
	v1 =	vadd.f32 v8, v1  }
0x168: {  	v8 =	vld [tilespmem:s16+$0x3530];
	v2 =	vadd.f32 v4, v2  }
0x169: {  	v4 =	vld [tilespmem:s16+$0x3520];
	v1 =	vadd.f32 v5, v1  }
0x16a: {  	v5 =	vld [tilespmem:s16+$0x3930];
	v2 =	vadd.f32 v6, v2  }
0x16b: {  	v6 =	vld [tilespmem:s16+$0x3920];
	v1 =	vadd.f32 v7, v1  }
0x16c: {  	v7 =	vld [tilespmem:s16+$0x3D30];
	v2 =	vadd.f32 v3, v2  }
0x16d: {  	v3 =	vld [tilespmem:s16+$0x3D20];
	v1 =	vadd.f32 v8, v1  }
0x16e: {  	v8 =	vld [tilespmem:s16+$0x4130];
	v2 =	vadd.f32 v4, v2  }
0x16f: {  	v4 =	vld [tilespmem:s16+$0x4120];
	v1 =	vadd.f32 v5, v1  }
0x170: {  	v5 =	vld [tilespmem:s16+$0x4530];
	v2 =	vadd.f32 v6, v2  }
0x171: {  	v6 =	vld [tilespmem:s16+$0x4520];
	v1 =	vadd.f32 v7, v1  }
0x172: {  	v7 =	vld [tilespmem:s16+$0x4930];
	v2 =	vadd.f32 v3, v2  }
0x173: {  	v3 =	vld [tilespmem:s16+$0x4920];
	v1 =	vadd.f32 v8, v1  }
0x174: {  	v8 =	vld [tilespmem:s16+$0x4D30];
	v2 =	vadd.f32 v4, v2  }
0x175: {  	v4 =	vld [tilespmem:s16+$0x4D20];
	v1 =	vadd.f32 v5, v1  }
0x176: {  	v5 =	vld [tilespmem:s16+$0x5130];
	v2 =	vadd.f32 v6, v2  }
0x177: {  	v6 =	vld [tilespmem:s16+$0x5120];
	v1 =	vadd.f32 v7, v1  }
0x178: {  	v7 =	vld [tilespmem:s16+$0x5530];
	v2 =	vadd.f32 v3, v2  }
0x179: {  	v3 =	vld [tilespmem:s16+$0x5520];
	v1 =	vadd.f32 v8, v1  }
0x17a: {  	v8 =	vld [tilespmem:s16+$0x5930];
	v2 =	vadd.f32 v4, v2  }
0x17b: {  	v4 =	vld [tilespmem:s16+$0x5920];
	v1 =	vadd.f32 v5, v1  }
0x17c: {  	v5 =	vld [tilespmem:s16+$0x5D30];
	v2 =	vadd.f32 v6, v2  }
0x17d: {  	v6 =	vld [tilespmem:s16+$0x5D20];
	v1 =	vadd.f32 v7, v1  }
0x17e: {  	v7 =	vld [tilespmem:s16+$0x6130];
	v2 =	vadd.f32 v3, v2  }
0x17f: {  	v3 =	vld [tilespmem:s16+$0x6120];
	v1 =	vadd.f32 v8, v1  }
0x180: {  	v8 =	vld [tilespmem:s16+$0x6530];
	v2 =	vadd.f32 v4, v2  }
0x181: {  	v1 =	vadd.f32 v5, v1;
	v5 =	vld [tilespmem:s16+$0x6520]  }
0x182: {  	v63 =	vld [tilespmem:s16+$0x6930];
	v4 =	vadd.f32 v6, v2  }
0x183: {  	v6 =	vadd.f32 v7, v1;
	v1 =	vld [tilespmem:s16+$0x6920]  }
0x184: {  	v2 =	vld [tilespmem:s16+$0x6D30];
	v7 =	vadd.f32 v3, v4  }
0x185: {  	v3 =	vld [tilespmem:s16+$0x6D20];
	v8 =	vadd.f32 v8, v6  }
0x186: {  	v4 =	vld [tilespmem:s16+$0x7130];
	v6 =	vadd.f32 v5, v7  }
0x187: {  	s17 =	simm.s32 $0x100;
	s18 =	simm.s32 $0x20;
	v5 =	vld [tilespmem:s16+$0x7120];
	v7 =	vadd.f32 v63, v8  }
.LBB2_2:
0x188: {  	p0 =	sne.s32 s17, $0xF80;
	v8 =	vld [tilespmem:s18+$0xD30];
	v1 =	vadd.f32 v1, v6  }
0x189: {  	v6 =	vld [tilespmem:s18+$0xD20];
	v2 =	vadd.f32 v2, v7  }
0x18a: {  	v7 =	vld [tilespmem:s18+$0x1130];
	v1 =	vadd.f32 v3, v1  }
0x18b: {  	v3 =	vld [tilespmem:s18+$0x1120];
	v2 =	vadd.f32 v4, v2  }
0x18c: {  	v4 =	vld [tilespmem:s18+$0x1530];
	v1 =	vadd.f32 v5, v1  }
0x18d: {  	v5 =	vadd.f32 $0.0e+00, v8;
	v8 =	vld [tilespmem:s18+$0x1520];
	v2 =	vmul.f32 $3.846153990e-02, v2  }
0x18e: {  	v6 =	vadd.f32 $0.0e+00, v6;
	v9 =	vld [tilespmem:s18+$0x1930];
	v1 =	vmul.f32 $3.846153990e-02, v1  }
0x18f: {  	v5 =	vadd.f32 v7, v5;
	v7 =	vld [tilespmem:s18+$0x1920];
	[tilespmem:s16+$0x7530] =	vst v2  }
0x190: {  	v2 =	vadd.f32 v3, v6;
	v3 =	vld [tilespmem:s18+$0x1D30];
	[tilespmem:s16+$0x7520] =	vst v1;
	s16 =	smov.u32 s18  }
0x191: {  	v1 =	vadd.f32 v4, v5;
	v4 =	vld [tilespmem:s16+$0x1D20]  }
0x192: {  	v2 =	vadd.f32 v8, v2;
	v5 =	vld [tilespmem:s16+$0x2130]  }
0x193: {  	v1 =	vadd.f32 v9, v1;
	v6 =	vld [tilespmem:s16+$0x2120]  }
0x194: {  	v2 =	vadd.f32 v7, v2;
	v7 =	vld [tilespmem:s16+$0x2530]  }
0x195: {  	v1 =	vadd.f32 v3, v1;
	v3 =	vld [tilespmem:s16+$0x2520]  }
0x196: {  	v2 =	vadd.f32 v4, v2;
	v4 =	vld [tilespmem:s16+$0x2930]  }
0x197: {  	v1 =	vadd.f32 v5, v1;
	v5 =	vld [tilespmem:s16+$0x2920]  }
0x198: {  	v2 =	vadd.f32 v6, v2;
	v6 =	vld [tilespmem:s16+$0x2D30]  }
0x199: {  	v1 =	vadd.f32 v7, v1;
	v7 =	vld [tilespmem:s16+$0x2D20]  }
0x19a: {  	v2 =	vadd.f32 v3, v2;
	v3 =	vld [tilespmem:s16+$0x3130]  }
0x19b: {  	v1 =	vadd.f32 v4, v1;
	v4 =	vld [tilespmem:s16+$0x3120]  }
0x19c: {  	v2 =	vadd.f32 v5, v2;
	v5 =	vld [tilespmem:s16+$0x3530]  }
0x19d: {  	v1 =	vadd.f32 v6, v1;
	v6 =	vld [tilespmem:s16+$0x3520]  }
0x19e: {  	v2 =	vadd.f32 v7, v2;
	v7 =	vld [tilespmem:s16+$0x3930]  }
0x19f: {  	v1 =	vadd.f32 v3, v1;
	v3 =	vld [tilespmem:s16+$0x3920]  }
0x1a0: {  	v2 =	vadd.f32 v4, v2;
	v4 =	vld [tilespmem:s16+$0x3D30]  }
0x1a1: {  	v1 =	vadd.f32 v5, v1;
	v5 =	vld [tilespmem:s16+$0x3D20]  }
0x1a2: {  	v2 =	vadd.f32 v6, v2;
	v6 =	vld [tilespmem:s16+$0x4130]  }
0x1a3: {  	v1 =	vadd.f32 v7, v1;
	v7 =	vld [tilespmem:s16+$0x4120]  }
0x1a4: {  	v2 =	vadd.f32 v3, v2;
	v3 =	vld [tilespmem:s16+$0x4530]  }
0x1a5: {  	v1 =	vadd.f32 v4, v1;
	v4 =	vld [tilespmem:s16+$0x4520]  }
0x1a6: {  	v2 =	vadd.f32 v5, v2;
	v5 =	vld [tilespmem:s16+$0x4930]  }
0x1a7: {  	v1 =	vadd.f32 v6, v1;
	v6 =	vld [tilespmem:s16+$0x4920]  }
0x1a8: {  	v2 =	vadd.f32 v7, v2;
	v7 =	vld [tilespmem:s16+$0x4D30]  }
0x1a9: {  	v1 =	vadd.f32 v3, v1;
	v3 =	vld [tilespmem:s16+$0x4D20]  }
0x1aa: {  	v2 =	vadd.f32 v4, v2;
	v4 =	vld [tilespmem:s16+$0x5130]  }
0x1ab: {  	v1 =	vadd.f32 v5, v1;
	v5 =	vld [tilespmem:s16+$0x5120]  }
0x1ac: {  	v2 =	vadd.f32 v6, v2;
	v6 =	vld [tilespmem:s16+$0x5530]  }
0x1ad: {  	v1 =	vadd.f32 v7, v1;
	v7 =	vld [tilespmem:s16+$0x5520]  }
0x1ae: {  	v2 =	vadd.f32 v3, v2;
	v3 =	vld [tilespmem:s16+$0x5930]  }
0x1af: {  	v1 =	vadd.f32 v4, v1;
	v4 =	vld [tilespmem:s16+$0x5920]  }
0x1b0: {  	v2 =	vadd.f32 v5, v2;
	v5 =	vld [tilespmem:s16+$0x5D30]  }
0x1b1: {  	v1 =	vadd.f32 v6, v1;
	v6 =	vld [tilespmem:s16+$0x5D20]  }
0x1b2: {  	v2 =	vadd.f32 v7, v2;
	v7 =	vld [tilespmem:s16+$0x6130]  }
0x1b3: {  	v1 =	vadd.f32 v3, v1;
	v3 =	vld [tilespmem:s16+$0x6120]  }
0x1b4: {  	v2 =	vadd.f32 v4, v2;
	v4 =	vld [tilespmem:s16+$0x6530]  }
0x1b5: {  	v1 =	vadd.f32 v5, v1;
	v5 =	vld [tilespmem:s16+$0x6520]  }
0x1b6: {  	v2 =	vadd.f32 v6, v2;
	v8 =	vld [tilespmem:s16+$0x6930]  }
.Ltmp0:
0x1b7: {  	v6 =	vadd.f32 v7, v1;
	v1 =	vld [tilespmem:s16+$0x6920];
	(pc) =	sbr.rel @p0 .LBB2_2-.Ltmp0, $4  }
0x1b8: {  	v7 =	vadd.f32 v3, v2;
	v2 =	vld [tilespmem:s16+$0x6D30]  }
0x1b9: {  	v9 =	vadd.f32 v4, v6;
	v3 =	vld [tilespmem:s16+$0x6D20]  }
0x1ba: {  	v6 =	vadd.f32 v5, v7;
	v4 =	vld [tilespmem:s16+$0x7130]  }
0x1bb: {  	s18 =	sshra.s32 s17, $0x2;
	s17 =	sadd.s32 $0x80, s17;
	v7 =	vadd.f32 v8, v9;
	v5 =	vld [tilespmem:s16+$0x7120]  }
0x1bc: {  	v8 =	vld [tilespmem:s18+$0xD30]  }
0x1bd: {  	v9 =	vld [tilespmem:s18+$0xD20];
	v1 =	vadd.f32 v1, v6;
	v2 =	vadd.f32 v2, v7  }
0x1be: {  	v25 =	vld [tilespmem:s18+$0x1130]  }
0x1bf: {  	v26 =	vld [tilespmem:s18+$0x1120];
	v1 =	vadd.f32 v3, v1;
	v2 =	vadd.f32 v4, v2  }
0x1c0: {  	v27 =	vld [tilespmem:s18+$0x1520]  }
0x1c1: {  	v3 =	vld [tilespmem:s18+$0x1530];
	v1 =	vadd.f32 v5, v1;
	v2 =	vmul.f32 $3.846153990e-02, v2  }
0x1c2: {  	v28 =	vld [tilespmem:s18+$0x1930];
	v8 =	vadd.f32 $0.0e+00, v8  }
0x1c3: {  	v10 =	vld [tilespmem:s18+$0x1920];
	v1 =	vmul.f32 $3.846153990e-02, v1;
	[tilespmem:s16+$0x7530] =	vst v2;
	v2 =	vadd.f32 $0.0e+00, v9  }
0x1c4: {  	v6 =	vadd.f32 v25, v8  }
0x1c5: {  	v29 =	vld [tilespmem:s18+$0x1D30];
	[tilespmem:s16+$0x7520] =	vst v1;
	v2 =	vadd.f32 v26, v2  }
0x1c6: {  	v1 =	vadd.f32 v3, v6;
	v3 =	vld [tilespmem:s18+$0x1D20]  }
0x1c7: {  	v30 =	vld [tilespmem:s18+$0x2130];
	v2 =	vadd.f32 v27, v2  }
0x1c8: {  	v31 =	vld [tilespmem:s18+$0x2120];
	v1 =	vadd.f32 v28, v1  }
0x1c9: {  	v32 =	vld [tilespmem:s18+$0x2530];
	v2 =	vadd.f32 v10, v2  }
0x1ca: {  	v33 =	vld [tilespmem:s18+$0x2520];
	v1 =	vadd.f32 v29, v1  }
0x1cb: {  	v2 =	vadd.f32 v3, v2;
	v3 =	vld [tilespmem:s18+$0x2930]  }
0x1cc: {  	v34 =	vld [tilespmem:s18+$0x2920];
	v1 =	vadd.f32 v30, v1  }
0x1cd: {  	v35 =	vld [tilespmem:s18+$0x2D30];
	v2 =	vadd.f32 v31, v2  }
0x1ce: {  	v36 =	vld [tilespmem:s18+$0x2D20];
	v1 =	vadd.f32 v32, v1  }
0x1cf: {  	v37 =	vld [tilespmem:s18+$0x3130];
	v2 =	vadd.f32 v33, v2  }
0x1d0: {  	v1 =	vadd.f32 v3, v1;
	v3 =	vld [tilespmem:s18+$0x3120]  }
0x1d1: {  	v38 =	vld [tilespmem:s18+$0x3530];
	v2 =	vadd.f32 v34, v2  }
0x1d2: {  	v39 =	vld [tilespmem:s18+$0x3520];
	v1 =	vadd.f32 v35, v1  }
0x1d3: {  	v40 =	vld [tilespmem:s18+$0x3930];
	v2 =	vadd.f32 v36, v2  }
0x1d4: {  	v41 =	vld [tilespmem:s18+$0x3920];
	v1 =	vadd.f32 v37, v1  }
0x1d5: {  	v2 =	vadd.f32 v3, v2;
	v3 =	vld [tilespmem:s18+$0x3D30]  }
0x1d6: {  	v42 =	vld [tilespmem:s18+$0x3D20];
	v1 =	vadd.f32 v38, v1  }
0x1d7: {  	v43 =	vld [tilespmem:s18+$0x4130];
	v2 =	vadd.f32 v39, v2  }
0x1d8: {  	v44 =	vld [tilespmem:s18+$0x4120];
	v1 =	vadd.f32 v40, v1  }
0x1d9: {  	v45 =	vld [tilespmem:s18+$0x4530];
	v2 =	vadd.f32 v41, v2  }
0x1da: {  	v1 =	vadd.f32 v3, v1;
	v3 =	vld [tilespmem:s18+$0x4520]  }
0x1db: {  	v46 =	vld [tilespmem:s18+$0x4930];
	v2 =	vadd.f32 v42, v2  }
0x1dc: {  	v47 =	vld [tilespmem:s18+$0x4920];
	v1 =	vadd.f32 v43, v1  }
0x1dd: {  	v48 =	vld [tilespmem:s18+$0x4D30];
	v2 =	vadd.f32 v44, v2  }
0x1de: {  	v49 =	vld [tilespmem:s18+$0x4D20];
	v1 =	vadd.f32 v45, v1  }
0x1df: {  	v2 =	vadd.f32 v3, v2;
	v3 =	vld [tilespmem:s18+$0x5130]  }
0x1e0: {  	v50 =	vld [tilespmem:s18+$0x5120];
	v1 =	vadd.f32 v46, v1  }
0x1e1: {  	v51 =	vld [tilespmem:s18+$0x5530];
	v2 =	vadd.f32 v47, v2  }
0x1e2: {  	v52 =	vld [tilespmem:s18+$0x5520];
	v1 =	vadd.f32 v48, v1  }
0x1e3: {  	v53 =	vld [tilespmem:s18+$0x5930];
	v2 =	vadd.f32 v49, v2  }
0x1e4: {  	v1 =	vadd.f32 v3, v1;
	v3 =	vld [tilespmem:s18+$0x5920]  }
0x1e5: {  	v54 =	vld [tilespmem:s18+$0x5D30];
	v2 =	vadd.f32 v50, v2  }
0x1e6: {  	v55 =	vld [tilespmem:s18+$0x5D20];
	v1 =	vadd.f32 v51, v1  }
0x1e7: {  	v56 =	vld [tilespmem:s18+$0x6130];
	v2 =	vadd.f32 v52, v2  }
0x1e8: {  	v57 =	vld [tilespmem:s18+$0x6120];
	v1 =	vadd.f32 v53, v1  }
0x1e9: {  	v2 =	vadd.f32 v3, v2;
	v3 =	vld [tilespmem:s18+$0x6530]  }
0x1ea: {  	v58 =	vld [tilespmem:s18+$0x6520];
	v1 =	vadd.f32 v54, v1  }
0x1eb: {  	v59 =	vld [tilespmem:s18+$0x6930];
	v2 =	vadd.f32 v55, v2  }
0x1ec: {  	v60 =	vld [tilespmem:s18+$0x6920];
	v1 =	vadd.f32 v56, v1  }
0x1ed: {  	v61 =	vld [tilespmem:s18+$0x6D30];
	v2 =	vadd.f32 v57, v2  }
0x1ee: {  	v1 =	vadd.f32 v3, v1;
	v3 =	vld [tilespmem:s18+$0x6D20]  }
0x1ef: {  	v62 =	vld [tilespmem:s18+$0x7130];
	v2 =	vadd.f32 v58, v2  }
0x1f0: {  	v63 =	vld [tilespmem:s18+$0x7120];
	v1 =	vadd.f32 v59, v1  }
0x1f1: {  	v2 =	vadd.f32 v60, v2  }
0x1f2: {  	v1 =	vadd.f32 v61, v1  }
0x1f3: {  	v2 =	vadd.f32 v3, v2  }
0x1f4: {  	v1 =	vadd.f32 v62, v1  }
0x1f5: {  	v2 =	vadd.f32 v63, v2  }
0x1f6: {  	v1 =	vmul.f32 $3.846153990e-02, v1  }
0x1f7: {  	v2 =	vmul.f32 $3.846153990e-02, v2  }
0x1f8: {  	[tilespmem:s18+$0x7530] =	vst v1  }
0x1f9: {  	[tilespmem:s18+$0x7520] =	vst v2  }
0x1fa: {  	[hbm4b:s8+s3] =	stream.linear.scatter [tilespmem:s14], [sflag:$0x2], $0x400, $0x38;
	[tilespmem:$0x7D20] =	vst v63  }
0x1fb: {  	s15 =	sadd.s32 $0x1, s15;
	_ =	swait.ge [sflag:s13], $0x400  }
0x1fc: {  	p0 =	sne.s32 s15, s10;
	[sflag:s13] =	ssyncset.done $0x0  }
.Ltmp1:
0x1fd: {  	[sflag:s13] =	ssyncadd.s32 $0xFFFFFC00;
	(pc) =	sbr.rel @p0 .LBB2_1-.Ltmp1, $4  }
0x1fe: {  	[hbm4b:s9+s3] =	stream.linear.scatter [tilespmem:s0], [sflag:$0x2], $0x400, $0x38;
	[tilespmem:$0x7D20] =	vst v63  }
0x1ff: {  	_ =	swait.ge [sflag:s13], $0x400  }
0x200: {  	[sflag:s13] =	ssyncset.done $0x0  }
0x201: {  	[sflag:s13] =	ssyncadd.s32 $0xFFFFFC00  }
0x202: {  	_ =	sfence.sel $0x180000  }
0x203: {  	[bflag:$0x0] =	sbarrier.arrive $0xFFFF  }
0x204: {  	_ =	strace $0x90000047  }
0x205: {  	s0 =	stileid.u32;
	[bflag:$0x2] =	sbarrier.arrive $0xFFFF  }
0x206: {  	p0 =	sne.s32 s0, $0x0;
	s0 =	rddreg [dreg:$0x2]  }
0x207: {  	s0 =	sadd.s32 @!p0 $0x100000, s0  }
0x208: {  	[sflag:s0] =	ssyncadd.tile.s32 @!p0 $0x1;
	_ =	shalt  }
.Lfunc_end2:
_tile_overlayer_lowered:
.L_overlay_start_2:
0x209: {  	(tag) =	ssettag $0x2  }
0x20a: {  	s0 =	rddreg [dreg:$0x0];
	s2 =	stileid.u32  }
0x20b: {  	s1 =	rddreg [dreg:$0x1];
	p0 =	sne.s32 s2, $0x0  }
0x20c: {  	s3 =	rddreg [dreg:$0x2];
	[bflag:$0x3] =	sbarrier.arrive $0xFFFF;
	s2 =	simm.s32 @!p0 $0x1C02  }
0x20d: {  	[timem:s3], [sflag:s2] =	dma.local @!p0 [hbm:s0], s1  }
0x20e: {  	s0 =	simm.s32 @!p0 $0x2  }
0x20f: {  	_ =	swait.ge @!p0 [sflag:s0], s1  }
0x210: {  	s1 =	ssub.s32 @!p0 $0x0, s1;
	[sflag:s0] =	ssyncset.done @!p0 $0x0  }
0x211: {  	[sflag:s0] =	ssyncadd.s32 @!p0 s1  }
0x212: {  	[bflag:$0x3] =	sbarrier.arrive $0xFFFF  }
0x213: {  	_ =	shalt  }

</sc_bundles>
